<compile_context>
chip_gen: v7x
topology: tpu7x:2x2x1
jax: 0.10.2.dev20260603
libtpu: 0.0.44.dev20260713+nightly
codegen_flags: <defaults>
</compile_context>

<pallas_src>
import functools

import jax
import jax.numpy as jnp
from jax import lax
from jax.experimental import pallas as pl
from jax.experimental.pallas import tpu as pltpu
from jax.experimental.pallas import tpu_sc as plsc

N = 10000
H = 64
FW = 128
NC = 2
NS = 16
NW = NC * NS
SUB = 128
GRP = 16
N_PAD = 10112
STRIP = N_PAD // NS

_MESH = plsc.VectorSubcoreMesh(core_axis_name="c", subcore_axis_name="s")


def _scatter_body(ngroups, u_hbm, src_hbm, dst_hbm, zeros_hbm,
                  p0_hbm, p1_hbm, idx_s, idx_d, rows0, rows1, acc,
                  sem0, sem1):
    c = lax.axis_index("c")
    s = lax.axis_index("s")
    wid = c * NS + s
    pltpu.sync_copy(zeros_hbm.at[pl.ds(s * STRIP, STRIP)],
                    acc.at[pl.ds(s * STRIP, STRIP)])
    plsc.subcore_barrier()

    def drain(buf, sem):
        pltpu.make_async_copy(u_hbm.at[idx_s.at[0]], buf, sem).wait()

    def group(g, carry):
        base = (wid * ngroups + g) * GRP
        pltpu.sync_copy(src_hbm.at[pl.ds(base, GRP)], idx_s)
        pltpu.sync_copy(dst_hbm.at[pl.ds(base, GRP)], idx_d)
        pltpu.async_copy(u_hbm.at[idx_s.at[0]], rows0, sem0)

        def pair(p, carry):
            pltpu.async_copy(u_hbm.at[idx_s.at[2 * p + 1]], rows1, sem1)
            drain(rows0, sem0)
            pltpu.sync_copy(rows0, acc.at[idx_d.at[2 * p]], add=True)
            pltpu.async_copy(u_hbm.at[idx_s.at[2 * p + 2]], rows0, sem0)
            drain(rows1, sem1)
            pltpu.sync_copy(rows1, acc.at[idx_d.at[2 * p + 1]], add=True)
            return carry

        lax.fori_loop(0, GRP // 2 - 1, pair, 0)
        pltpu.async_copy(u_hbm.at[idx_s.at[GRP - 1]], rows1, sem1)
        drain(rows0, sem0)
        pltpu.sync_copy(rows0, acc.at[idx_d.at[GRP - 2]], add=True)
        drain(rows1, sem1)
        pltpu.sync_copy(rows1, acc.at[idx_d.at[GRP - 1]], add=True)
        return carry

    lax.fori_loop(0, ngroups, group, 0)
    plsc.subcore_barrier()

    @pl.when(c == 0)
    def _():
        pltpu.sync_copy(acc.at[pl.ds(s * STRIP, STRIP)],
                        p0_hbm.at[pl.ds(s * STRIP, STRIP)])

    @pl.when(c == 1)
    def _():
        pltpu.sync_copy(acc.at[pl.ds(s * STRIP, STRIP)],
                        p1_hbm.at[pl.ds(s * STRIP, STRIP)])


def _degree_body(ngroups, dst_hbm, zeros_hbm, ones_hbm,
                 d0_hbm, d1_hbm, idx_d, ones_v, acc, sem):
    c = lax.axis_index("c")
    s = lax.axis_index("s")
    wid = c * NS + s
    pltpu.sync_copy(zeros_hbm.at[pl.ds(s * STRIP, STRIP)],
                    acc.at[pl.ds(s * STRIP, STRIP)])
    pltpu.sync_copy(ones_hbm, ones_v)
    plsc.subcore_barrier()

    def group(g, carry):
        base = (wid * ngroups + g) * GRP
        pltpu.sync_copy(dst_hbm.at[pl.ds(base, GRP)], idx_d)

        def chunk(k, carry):
            pltpu.sync_copy(ones_v, acc.at[idx_d.at[k]], add=True)
            return carry

        lax.fori_loop(0, GRP, chunk, 0)
        return carry

    lax.fori_loop(0, ngroups, group, 0)
    plsc.subcore_barrier()

    @pl.when(c == 0)
    def _():
        pltpu.sync_copy(acc.at[pl.ds(s * STRIP, STRIP)],
                        d0_hbm.at[pl.ds(s * STRIP, STRIP)])

    @pl.when(c == 1)
    def _():
        pltpu.sync_copy(acc.at[pl.ds(s * STRIP, STRIP)],
                        d1_hbm.at[pl.ds(s * STRIP, STRIP)])


def _sc_scatter(u, src2d, dst2d, zeros, ngroups):
    f = pl.kernel(
        functools.partial(_scatter_body, ngroups),
        out_type=(jax.ShapeDtypeStruct((N_PAD, FW), jnp.float32),
                  jax.ShapeDtypeStruct((N_PAD, FW), jnp.float32)),
        mesh=_MESH,
        scratch_types=[
            pltpu.VMEM((GRP, SUB), jnp.int32),
            pltpu.VMEM((GRP, SUB), jnp.int32),
            pltpu.VMEM((SUB, FW), jnp.float32),
            pltpu.VMEM((SUB, FW), jnp.float32),
            pltpu.VMEM_SHARED((N_PAD, FW), jnp.float32),
            pltpu.SemaphoreType.DMA,
            pltpu.SemaphoreType.DMA,
        ],
    )
    return f(u, src2d, dst2d, zeros)


def _sc_degree(dst2d, zeros, ones, ngroups):
    f = pl.kernel(
        functools.partial(_degree_body, ngroups),
        out_type=(jax.ShapeDtypeStruct((N_PAD, FW), jnp.float32),
                  jax.ShapeDtypeStruct((N_PAD, FW), jnp.float32)),
        mesh=_MESH,
        scratch_types=[
            pltpu.VMEM((GRP, SUB), jnp.int32),
            pltpu.VMEM((SUB, FW), jnp.float32),
            pltpu.VMEM_SHARED((N_PAD, FW), jnp.float32),
            pltpu.SemaphoreType.DMA,
        ],
    )
    return f(dst2d, zeros, ones)



BLK = 1000


def _tc_first_body(x_ref, w_ref, d0_ref, d1_ref, u_ref, dinv_ref):
    deg = 1.0 + d0_ref[...] + d1_ref[...]
    dinv = lax.rsqrt(deg)
    dinv_ref[...] = dinv
    u_ref[...] = dinv * jnp.dot(x_ref[...], w_ref[...],
                                preferred_element_type=jnp.float32)


def _tc_mid_body(p0_ref, p1_ref, u_ref, dinv_ref, w_ref, b_ref, o_ref):
    dinv = dinv_ref[...]
    h = dinv * (p0_ref[...] + p1_ref[...] + u_ref[...]) + b_ref[...]
    h = jnp.maximum(h, 0.0)
    o_ref[...] = dinv * jnp.dot(h, w_ref[...],
                                preferred_element_type=jnp.float32)


def _tc_final_body(p0_ref, p1_ref, u_ref, dinv_ref, b_ref, o_ref):
    dinv = dinv_ref[...]
    z = dinv * (p0_ref[...] + p1_ref[...] + u_ref[...]) + b_ref[...]
    o_ref[...] = z[:, :H]


def _row_spec(w):
    return pl.BlockSpec((BLK, w), lambda i: (i, 0))


def _full_spec(r, w):
    return pl.BlockSpec((r, w), lambda i: (0, 0))


def _tc_first(xp, w1p, d0, d1):
    return pl.pallas_call(
        _tc_first_body,
        grid=(N // BLK,),
        in_specs=[_row_spec(8), _full_spec(8, FW), _row_spec(FW),
                  _row_spec(FW)],
        out_specs=(_row_spec(FW), _row_spec(FW)),
        out_shape=(jax.ShapeDtypeStruct((N, FW), jnp.float32),
                   jax.ShapeDtypeStruct((N, FW), jnp.float32)),
    )(xp, w1p, d0, d1)


def _tc_mid(p0, p1, u, dinv, w, b2d):
    return pl.pallas_call(
        _tc_mid_body,
        grid=(N // BLK,),
        in_specs=[_row_spec(FW), _row_spec(FW), _row_spec(FW), _row_spec(FW),
                  _full_spec(FW, FW), _full_spec(1, FW)],
        out_specs=_row_spec(FW),
        out_shape=jax.ShapeDtypeStruct((N, FW), jnp.float32),
    )(p0, p1, u, dinv, w, b2d)


def _tc_final(p0, p1, u, dinv, b2d):
    return pl.pallas_call(
        _tc_final_body,
        grid=(N // BLK,),
        in_specs=[_row_spec(FW), _row_spec(FW), _row_spec(FW), _row_spec(FW),
                  _full_spec(1, FW)],
        out_specs=_row_spec(H),
        out_shape=jax.ShapeDtypeStruct((N, H), jnp.float32),
    )(p0, p1, u, dinv, b2d)


def _pad_w(w):
    return jnp.pad(w, ((0, FW - w.shape[0]), (0, FW - w.shape[1])))


def _pad_b(b):
    return jnp.pad(b, (0, FW - b.shape[0])).reshape(1, FW)


def kernel(x, edge_index, W1, b1, W2, b2, W3, b3):
    E = edge_index.shape[1]
    ngroups = -(-E // (NW * GRP * SUB))
    e_pad = ngroups * NW * GRP * SUB
    src = edge_index[0].astype(jnp.int32)
    dst = edge_index[1].astype(jnp.int32)
    npad = e_pad - E
    pad_iota = jnp.arange(npad, dtype=jnp.int32)
    src = jnp.concatenate([src, pad_iota % N])
    dst = jnp.concatenate([dst, N + pad_iota % (N_PAD - N)])
    src2d = src.reshape(e_pad // SUB, SUB)
    dst2d = dst.reshape(e_pad // SUB, SUB)

    zeros = jnp.zeros((N_PAD, FW), jnp.float32)
    ones = jnp.ones((SUB, FW), jnp.float32)
    xp = jnp.pad(x, ((0, 0), (0, 8 - x.shape[1])))
    w1p = jnp.pad(W1, ((0, 8 - W1.shape[0]), (0, FW - W1.shape[1])))

    d0, d1 = _sc_degree(dst2d, zeros, ones, ngroups)

    u1, dinv = _tc_first(xp, w1p, d0, d1)
    a0, a1 = _sc_scatter(u1, src2d, dst2d, zeros, ngroups)
    u2 = _tc_mid(a0, a1, u1, dinv, _pad_w(W2), _pad_b(b1))
    b0, b1_ = _sc_scatter(u2, src2d, dst2d, zeros, ngroups)
    u3 = _tc_mid(b0, b1_, u2, dinv, _pad_w(W3), _pad_b(b2))
    c0, c1 = _sc_scatter(u3, src2d, dst2d, zeros, ngroups)
    return _tc_final(c0, c1, u3, dinv, _pad_b(b3))

# --- scband reference (transcript-rebuilt; emitter-appended) ---
"""Pipeline reference for scband-gnn-73400991089347 (READ-ONLY COPY).

The authoritative reference and input builder live on the scoring server;
editing this copy changes nothing except your own understanding.
"""

import jax, jax.numpy as jnp
import numpy as np

N = 10000
E = 640000
H = 64

def setup_inputs(seed: int = 0):
    key = jax.random.key(seed)
    ks = jax.random.split(key, 8)
    x = jax.random.normal(ks[0], (N, 3), dtype=jnp.float32)
    edge_index = jax.random.randint(ks[1], (2, E), 0, N)
    W1 = jax.random.normal(ks[2], (3, H), dtype=jnp.float32) / np.sqrt(3.0)
    b1 = jnp.zeros((H,), dtype=jnp.float32)
    W2 = jax.random.normal(ks[3], (H, H), dtype=jnp.float32) / np.sqrt(float(H))
    b2 = jnp.zeros((H,), dtype=jnp.float32)
    W3 = jax.random.normal(ks[4], (H, H), dtype=jnp.float32) / np.sqrt(float(H))
    b3 = jnp.zeros((H,), dtype=jnp.float32)
    return {"x": x, "edge_index": edge_index, "W1": W1, "b1": b1, "W2": W2, "b2": b2, "W3": W3, "b3": b3}

def _gcn_conv(h, src, dst, dinv, W, b):
    # GCNConv: linear transform, symmetric-normalized message passing (scatter-add)
    h = h @ W
    norm = (dinv[src] * dinv[dst])[:, None]
    msgs = jnp.take(h, src, axis=0) * norm
    agg = jax.ops.segment_sum(msgs, dst, num_segments=N)
    return agg + b

def reference(x, edge_index, W1, b1, W2, b2, W3, b3):
    # 3-layer GCN backbone (torch_geometric.nn.GCN with num_layers=3),
    # matching GCN_body = GCN(in_channels=3, hidden_channels=keypoint_hidden_dim, num_layers=3)
    loops = jnp.arange(N, dtype=edge_index.dtype)
    src = jnp.concatenate([edge_index[0], loops])
    dst = jnp.concatenate([edge_index[1], loops])
    deg = jax.ops.segment_sum(jnp.ones_like(dst, dtype=jnp.float32), dst, num_segments=N)
    dinv = jnp.where(deg > 0, 1.0 / jnp.sqrt(deg), 0.0)
    h = jax.nn.relu(_gcn_conv(x, src, dst, dinv, W1, b1))
    h = jax.nn.relu(_gcn_conv(h, src, dst, dinv, W2, b2))
    h = _gcn_conv(h, src, dst, dinv, W3, b3)
    return h

if __name__ == "__main__":
    import jax
    _d = setup_inputs()
    print(jax.jit(kernel)(*tuple(_d.values())))

</pallas_src>

<mosaic_0001>
#map = affine_map<(d0, d1) -> (0, 0)>
module attributes {stable_mosaic.version = 14 : i64} {
  func.func @_scatter_body(%arg0: i32, %arg1: i32, %arg2: memref<10000x128xf32, #tpu.memory_space<hbm>>, %arg3: memref<5120x128xi32, #tpu.memory_space<hbm>>, %arg4: memref<5120x128xi32, #tpu.memory_space<hbm>>, %arg5: memref<10112x128xf32, #tpu.memory_space<hbm>>, %arg6: memref<10112x128xf32, #tpu.memory_space<hbm>>, %arg7: memref<10112x128xf32, #tpu.memory_space<hbm>>, %arg8: memref<16x128xi32, #tpu.memory_space<vmem>>, %arg9: memref<16x128xi32, #tpu.memory_space<vmem>>, %arg10: memref<128x128xf32, #tpu.memory_space<vmem>>, %arg11: memref<128x128xf32, #tpu.memory_space<vmem>>, %arg12: memref<10112x128xf32, #tpu.memory_space<vmem_shared>>, %arg13: memref<!tpu.dma_semaphore, #tpu.memory_space<semaphore_mem>>, %arg14: memref<!tpu.dma_semaphore, #tpu.memory_space<semaphore_mem>>) attributes {dimension_semantics = [#tpu.dimension_semantics<core_parallel>, #tpu.dimension_semantics<subcore_parallel>], iteration_bounds = array<i64: 2, 16>, scalar_prefetch = 0 : i64, scratch_operands = 7 : i64, tpu.core_type = #tpu.core_type<sc_vector_subcore>, window_params = [{transform_indices = #map}, {transform_indices = #map}, {transform_indices = #map}, {transform_indices = #map}, {transform_indices = #map}, {transform_indices = #map}]} {
    %mul3A = arith.constant 16 : i32
    %mul3A_0 = arith.muli %arg0, %mul3A : i32
    %add3A = arith.addi %mul3A_0, %arg1 : i32
    %mul3A_1 = arith.constant 632 : i32
    %mul3A_2 = arith.muli %arg1, %mul3A_1 : i32
    %mul3A_3 = arith.constant 632 : i32
    %mul3A_4 = arith.muli %arg1, %mul3A_3 : i32
    "tpu.region"() ({
      %run_scoped3A = tpu.sem_alloc : memref<!tpu.dma_semaphore, #tpu.memory_space<semaphore_mem>>
      %dma_start3A = arith.constant 0 : i32
      %dma_start3A_18 = tpu.memref_slice %arg12[%mul3A_4, %dma_start3A] : memref<10112x128xf32, #tpu.memory_space<vmem_shared>> -> memref<632x128xf32, #tpu.memory_space<vmem_shared>>
      %dma_start3A_19 = arith.constant 0 : i32
      %dma_start3A_20 = tpu.memref_slice %arg5[%mul3A_2, %dma_start3A_19] : memref<10112x128xf32, #tpu.memory_space<hbm>> -> memref<632x128xf32, #tpu.memory_space<hbm>>
      tpu.enqueue_dma source(%dma_start3A_20 : memref<632x128xf32, #tpu.memory_space<hbm>>) target(%dma_start3A_18 : memref<632x128xf32, #tpu.memory_space<vmem_shared>>) target_semaphore(%run_scoped3A : memref<!tpu.dma_semaphore, #tpu.memory_space<semaphore_mem>>)
      %dma_wait3A = arith.constant 0 : i32
      %dma_wait3A_21 = tpu.memref_slice %arg12[%mul3A_4, %dma_wait3A] : memref<10112x128xf32, #tpu.memory_space<vmem_shared>> -> memref<632x128xf32, #tpu.memory_space<vmem_shared>>
      %dma_wait3A_22 = arith.constant 0 : i32
      %dma_wait3A_23 = tpu.memref_slice %arg5[%mul3A_2, %dma_wait3A_22] : memref<10112x128xf32, #tpu.memory_space<hbm>> -> memref<632x128xf32, #tpu.memory_space<hbm>>
      tpu.wait_dma2 semaphore(%run_scoped3A : memref<!tpu.dma_semaphore, #tpu.memory_space<semaphore_mem>>) src(%dma_wait3A_23 : memref<632x128xf32, #tpu.memory_space<hbm>>) dst(%dma_wait3A_21 : memref<632x128xf32, #tpu.memory_space<vmem_shared>>)
      tpu.yield
    }) : () -> ()
    %barrier3A = arith.constant 0 : index
    tpu.barrier barrier_id(%barrier3A)
    %scan3A = arith.constant 0 : i32
    %scan3A_5 = arith.constant 0 : i32
    %scan3A_6 = arith.constant 10 : i32
    %scan3A_7 = arith.addi %scan3A_5, %scan3A_6 : i32
    %scan3A_8 = arith.constant 1 : i32
    scf.for %scan3A_18 = %scan3A_5 to %scan3A_7 step %scan3A_8  : i32 {
      %mul3A_19 = arith.constant 10 : i32
      %mul3A_20 = arith.muli %add3A, %mul3A_19 : i32
      %add3A_21 = arith.addi %mul3A_20, %scan3A_18 : i32
      %mul3A_22 = arith.constant 16 : i32
      %mul3A_23 = arith.muli %add3A_21, %mul3A_22 : i32
      "tpu.region"() ({
        %run_scoped3A_57 = tpu.sem_alloc : memref<!tpu.dma_semaphore, #tpu.memory_space<semaphore_mem>>
        %dma_start3A_58 = arith.constant 0 : i32
        %dma_start3A_59 = tpu.memref_slice %arg3[%mul3A_23, %dma_start3A_58] : memref<5120x128xi32, #tpu.memory_space<hbm>> -> memref<16x128xi32, #tpu.memory_space<hbm>>
        %dma_start3A_60 = arith.constant 0 : i32
        %dma_start3A_61 = tpu.memref_slice %arg3[%mul3A_23, %dma_start3A_60] : memref<5120x128xi32, #tpu.memory_space<hbm>> -> memref<16x128xi32, #tpu.memory_space<hbm>>
        tpu.enqueue_dma source(%dma_start3A_61 : memref<16x128xi32, #tpu.memory_space<hbm>>) target(%arg8 : memref<16x128xi32, #tpu.memory_space<vmem>>) target_semaphore(%run_scoped3A_57 : memref<!tpu.dma_semaphore, #tpu.memory_space<semaphore_mem>>)
        %dma_wait3A_62 = arith.constant 0 : i32
        %dma_wait3A_63 = tpu.memref_slice %arg3[%mul3A_23, %dma_wait3A_62] : memref<5120x128xi32, #tpu.memory_space<hbm>> -> memref<16x128xi32, #tpu.memory_space<hbm>>
        %dma_wait3A_64 = arith.constant 0 : i32
        %dma_wait3A_65 = tpu.memref_slice %arg3[%mul3A_23, %dma_wait3A_64] : memref<5120x128xi32, #tpu.memory_space<hbm>> -> memref<16x128xi32, #tpu.memory_space<hbm>>
        tpu.wait_dma2 semaphore(%run_scoped3A_57 : memref<!tpu.dma_semaphore, #tpu.memory_space<semaphore_mem>>) src(%dma_wait3A_65 : memref<16x128xi32, #tpu.memory_space<hbm>>) dst(%arg8 : memref<16x128xi32, #tpu.memory_space<vmem>>)
        tpu.yield
      }) : () -> ()
      "tpu.region"() ({
        %run_scoped3A_57 = tpu.sem_alloc : memref<!tpu.dma_semaphore, #tpu.memory_space<semaphore_mem>>
        %dma_start3A_58 = arith.constant 0 : i32
        %dma_start3A_59 = tpu.memref_slice %arg4[%mul3A_23, %dma_start3A_58] : memref<5120x128xi32, #tpu.memory_space<hbm>> -> memref<16x128xi32, #tpu.memory_space<hbm>>
        %dma_start3A_60 = arith.constant 0 : i32
        %dma_start3A_61 = tpu.memref_slice %arg4[%mul3A_23, %dma_start3A_60] : memref<5120x128xi32, #tpu.memory_space<hbm>> -> memref<16x128xi32, #tpu.memory_space<hbm>>
        tpu.enqueue_dma source(%dma_start3A_61 : memref<16x128xi32, #tpu.memory_space<hbm>>) target(%arg9 : memref<16x128xi32, #tpu.memory_space<vmem>>) target_semaphore(%run_scoped3A_57 : memref<!tpu.dma_semaphore, #tpu.memory_space<semaphore_mem>>)
        %dma_wait3A_62 = arith.constant 0 : i32
        %dma_wait3A_63 = tpu.memref_slice %arg4[%mul3A_23, %dma_wait3A_62] : memref<5120x128xi32, #tpu.memory_space<hbm>> -> memref<16x128xi32, #tpu.memory_space<hbm>>
        %dma_wait3A_64 = arith.constant 0 : i32
        %dma_wait3A_65 = tpu.memref_slice %arg4[%mul3A_23, %dma_wait3A_64] : memref<5120x128xi32, #tpu.memory_space<hbm>> -> memref<16x128xi32, #tpu.memory_space<hbm>>
        tpu.wait_dma2 semaphore(%run_scoped3A_57 : memref<!tpu.dma_semaphore, #tpu.memory_space<semaphore_mem>>) src(%dma_wait3A_65 : memref<16x128xi32, #tpu.memory_space<hbm>>) dst(%arg9 : memref<16x128xi32, #tpu.memory_space<vmem>>)
        tpu.yield
      }) : () -> ()
      %dma_start3A = arith.constant 0 : i32
      %dma_start3A_24 = arith.constant 0 : i32
      %dma_start3A_25 = tpu.memref_slice %arg8[%dma_start3A, %dma_start3A_24] : memref<16x128xi32, #tpu.memory_space<vmem>> -> memref<1x128xi32, #tpu.memory_space<vmem>>
      %dma_start3A_26 = tpu.memref_squeeze %dma_start3A_25 : memref<1x128xi32, #tpu.memory_space<vmem>> -> memref<128xi32, #tpu.memory_space<vmem>>
      %dma_start3A_27 = arith.constant 0 : i32
      %dma_start3A_28 = arith.constant 0 : i32
      %dma_start3A_29 = tpu.memref_slice %arg2[%dma_start3A_27, %dma_start3A_28] : memref<10000x128xf32, #tpu.memory_space<hbm>> -> memref<10000x128xf32, #tpu.memory_space<hbm>>
      tpu.enqueue_indirect_dma source(%dma_start3A_29 : memref<10000x128xf32, #tpu.memory_space<hbm>>) target(%arg10 : memref<128x128xf32, #tpu.memory_space<vmem>>) offsets(%dma_start3A_26 : memref<128xi32, #tpu.memory_space<vmem>>) semaphore(%arg13 : memref<!tpu.dma_semaphore, #tpu.memory_space<semaphore_mem>>)
      %scan3A_30 = arith.constant 0 : i32
      %scan3A_31 = arith.constant 0 : i32
      %scan3A_32 = arith.constant 7 : i32
      %scan3A_33 = arith.addi %scan3A_31, %scan3A_32 : i32
      %scan3A_34 = arith.constant 1 : i32
      scf.for %scan3A_57 = %scan3A_31 to %scan3A_33 step %scan3A_34  : i32 {
        %mul3A_58 = arith.constant 2 : i32
        %mul3A_59 = arith.muli %mul3A_58, %scan3A_57 : i32
        %add3A_60 = arith.constant 1 : i32
        %add3A_61 = arith.addi %mul3A_59, %add3A_60 : i32
        %dma_start3A_62 = arith.constant 0 : i32
        %dma_start3A_63 = tpu.memref_slice %arg8[%add3A_61, %dma_start3A_62] : memref<16x128xi32, #tpu.memory_space<vmem>> -> memref<1x128xi32, #tpu.memory_space<vmem>>
        %dma_start3A_64 = tpu.memref_squeeze %dma_start3A_63 : memref<1x128xi32, #tpu.memory_space<vmem>> -> memref<128xi32, #tpu.memory_space<vmem>>
        %dma_start3A_65 = arith.constant 0 : i32
        %dma_start3A_66 = arith.constant 0 : i32
        %dma_start3A_67 = tpu.memref_slice %arg2[%dma_start3A_65, %dma_start3A_66] : memref<10000x128xf32, #tpu.memory_space<hbm>> -> memref<10000x128xf32, #tpu.memory_space<hbm>>
        tpu.enqueue_indirect_dma source(%dma_start3A_67 : memref<10000x128xf32, #tpu.memory_space<hbm>>) target(%arg11 : memref<128x128xf32, #tpu.memory_space<vmem>>) offsets(%dma_start3A_64 : memref<128xi32, #tpu.memory_space<vmem>>) semaphore(%arg14 : memref<!tpu.dma_semaphore, #tpu.memory_space<semaphore_mem>>)
        %dma_wait3A_68 = arith.constant 0 : i32
        %dma_wait3A_69 = arith.constant 0 : i32
        %dma_wait3A_70 = tpu.memref_slice %arg8[%dma_wait3A_68, %dma_wait3A_69] : memref<16x128xi32, #tpu.memory_space<vmem>> -> memref<1x128xi32, #tpu.memory_space<vmem>>
        %dma_wait3A_71 = tpu.memref_squeeze %dma_wait3A_70 : memref<1x128xi32, #tpu.memory_space<vmem>> -> memref<128xi32, #tpu.memory_space<vmem>>
        %dma_wait3A_72 = arith.constant 0 : i32
        %dma_wait3A_73 = arith.constant 0 : i32
        %dma_wait3A_74 = tpu.memref_slice %arg2[%dma_wait3A_72, %dma_wait3A_73] : memref<10000x128xf32, #tpu.memory_space<hbm>> -> memref<10000x128xf32, #tpu.memory_space<hbm>>
        tpu.wait_indirect_dma semaphore(%arg13 : memref<!tpu.dma_semaphore, #tpu.memory_space<semaphore_mem>>) src(%dma_wait3A_74 : memref<10000x128xf32, #tpu.memory_space<hbm>>) dst(%arg10 : memref<128x128xf32, #tpu.memory_space<vmem>>)
        %mul3A_75 = arith.constant 2 : i32
        %mul3A_76 = arith.muli %mul3A_75, %scan3A_57 : i32
        "tpu.region"() ({
          %run_scoped3A_98 = tpu.sem_alloc : memref<!tpu.dma_semaphore, #tpu.memory_space<semaphore_mem>>
          %dma_start3A_99 = arith.constant 0 : i32
          %dma_start3A_100 = tpu.memref_slice %arg9[%mul3A_76, %dma_start3A_99] : memref<16x128xi32, #tpu.memory_space<vmem>> -> memref<1x128xi32, #tpu.memory_space<vmem>>
          %dma_start3A_101 = tpu.memref_squeeze %dma_start3A_100 : memref<1x128xi32, #tpu.memory_space<vmem>> -> memref<128xi32, #tpu.memory_space<vmem>>
          %dma_start3A_102 = arith.constant 0 : i32
          %dma_start3A_103 = arith.constant 0 : i32
          %dma_start3A_104 = tpu.memref_slice %arg12[%dma_start3A_102, %dma_start3A_103] : memref<10112x128xf32, #tpu.memory_space<vmem_shared>> -> memref<10112x128xf32, #tpu.memory_space<vmem_shared>>
          tpu.enqueue_indirect_dma source(%arg10 : memref<128x128xf32, #tpu.memory_space<vmem>>) target(%dma_start3A_104 : memref<10112x128xf32, #tpu.memory_space<vmem_shared>>) offsets(%dma_start3A_101 : memref<128xi32, #tpu.memory_space<vmem>>) semaphore(%run_scoped3A_98 : memref<!tpu.dma_semaphore, #tpu.memory_space<semaphore_mem>>) {add = true}
          %dma_wait3A_105 = arith.constant 0 : i32
          %dma_wait3A_106 = tpu.memref_slice %arg9[%mul3A_76, %dma_wait3A_105] : memref<16x128xi32, #tpu.memory_space<vmem>> -> memref<1x128xi32, #tpu.memory_space<vmem>>
          %dma_wait3A_107 = tpu.memref_squeeze %dma_wait3A_106 : memref<1x128xi32, #tpu.memory_space<vmem>> -> memref<128xi32, #tpu.memory_space<vmem>>
          %dma_wait3A_108 = arith.constant 0 : i32
          %dma_wait3A_109 = arith.constant 0 : i32
          %dma_wait3A_110 = tpu.memref_slice %arg12[%dma_wait3A_108, %dma_wait3A_109] : memref<10112x128xf32, #tpu.memory_space<vmem_shared>> -> memref<10112x128xf32, #tpu.memory_space<vmem_shared>>
          tpu.wait_indirect_dma semaphore(%run_scoped3A_98 : memref<!tpu.dma_semaphore, #tpu.memory_space<semaphore_mem>>) src(%arg10 : memref<128x128xf32, #tpu.memory_space<vmem>>) dst(%dma_wait3A_110 : memref<10112x128xf32, #tpu.memory_space<vmem_shared>>)
          tpu.yield
        }) : () -> ()
        %mul3A_77 = arith.constant 2 : i32
        %mul3A_78 = arith.muli %mul3A_77, %scan3A_57 : i32
        %add3A_79 = arith.constant 2 : i32
        %add3A_80 = arith.addi %mul3A_78, %add3A_79 : i32
        %dma_start3A_81 = arith.constant 0 : i32
        %dma_start3A_82 = tpu.memref_slice %arg8[%add3A_80, %dma_start3A_81] : memref<16x128xi32, #tpu.memory_space<vmem>> -> memref<1x128xi32, #tpu.memory_space<vmem>>
        %dma_start3A_83 = tpu.memref_squeeze %dma_start3A_82 : memref<1x128xi32, #tpu.memory_space<vmem>> -> memref<128xi32, #tpu.memory_space<vmem>>
        %dma_start3A_84 = arith.constant 0 : i32
        %dma_start3A_85 = arith.constant 0 : i32
        %dma_start3A_86 = tpu.memref_slice %arg2[%dma_start3A_84, %dma_start3A_85] : memref<10000x128xf32, #tpu.memory_space<hbm>> -> memref<10000x128xf32, #tpu.memory_space<hbm>>
        tpu.enqueue_indirect_dma source(%dma_start3A_86 : memref<10000x128xf32, #tpu.memory_space<hbm>>) target(%arg10 : memref<128x128xf32, #tpu.memory_space<vmem>>) offsets(%dma_start3A_83 : memref<128xi32, #tpu.memory_space<vmem>>) semaphore(%arg13 : memref<!tpu.dma_semaphore, #tpu.memory_space<semaphore_mem>>)
        %dma_wait3A_87 = arith.constant 0 : i32
        %dma_wait3A_88 = arith.constant 0 : i32
        %dma_wait3A_89 = tpu.memref_slice %arg8[%dma_wait3A_87, %dma_wait3A_88] : memref<16x128xi32, #tpu.memory_space<vmem>> -> memref<1x128xi32, #tpu.memory_space<vmem>>
        %dma_wait3A_90 = tpu.memref_squeeze %dma_wait3A_89 : memref<1x128xi32, #tpu.memory_space<vmem>> -> memref<128xi32, #tpu.memory_space<vmem>>
        %dma_wait3A_91 = arith.constant 0 : i32
        %dma_wait3A_92 = arith.constant 0 : i32
        %dma_wait3A_93 = tpu.memref_slice %arg2[%dma_wait3A_91, %dma_wait3A_92] : memref<10000x128xf32, #tpu.memory_space<hbm>> -> memref<10000x128xf32, #tpu.memory_space<hbm>>
        tpu.wait_indirect_dma semaphore(%arg14 : memref<!tpu.dma_semaphore, #tpu.memory_space<semaphore_mem>>) src(%dma_wait3A_93 : memref<10000x128xf32, #tpu.memory_space<hbm>>) dst(%arg11 : memref<128x128xf32, #tpu.memory_space<vmem>>)
        %mul3A_94 = arith.constant 2 : i32
        %mul3A_95 = arith.muli %mul3A_94, %scan3A_57 : i32
        %add3A_96 = arith.constant 1 : i32
        %add3A_97 = arith.addi %mul3A_95, %add3A_96 : i32
        "tpu.region"() ({
          %run_scoped3A_98 = tpu.sem_alloc : memref<!tpu.dma_semaphore, #tpu.memory_space<semaphore_mem>>
          %dma_start3A_99 = arith.constant 0 : i32
          %dma_start3A_100 = tpu.memref_slice %arg9[%add3A_97, %dma_start3A_99] : memref<16x128xi32, #tpu.memory_space<vmem>> -> memref<1x128xi32, #tpu.memory_space<vmem>>
          %dma_start3A_101 = tpu.memref_squeeze %dma_start3A_100 : memref<1x128xi32, #tpu.memory_space<vmem>> -> memref<128xi32, #tpu.memory_space<vmem>>
          %dma_start3A_102 = arith.constant 0 : i32
          %dma_start3A_103 = arith.constant 0 : i32
          %dma_start3A_104 = tpu.memref_slice %arg12[%dma_start3A_102, %dma_start3A_103] : memref<10112x128xf32, #tpu.memory_space<vmem_shared>> -> memref<10112x128xf32, #tpu.memory_space<vmem_shared>>
          tpu.enqueue_indirect_dma source(%arg11 : memref<128x128xf32, #tpu.memory_space<vmem>>) target(%dma_start3A_104 : memref<10112x128xf32, #tpu.memory_space<vmem_shared>>) offsets(%dma_start3A_101 : memref<128xi32, #tpu.memory_space<vmem>>) semaphore(%run_scoped3A_98 : memref<!tpu.dma_semaphore, #tpu.memory_space<semaphore_mem>>) {add = true}
          %dma_wait3A_105 = arith.constant 0 : i32
          %dma_wait3A_106 = tpu.memref_slice %arg9[%add3A_97, %dma_wait3A_105] : memref<16x128xi32, #tpu.memory_space<vmem>> -> memref<1x128xi32, #tpu.memory_space<vmem>>
          %dma_wait3A_107 = tpu.memref_squeeze %dma_wait3A_106 : memref<1x128xi32, #tpu.memory_space<vmem>> -> memref<128xi32, #tpu.memory_space<vmem>>
          %dma_wait3A_108 = arith.constant 0 : i32
          %dma_wait3A_109 = arith.constant 0 : i32
          %dma_wait3A_110 = tpu.memref_slice %arg12[%dma_wait3A_108, %dma_wait3A_109] : memref<10112x128xf32, #tpu.memory_space<vmem_shared>> -> memref<10112x128xf32, #tpu.memory_space<vmem_shared>>
          tpu.wait_indirect_dma semaphore(%run_scoped3A_98 : memref<!tpu.dma_semaphore, #tpu.memory_space<semaphore_mem>>) src(%arg11 : memref<128x128xf32, #tpu.memory_space<vmem>>) dst(%dma_wait3A_110 : memref<10112x128xf32, #tpu.memory_space<vmem_shared>>)
          tpu.yield
        }) : () -> ()
      }
      %scan3A_35 = arith.constant 7 : i32
      %dma_start3A_36 = arith.constant 15 : i32
      %dma_start3A_37 = arith.constant 0 : i32
      %dma_start3A_38 = tpu.memref_slice %arg8[%dma_start3A_36, %dma_start3A_37] : memref<16x128xi32, #tpu.memory_space<vmem>> -> memref<1x128xi32, #tpu.memory_space<vmem>>
      %dma_start3A_39 = tpu.memref_squeeze %dma_start3A_38 : memref<1x128xi32, #tpu.memory_space<vmem>> -> memref<128xi32, #tpu.memory_space<vmem>>
      %dma_start3A_40 = arith.constant 0 : i32
      %dma_start3A_41 = arith.constant 0 : i32
      %dma_start3A_42 = tpu.memref_slice %arg2[%dma_start3A_40, %dma_start3A_41] : memref<10000x128xf32, #tpu.memory_space<hbm>> -> memref<10000x128xf32, #tpu.memory_space<hbm>>
      tpu.enqueue_indirect_dma source(%dma_start3A_42 : memref<10000x128xf32, #tpu.memory_space<hbm>>) target(%arg11 : memref<128x128xf32, #tpu.memory_space<vmem>>) offsets(%dma_start3A_39 : memref<128xi32, #tpu.memory_space<vmem>>) semaphore(%arg14 : memref<!tpu.dma_semaphore, #tpu.memory_space<semaphore_mem>>)
      %dma_wait3A = arith.constant 0 : i32
      %dma_wait3A_43 = arith.constant 0 : i32
      %dma_wait3A_44 = tpu.memref_slice %arg8[%dma_wait3A, %dma_wait3A_43] : memref<16x128xi32, #tpu.memory_space<vmem>> -> memref<1x128xi32, #tpu.memory_space<vmem>>
      %dma_wait3A_45 = tpu.memref_squeeze %dma_wait3A_44 : memref<1x128xi32, #tpu.memory_space<vmem>> -> memref<128xi32, #tpu.memory_space<vmem>>
      %dma_wait3A_46 = arith.constant 0 : i32
      %dma_wait3A_47 = arith.constant 0 : i32
      %dma_wait3A_48 = tpu.memref_slice %arg2[%dma_wait3A_46, %dma_wait3A_47] : memref<10000x128xf32, #tpu.memory_space<hbm>> -> memref<10000x128xf32, #tpu.memory_space<hbm>>
      tpu.wait_indirect_dma semaphore(%arg13 : memref<!tpu.dma_semaphore, #tpu.memory_space<semaphore_mem>>) src(%dma_wait3A_48 : memref<10000x128xf32, #tpu.memory_space<hbm>>) dst(%arg10 : memref<128x128xf32, #tpu.memory_space<vmem>>)
      %run_scoped3A = arith.constant 14 : i32
      "tpu.region"() ({
        %run_scoped3A_57 = tpu.sem_alloc : memref<!tpu.dma_semaphore, #tpu.memory_space<semaphore_mem>>
        %dma_start3A_58 = arith.constant 0 : i32
        %dma_start3A_59 = tpu.memref_slice %arg9[%run_scoped3A, %dma_start3A_58] : memref<16x128xi32, #tpu.memory_space<vmem>> -> memref<1x128xi32, #tpu.memory_space<vmem>>
        %dma_start3A_60 = tpu.memref_squeeze %dma_start3A_59 : memref<1x128xi32, #tpu.memory_space<vmem>> -> memref<128xi32, #tpu.memory_space<vmem>>
        %dma_start3A_61 = arith.constant 0 : i32
        %dma_start3A_62 = arith.constant 0 : i32
        %dma_start3A_63 = tpu.memref_slice %arg12[%dma_start3A_61, %dma_start3A_62] : memref<10112x128xf32, #tpu.memory_space<vmem_shared>> -> memref<10112x128xf32, #tpu.memory_space<vmem_shared>>
        tpu.enqueue_indirect_dma source(%arg10 : memref<128x128xf32, #tpu.memory_space<vmem>>) target(%dma_start3A_63 : memref<10112x128xf32, #tpu.memory_space<vmem_shared>>) offsets(%dma_start3A_60 : memref<128xi32, #tpu.memory_space<vmem>>) semaphore(%run_scoped3A_57 : memref<!tpu.dma_semaphore, #tpu.memory_space<semaphore_mem>>) {add = true}
        %dma_wait3A_64 = arith.constant 0 : i32
        %dma_wait3A_65 = tpu.memref_slice %arg9[%run_scoped3A, %dma_wait3A_64] : memref<16x128xi32, #tpu.memory_space<vmem>> -> memref<1x128xi32, #tpu.memory_space<vmem>>
        %dma_wait3A_66 = tpu.memref_squeeze %dma_wait3A_65 : memref<1x128xi32, #tpu.memory_space<vmem>> -> memref<128xi32, #tpu.memory_space<vmem>>
        %dma_wait3A_67 = arith.constant 0 : i32
        %dma_wait3A_68 = arith.constant 0 : i32
        %dma_wait3A_69 = tpu.memref_slice %arg12[%dma_wait3A_67, %dma_wait3A_68] : memref<10112x128xf32, #tpu.memory_space<vmem_shared>> -> memref<10112x128xf32, #tpu.memory_space<vmem_shared>>
        tpu.wait_indirect_dma semaphore(%run_scoped3A_57 : memref<!tpu.dma_semaphore, #tpu.memory_space<semaphore_mem>>) src(%arg10 : memref<128x128xf32, #tpu.memory_space<vmem>>) dst(%dma_wait3A_69 : memref<10112x128xf32, #tpu.memory_space<vmem_shared>>)
        tpu.yield
      }) : () -> ()
      %dma_wait3A_49 = arith.constant 0 : i32
      %dma_wait3A_50 = arith.constant 0 : i32
      %dma_wait3A_51 = tpu.memref_slice %arg8[%dma_wait3A_49, %dma_wait3A_50] : memref<16x128xi32, #tpu.memory_space<vmem>> -> memref<1x128xi32, #tpu.memory_space<vmem>>
      %dma_wait3A_52 = tpu.memref_squeeze %dma_wait3A_51 : memref<1x128xi32, #tpu.memory_space<vmem>> -> memref<128xi32, #tpu.memory_space<vmem>>
      %dma_wait3A_53 = arith.constant 0 : i32
      %dma_wait3A_54 = arith.constant 0 : i32
      %dma_wait3A_55 = tpu.memref_slice %arg2[%dma_wait3A_53, %dma_wait3A_54] : memref<10000x128xf32, #tpu.memory_space<hbm>> -> memref<10000x128xf32, #tpu.memory_space<hbm>>
      tpu.wait_indirect_dma semaphore(%arg14 : memref<!tpu.dma_semaphore, #tpu.memory_space<semaphore_mem>>) src(%dma_wait3A_55 : memref<10000x128xf32, #tpu.memory_space<hbm>>) dst(%arg11 : memref<128x128xf32, #tpu.memory_space<vmem>>)
      %run_scoped3A_56 = arith.constant 15 : i32
      "tpu.region"() ({
        %run_scoped3A_57 = tpu.sem_alloc : memref<!tpu.dma_semaphore, #tpu.memory_space<semaphore_mem>>
        %dma_start3A_58 = arith.constant 0 : i32
        %dma_start3A_59 = tpu.memref_slice %arg9[%run_scoped3A_56, %dma_start3A_58] : memref<16x128xi32, #tpu.memory_space<vmem>> -> memref<1x128xi32, #tpu.memory_space<vmem>>
        %dma_start3A_60 = tpu.memref_squeeze %dma_start3A_59 : memref<1x128xi32, #tpu.memory_space<vmem>> -> memref<128xi32, #tpu.memory_space<vmem>>
        %dma_start3A_61 = arith.constant 0 : i32
        %dma_start3A_62 = arith.constant 0 : i32
        %dma_start3A_63 = tpu.memref_slice %arg12[%dma_start3A_61, %dma_start3A_62] : memref<10112x128xf32, #tpu.memory_space<vmem_shared>> -> memref<10112x128xf32, #tpu.memory_space<vmem_shared>>
        tpu.enqueue_indirect_dma source(%arg11 : memref<128x128xf32, #tpu.memory_space<vmem>>) target(%dma_start3A_63 : memref<10112x128xf32, #tpu.memory_space<vmem_shared>>) offsets(%dma_start3A_60 : memref<128xi32, #tpu.memory_space<vmem>>) semaphore(%run_scoped3A_57 : memref<!tpu.dma_semaphore, #tpu.memory_space<semaphore_mem>>) {add = true}
        %dma_wait3A_64 = arith.constant 0 : i32
        %dma_wait3A_65 = tpu.memref_slice %arg9[%run_scoped3A_56, %dma_wait3A_64] : memref<16x128xi32, #tpu.memory_space<vmem>> -> memref<1x128xi32, #tpu.memory_space<vmem>>
        %dma_wait3A_66 = tpu.memref_squeeze %dma_wait3A_65 : memref<1x128xi32, #tpu.memory_space<vmem>> -> memref<128xi32, #tpu.memory_space<vmem>>
        %dma_wait3A_67 = arith.constant 0 : i32
        %dma_wait3A_68 = arith.constant 0 : i32
        %dma_wait3A_69 = tpu.memref_slice %arg12[%dma_wait3A_67, %dma_wait3A_68] : memref<10112x128xf32, #tpu.memory_space<vmem_shared>> -> memref<10112x128xf32, #tpu.memory_space<vmem_shared>>
        tpu.wait_indirect_dma semaphore(%run_scoped3A_57 : memref<!tpu.dma_semaphore, #tpu.memory_space<semaphore_mem>>) src(%arg11 : memref<128x128xf32, #tpu.memory_space<vmem>>) dst(%dma_wait3A_69 : memref<10112x128xf32, #tpu.memory_space<vmem_shared>>)
        tpu.yield
      }) : () -> ()
    }
    %scan3A_9 = arith.constant 10 : i32
    %barrier3A_10 = arith.constant 0 : index
    tpu.barrier barrier_id(%barrier3A_10)
    %eq3A = arith.constant 0 : i32
    %eq3A_11 = arith.cmpi eq, %arg0, %eq3A : i32
    %convert_element_type3A = arith.extui %eq3A_11 : i1 to i32
    %cond3A = arith.constant 0 : i32
    %cond3A_12 = arith.cmpi ne, %convert_element_type3A, %cond3A : i32
    scf.if %cond3A_12 {
      %mul3A_18 = arith.constant 632 : i32
      %mul3A_19 = arith.muli %arg1, %mul3A_18 : i32
      %mul3A_20 = arith.constant 632 : i32
      %mul3A_21 = arith.muli %arg1, %mul3A_20 : i32
      "tpu.region"() ({
        %run_scoped3A = tpu.sem_alloc : memref<!tpu.dma_semaphore, #tpu.memory_space<semaphore_mem>>
        %dma_start3A = arith.constant 0 : i32
        %dma_start3A_22 = tpu.memref_slice %arg6[%mul3A_21, %dma_start3A] : memref<10112x128xf32, #tpu.memory_space<hbm>> -> memref<632x128xf32, #tpu.memory_space<hbm>>
        %dma_start3A_23 = arith.constant 0 : i32
        %dma_start3A_24 = tpu.memref_slice %arg12[%mul3A_19, %dma_start3A_23] : memref<10112x128xf32, #tpu.memory_space<vmem_shared>> -> memref<632x128xf32, #tpu.memory_space<vmem_shared>>
        tpu.enqueue_dma source(%dma_start3A_24 : memref<632x128xf32, #tpu.memory_space<vmem_shared>>) target(%dma_start3A_22 : memref<632x128xf32, #tpu.memory_space<hbm>>) target_semaphore(%run_scoped3A : memref<!tpu.dma_semaphore, #tpu.memory_space<semaphore_mem>>)
        %dma_wait3A = arith.constant 0 : i32
        %dma_wait3A_25 = tpu.memref_slice %arg6[%mul3A_21, %dma_wait3A] : memref<10112x128xf32, #tpu.memory_space<hbm>> -> memref<632x128xf32, #tpu.memory_space<hbm>>
        %dma_wait3A_26 = arith.constant 0 : i32
        %dma_wait3A_27 = tpu.memref_slice %arg12[%mul3A_19, %dma_wait3A_26] : memref<10112x128xf32, #tpu.memory_space<vmem_shared>> -> memref<632x128xf32, #tpu.memory_space<vmem_shared>>
        tpu.wait_dma2 semaphore(%run_scoped3A : memref<!tpu.dma_semaphore, #tpu.memory_space<semaphore_mem>>) src(%dma_wait3A_27 : memref<632x128xf32, #tpu.memory_space<vmem_shared>>) dst(%dma_wait3A_25 : memref<632x128xf32, #tpu.memory_space<hbm>>)
        tpu.yield
      }) : () -> ()
    } else {
    }
    %eq3A_13 = arith.constant 1 : i32
    %eq3A_14 = arith.cmpi eq, %arg0, %eq3A_13 : i32
    %convert_element_type3A_15 = arith.extui %eq3A_14 : i1 to i32
    %cond3A_16 = arith.constant 0 : i32
    %cond3A_17 = arith.cmpi ne, %convert_element_type3A_15, %cond3A_16 : i32
    scf.if %cond3A_17 {
      %mul3A_18 = arith.constant 632 : i32
      %mul3A_19 = arith.muli %arg1, %mul3A_18 : i32
      %mul3A_20 = arith.constant 632 : i32
      %mul3A_21 = arith.muli %arg1, %mul3A_20 : i32
      "tpu.region"() ({
        %run_scoped3A = tpu.sem_alloc : memref<!tpu.dma_semaphore, #tpu.memory_space<semaphore_mem>>
        %dma_start3A = arith.constant 0 : i32
        %dma_start3A_22 = tpu.memref_slice %arg7[%mul3A_21, %dma_start3A] : memref<10112x128xf32, #tpu.memory_space<hbm>> -> memref<632x128xf32, #tpu.memory_space<hbm>>
        %dma_start3A_23 = arith.constant 0 : i32
        %dma_start3A_24 = tpu.memref_slice %arg12[%mul3A_19, %dma_start3A_23] : memref<10112x128xf32, #tpu.memory_space<vmem_shared>> -> memref<632x128xf32, #tpu.memory_space<vmem_shared>>
        tpu.enqueue_dma source(%dma_start3A_24 : memref<632x128xf32, #tpu.memory_space<vmem_shared>>) target(%dma_start3A_22 : memref<632x128xf32, #tpu.memory_space<hbm>>) target_semaphore(%run_scoped3A : memref<!tpu.dma_semaphore, #tpu.memory_space<semaphore_mem>>)
        %dma_wait3A = arith.constant 0 : i32
        %dma_wait3A_25 = tpu.memref_slice %arg7[%mul3A_21, %dma_wait3A] : memref<10112x128xf32, #tpu.memory_space<hbm>> -> memref<632x128xf32, #tpu.memory_space<hbm>>
        %dma_wait3A_26 = arith.constant 0 : i32
        %dma_wait3A_27 = tpu.memref_slice %arg12[%mul3A_19, %dma_wait3A_26] : memref<10112x128xf32, #tpu.memory_space<vmem_shared>> -> memref<632x128xf32, #tpu.memory_space<vmem_shared>>
        tpu.wait_dma2 semaphore(%run_scoped3A : memref<!tpu.dma_semaphore, #tpu.memory_space<semaphore_mem>>) src(%dma_wait3A_27 : memref<632x128xf32, #tpu.memory_space<vmem_shared>>) dst(%dma_wait3A_25 : memref<632x128xf32, #tpu.memory_space<hbm>>)
        tpu.yield
      }) : () -> ()
    } else {
    }
    return
  }
}

#map = affine_map<(d0, d1) -> (0, 0)>
module attributes {stable_mosaic.version = 14 : i64} {
  func.func @_scatter_body(%arg0: i32, %arg1: i32, %arg2: memref<10000x128xf32, #tpu.memory_space<hbm>>, %arg3: memref<5120x128xi32, #tpu.memory_space<hbm>>, %arg4: memref<5120x128xi32, #tpu.memory_space<hbm>>, %arg5: memref<10112x128xf32, #tpu.memory_space<hbm>>, %arg6: memref<10112x128xf32, #tpu.memory_space<hbm>>, %arg7: memref<10112x128xf32, #tpu.memory_space<hbm>>, %arg8: memref<16x128xi32, #tpu.memory_space<vmem>>, %arg9: memref<16x128xi32, #tpu.memory_space<vmem>>, %arg10: memref<128x128xf32, #tpu.memory_space<vmem>>, %arg11: memref<128x128xf32, #tpu.memory_space<vmem>>, %arg12: memref<10112x128xf32, #tpu.memory_space<vmem_shared>>, %arg13: memref<!tpu.dma_semaphore, #tpu.memory_space<semaphore_mem>>, %arg14: memref<!tpu.dma_semaphore, #tpu.memory_space<semaphore_mem>>) attributes {dimension_semantics = [#tpu.dimension_semantics<core_parallel>, #tpu.dimension_semantics<subcore_parallel>], iteration_bounds = array<i64: 2, 16>, scalar_prefetch = 0 : i64, scratch_operands = 7 : i64, tpu.core_type = #tpu.core_type<sc_vector_subcore>, window_params = [{transform_indices = #map}, {transform_indices = #map}, {transform_indices = #map}, {transform_indices = #map}, {transform_indices = #map}, {transform_indices = #map}]} {
    %mul3A = arith.constant 16 : i32
    %mul3A_0 = arith.muli %arg0, %mul3A : i32
    %add3A = arith.addi %mul3A_0, %arg1 : i32
    %mul3A_1 = arith.constant 632 : i32
    %mul3A_2 = arith.muli %arg1, %mul3A_1 : i32
    %mul3A_3 = arith.constant 632 : i32
    %mul3A_4 = arith.muli %arg1, %mul3A_3 : i32
    "tpu.region"() ({
      %run_scoped3A = tpu.sem_alloc : memref<!tpu.dma_semaphore, #tpu.memory_space<semaphore_mem>>
      %dma_start3A = arith.constant 0 : i32
      %dma_start3A_18 = tpu.memref_slice %arg12[%mul3A_4, %dma_start3A] : memref<10112x128xf32, #tpu.memory_space<vmem_shared>> -> memref<632x128xf32, #tpu.memory_space<vmem_shared>>
      %dma_start3A_19 = arith.constant 0 : i32
      %dma_start3A_20 = tpu.memref_slice %arg5[%mul3A_2, %dma_start3A_19] : memref<10112x128xf32, #tpu.memory_space<hbm>> -> memref<632x128xf32, #tpu.memory_space<hbm>>
      tpu.enqueue_dma source(%dma_start3A_20 : memref<632x128xf32, #tpu.memory_space<hbm>>) target(%dma_start3A_18 : memref<632x128xf32, #tpu.memory_space<vmem_shared>>) target_semaphore(%run_scoped3A : memref<!tpu.dma_semaphore, #tpu.memory_space<semaphore_mem>>)
      %dma_wait3A = arith.constant 0 : i32
      %dma_wait3A_21 = tpu.memref_slice %arg12[%mul3A_4, %dma_wait3A] : memref<10112x128xf32, #tpu.memory_space<vmem_shared>> -> memref<632x128xf32, #tpu.memory_space<vmem_shared>>
      %dma_wait3A_22 = arith.constant 0 : i32
      %dma_wait3A_23 = tpu.memref_slice %arg5[%mul3A_2, %dma_wait3A_22] : memref<10112x128xf32, #tpu.memory_space<hbm>> -> memref<632x128xf32, #tpu.memory_space<hbm>>
      tpu.wait_dma2 semaphore(%run_scoped3A : memref<!tpu.dma_semaphore, #tpu.memory_space<semaphore_mem>>) src(%dma_wait3A_23 : memref<632x128xf32, #tpu.memory_space<hbm>>) dst(%dma_wait3A_21 : memref<632x128xf32, #tpu.memory_space<vmem_shared>>)
      tpu.yield
    }) : () -> ()
    %barrier3A = arith.constant 0 : index
    tpu.barrier barrier_id(%barrier3A)
    %scan3A = arith.constant 0 : i32
    %scan3A_5 = arith.constant 0 : i32
    %scan3A_6 = arith.constant 10 : i32
    %scan3A_7 = arith.addi %scan3A_5, %scan3A_6 : i32
    %scan3A_8 = arith.constant 1 : i32
    scf.for %scan3A_18 = %scan3A_5 to %scan3A_7 step %scan3A_8  : i32 {
      %mul3A_19 = arith.constant 10 : i32
      %mul3A_20 = arith.muli %add3A, %mul3A_19 : i32
      %add3A_21 = arith.addi %mul3A_20, %scan3A_18 : i32
      %mul3A_22 = arith.constant 16 : i32
      %mul3A_23 = arith.muli %add3A_21, %mul3A_22 : i32
      "tpu.region"() ({
        %run_scoped3A_57 = tpu.sem_alloc : memref<!tpu.dma_semaphore, #tpu.memory_space<semaphore_mem>>
        %dma_start3A_58 = arith.constant 0 : i32
        %dma_start3A_59 = tpu.memref_slice %arg3[%mul3A_23, %dma_start3A_58] : memref<5120x128xi32, #tpu.memory_space<hbm>> -> memref<16x128xi32, #tpu.memory_space<hbm>>
        %dma_start3A_60 = arith.constant 0 : i32
        %dma_start3A_61 = tpu.memref_slice %arg3[%mul3A_23, %dma_start3A_60] : memref<5120x128xi32, #tpu.memory_space<hbm>> -> memref<16x128xi32, #tpu.memory_space<hbm>>
        tpu.enqueue_dma source(%dma_start3A_61 : memref<16x128xi32, #tpu.memory_space<hbm>>) target(%arg8 : memref<16x128xi32, #tpu.memory_space<vmem>>) target_semaphore(%run_scoped3A_57 : memref<!tpu.dma_semaphore, #tpu.memory_space<semaphore_mem>>)
        %dma_wait3A_62 = arith.constant 0 : i32
        %dma_wait3A_63 = tpu.memref_slice %arg3[%mul3A_23, %dma_wait3A_62] : memref<5120x128xi32, #tpu.memory_space<hbm>> -> memref<16x128xi32, #tpu.memory_space<hbm>>
        %dma_wait3A_64 = arith.constant 0 : i32
        %dma_wait3A_65 = tpu.memref_slice %arg3[%mul3A_23, %dma_wait3A_64] : memref<5120x128xi32, #tpu.memory_space<hbm>> -> memref<16x128xi32, #tpu.memory_space<hbm>>
        tpu.wait_dma2 semaphore(%run_scoped3A_57 : memref<!tpu.dma_semaphore, #tpu.memory_space<semaphore_mem>>) src(%dma_wait3A_65 : memref<16x128xi32, #tpu.memory_space<hbm>>) dst(%arg8 : memref<16x128xi32, #tpu.memory_space<vmem>>)
        tpu.yield
      }) : () -> ()
      "tpu.region"() ({
        %run_scoped3A_57 = tpu.sem_alloc : memref<!tpu.dma_semaphore, #tpu.memory_space<semaphore_mem>>
        %dma_start3A_58 = arith.constant 0 : i32
        %dma_start3A_59 = tpu.memref_slice %arg4[%mul3A_23, %dma_start3A_58] : memref<5120x128xi32, #tpu.memory_space<hbm>> -> memref<16x128xi32, #tpu.memory_space<hbm>>
        %dma_start3A_60 = arith.constant 0 : i32
        %dma_start3A_61 = tpu.memref_slice %arg4[%mul3A_23, %dma_start3A_60] : memref<5120x128xi32, #tpu.memory_space<hbm>> -> memref<16x128xi32, #tpu.memory_space<hbm>>
        tpu.enqueue_dma source(%dma_start3A_61 : memref<16x128xi32, #tpu.memory_space<hbm>>) target(%arg9 : memref<16x128xi32, #tpu.memory_space<vmem>>) target_semaphore(%run_scoped3A_57 : memref<!tpu.dma_semaphore, #tpu.memory_space<semaphore_mem>>)
        %dma_wait3A_62 = arith.constant 0 : i32
        %dma_wait3A_63 = tpu.memref_slice %arg4[%mul3A_23, %dma_wait3A_62] : memref<5120x128xi32, #tpu.memory_space<hbm>> -> memref<16x128xi32, #tpu.memory_space<hbm>>
        %dma_wait3A_64 = arith.constant 0 : i32
        %dma_wait3A_65 = tpu.memref_slice %arg4[%mul3A_23, %dma_wait3A_64] : memref<5120x128xi32, #tpu.memory_space<hbm>> -> memref<16x128xi32, #tpu.memory_space<hbm>>
        tpu.wait_dma2 semaphore(%run_scoped3A_57 : memref<!tpu.dma_semaphore, #tpu.memory_space<semaphore_mem>>) src(%dma_wait3A_65 : memref<16x128xi32, #tpu.memory_space<hbm>>) dst(%arg9 : memref<16x128xi32, #tpu.memory_space<vmem>>)
        tpu.yield
      }) : () -> ()
      %dma_start3A = arith.constant 0 : i32
      %dma_start3A_24 = arith.constant 0 : i32
      %dma_start3A_25 = tpu.memref_slice %arg8[%dma_start3A, %dma_start3A_24] : memref<16x128xi32, #tpu.memory_space<vmem>> -> memref<1x128xi32, #tpu.memory_space<vmem>>
      %dma_start3A_26 = tpu.memref_squeeze %dma_start3A_25 : memref<1x128xi32, #tpu.memory_space<vmem>> -> memref<128xi32, #tpu.memory_space<vmem>>
      %dma_start3A_27 = arith.constant 0 : i32
      %dma_start3A_28 = arith.constant 0 : i32
      %dma_start3A_29 = tpu.memref_slice %arg2[%dma_start3A_27, %dma_start3A_28] : memref<10000x128xf32, #tpu.memory_space<hbm>> -> memref<10000x128xf32, #tpu.memory_space<hbm>>
      tpu.enqueue_indirect_dma source(%dma_start3A_29 : memref<10000x128xf32, #tpu.memory_space<hbm>>) target(%arg10 : memref<128x128xf32, #tpu.memory_space<vmem>>) offsets(%dma_start3A_26 : memref<128xi32, #tpu.memory_space<vmem>>) semaphore(%arg13 : memref<!tpu.dma_semaphore, #tpu.memory_space<semaphore_mem>>)
      %scan3A_30 = arith.constant 0 : i32
      %scan3A_31 = arith.constant 0 : i32
      %scan3A_32 = arith.constant 7 : i32
      %scan3A_33 = arith.addi %scan3A_31, %scan3A_32 : i32
      %scan3A_34 = arith.constant 1 : i32
      scf.for %scan3A_57 = %scan3A_31 to %scan3A_33 step %scan3A_34  : i32 {
        %mul3A_58 = arith.constant 2 : i32
        %mul3A_59 = arith.muli %mul3A_58, %scan3A_57 : i32
        %add3A_60 = arith.constant 1 : i32
        %add3A_61 = arith.addi %mul3A_59, %add3A_60 : i32
        %dma_start3A_62 = arith.constant 0 : i32
        %dma_start3A_63 = tpu.memref_slice %arg8[%add3A_61, %dma_start3A_62] : memref<16x128xi32, #tpu.memory_space<vmem>> -> memref<1x128xi32, #tpu.memory_space<vmem>>
        %dma_start3A_64 = tpu.memref_squeeze %dma_start3A_63 : memref<1x128xi32, #tpu.memory_space<vmem>> -> memref<128xi32, #tpu.memory_space<vmem>>
        %dma_start3A_65 = arith.constant 0 : i32
        %dma_start3A_66 = arith.constant 0 : i32
        %dma_start3A_67 = tpu.memref_slice %arg2[%dma_start3A_65, %dma_start3A_66] : memref<10000x128xf32, #tpu.memory_space<hbm>> -> memref<10000x128xf32, #tpu.memory_space<hbm>>
        tpu.enqueue_indirect_dma source(%dma_start3A_67 : memref<10000x128xf32, #tpu.memory_space<hbm>>) target(%arg11 : memref<128x128xf32, #tpu.memory_space<vmem>>) offsets(%dma_start3A_64 : memref<128xi32, #tpu.memory_space<vmem>>) semaphore(%arg14 : memref<!tpu.dma_semaphore, #tpu.memory_space<semaphore_mem>>)
        %dma_wait3A_68 = arith.constant 0 : i32
        %dma_wait3A_69 = arith.constant 0 : i32
        %dma_wait3A_70 = tpu.memref_slice %arg8[%dma_wait3A_68, %dma_wait3A_69] : memref<16x128xi32, #tpu.memory_space<vmem>> -> memref<1x128xi32, #tpu.memory_space<vmem>>
        %dma_wait3A_71 = tpu.memref_squeeze %dma_wait3A_70 : memref<1x128xi32, #tpu.memory_space<vmem>> -> memref<128xi32, #tpu.memory_space<vmem>>
        %dma_wait3A_72 = arith.constant 0 : i32
        %dma_wait3A_73 = arith.constant 0 : i32
        %dma_wait3A_74 = tpu.memref_slice %arg2[%dma_wait3A_72, %dma_wait3A_73] : memref<10000x128xf32, #tpu.memory_space<hbm>> -> memref<10000x128xf32, #tpu.memory_space<hbm>>
        tpu.wait_indirect_dma semaphore(%arg13 : memref<!tpu.dma_semaphore, #tpu.memory_space<semaphore_mem>>) src(%dma_wait3A_74 : memref<10000x128xf32, #tpu.memory_space<hbm>>) dst(%arg10 : memref<128x128xf32, #tpu.memory_space<vmem>>)
        %mul3A_75 = arith.constant 2 : i32
        %mul3A_76 = arith.muli %mul3A_75, %scan3A_57 : i32
        "tpu.region"() ({
          %run_scoped3A_98 = tpu.sem_alloc : memref<!tpu.dma_semaphore, #tpu.memory_space<semaphore_mem>>
          %dma_start3A_99 = arith.constant 0 : i32
          %dma_start3A_100 = tpu.memref_slice %arg9[%mul3A_76, %dma_start3A_99] : memref<16x128xi32, #tpu.memory_space<vmem>> -> memref<1x128xi32, #tpu.memory_space<vmem>>
          %dma_start3A_101 = tpu.memref_squeeze %dma_start3A_100 : memref<1x128xi32, #tpu.memory_space<vmem>> -> memref<128xi32, #tpu.memory_space<vmem>>
          %dma_start3A_102 = arith.constant 0 : i32
          %dma_start3A_103 = arith.constant 0 : i32
          %dma_start3A_104 = tpu.memref_slice %arg12[%dma_start3A_102, %dma_start3A_103] : memref<10112x128xf32, #tpu.memory_space<vmem_shared>> -> memref<10112x128xf32, #tpu.memory_space<vmem_shared>>
          tpu.enqueue_indirect_dma source(%arg10 : memref<128x128xf32, #tpu.memory_space<vmem>>) target(%dma_start3A_104 : memref<10112x128xf32, #tpu.memory_space<vmem_shared>>) offsets(%dma_start3A_101 : memref<128xi32, #tpu.memory_space<vmem>>) semaphore(%run_scoped3A_98 : memref<!tpu.dma_semaphore, #tpu.memory_space<semaphore_mem>>) {add = true}
          %dma_wait3A_105 = arith.constant 0 : i32
          %dma_wait3A_106 = tpu.memref_slice %arg9[%mul3A_76, %dma_wait3A_105] : memref<16x128xi32, #tpu.memory_space<vmem>> -> memref<1x128xi32, #tpu.memory_space<vmem>>
          %dma_wait3A_107 = tpu.memref_squeeze %dma_wait3A_106 : memref<1x128xi32, #tpu.memory_space<vmem>> -> memref<128xi32, #tpu.memory_space<vmem>>
          %dma_wait3A_108 = arith.constant 0 : i32
          %dma_wait3A_109 = arith.constant 0 : i32
          %dma_wait3A_110 = tpu.memref_slice %arg12[%dma_wait3A_108, %dma_wait3A_109] : memref<10112x128xf32, #tpu.memory_space<vmem_shared>> -> memref<10112x128xf32, #tpu.memory_space<vmem_shared>>
          tpu.wait_indirect_dma semaphore(%run_scoped3A_98 : memref<!tpu.dma_semaphore, #tpu.memory_space<semaphore_mem>>) src(%arg10 : memref<128x128xf32, #tpu.memory_space<vmem>>) dst(%dma_wait3A_110 : memref<10112x128xf32, #tpu.memory_space<vmem_shared>>)
          tpu.yield
        }) : () -> ()
        %mul3A_77 = arith.constant 2 : i32
        %mul3A_78 = arith.muli %mul3A_77, %scan3A_57 : i32
        %add3A_79 = arith.constant 2 : i32
        %add3A_80 = arith.addi %mul3A_78, %add3A_79 : i32
        %dma_start3A_81 = arith.constant 0 : i32
        %dma_start3A_82 = tpu.memref_slice %arg8[%add3A_80, %dma_start3A_81] : memref<16x128xi32, #tpu.memory_space<vmem>> -> memref<1x128xi32, #tpu.memory_space<vmem>>
        %dma_start3A_83 = tpu.memref_squeeze %dma_start3A_82 : memref<1x128xi32, #tpu.memory_space<vmem>> -> memref<128xi32, #tpu.memory_space<vmem>>
        %dma_start3A_84 = arith.constant 0 : i32
        %dma_start3A_85 = arith.constant 0 : i32
        %dma_start3A_86 = tpu.memref_slice %arg2[%dma_start3A_84, %dma_start3A_85] : memref<10000x128xf32, #tpu.memory_space<hbm>> -> memref<10000x128xf32, #tpu.memory_space<hbm>>
        tpu.enqueue_indirect_dma source(%dma_start3A_86 : memref<10000x128xf32, #tpu.memory_space<hbm>>) target(%arg10 : memref<128x128xf32, #tpu.memory_space<vmem>>) offsets(%dma_start3A_83 : memref<128xi32, #tpu.memory_space<vmem>>) semaphore(%arg13 : memref<!tpu.dma_semaphore, #tpu.memory_space<semaphore_mem>>)
        %dma_wait3A_87 = arith.constant 0 : i32
        %dma_wait3A_88 = arith.constant 0 : i32
        %dma_wait3A_89 = tpu.memref_slice %arg8[%dma_wait3A_87, %dma_wait3A_88] : memref<16x128xi32, #tpu.memory_space<vmem>> -> memref<1x128xi32, #tpu.memory_space<vmem>>
        %dma_wait3A_90 = tpu.memref_squeeze %dma_wait3A_89 : memref<1x128xi32, #tpu.memory_space<vmem>> -> memref<128xi32, #tpu.memory_space<vmem>>
        %dma_wait3A_91 = arith.constant 0 : i32
        %dma_wait3A_92 = arith.constant 0 : i32
        %dma_wait3A_93 = tpu.memref_slice %arg2[%dma_wait3A_91, %dma_wait3A_92] : memref<10000x128xf32, #tpu.memory_space<hbm>> -> memref<10000x128xf32, #tpu.memory_space<hbm>>
        tpu.wait_indirect_dma semaphore(%arg14 : memref<!tpu.dma_semaphore, #tpu.memory_space<semaphore_mem>>) src(%dma_wait3A_93 : memref<10000x128xf32, #tpu.memory_space<hbm>>) dst(%arg11 : memref<128x128xf32, #tpu.memory_space<vmem>>)
        %mul3A_94 = arith.constant 2 : i32
        %mul3A_95 = arith.muli %mul3A_94, %scan3A_57 : i32
        %add3A_96 = arith.constant 1 : i32
        %add3A_97 = arith.addi %mul3A_95, %add3A_96 : i32
        "tpu.region"() ({
          %run_scoped3A_98 = tpu.sem_alloc : memref<!tpu.dma_semaphore, #tpu.memory_space<semaphore_mem>>
          %dma_start3A_99 = arith.constant 0 : i32
          %dma_start3A_100 = tpu.memref_slice %arg9[%add3A_97, %dma_start3A_99] : memref<16x128xi32, #tpu.memory_space<vmem>> -> memref<1x128xi32, #tpu.memory_space<vmem>>
          %dma_start3A_101 = tpu.memref_squeeze %dma_start3A_100 : memref<1x128xi32, #tpu.memory_space<vmem>> -> memref<128xi32, #tpu.memory_space<vmem>>
          %dma_start3A_102 = arith.constant 0 : i32
          %dma_start3A_103 = arith.constant 0 : i32
          %dma_start3A_104 = tpu.memref_slice %arg12[%dma_start3A_102, %dma_start3A_103] : memref<10112x128xf32, #tpu.memory_space<vmem_shared>> -> memref<10112x128xf32, #tpu.memory_space<vmem_shared>>
          tpu.enqueue_indirect_dma source(%arg11 : memref<128x128xf32, #tpu.memory_space<vmem>>) target(%dma_start3A_104 : memref<10112x128xf32, #tpu.memory_space<vmem_shared>>) offsets(%dma_start3A_101 : memref<128xi32, #tpu.memory_space<vmem>>) semaphore(%run_scoped3A_98 : memref<!tpu.dma_semaphore, #tpu.memory_space<semaphore_mem>>) {add = true}
          %dma_wait3A_105 = arith.constant 0 : i32
          %dma_wait3A_106 = tpu.memref_slice %arg9[%add3A_97, %dma_wait3A_105] : memref<16x128xi32, #tpu.memory_space<vmem>> -> memref<1x128xi32, #tpu.memory_space<vmem>>
          %dma_wait3A_107 = tpu.memref_squeeze %dma_wait3A_106 : memref<1x128xi32, #tpu.memory_space<vmem>> -> memref<128xi32, #tpu.memory_space<vmem>>
          %dma_wait3A_108 = arith.constant 0 : i32
          %dma_wait3A_109 = arith.constant 0 : i32
          %dma_wait3A_110 = tpu.memref_slice %arg12[%dma_wait3A_108, %dma_wait3A_109] : memref<10112x128xf32, #tpu.memory_space<vmem_shared>> -> memref<10112x128xf32, #tpu.memory_space<vmem_shared>>
          tpu.wait_indirect_dma semaphore(%run_scoped3A_98 : memref<!tpu.dma_semaphore, #tpu.memory_space<semaphore_mem>>) src(%arg11 : memref<128x128xf32, #tpu.memory_space<vmem>>) dst(%dma_wait3A_110 : memref<10112x128xf32, #tpu.memory_space<vmem_shared>>)
          tpu.yield
        }) : () -> ()
      }
      %scan3A_35 = arith.constant 7 : i32
      %dma_start3A_36 = arith.constant 15 : i32
      %dma_start3A_37 = arith.constant 0 : i32
      %dma_start3A_38 = tpu.memref_slice %arg8[%dma_start3A_36, %dma_start3A_37] : memref<16x128xi32, #tpu.memory_space<vmem>> -> memref<1x128xi32, #tpu.memory_space<vmem>>
      %dma_start3A_39 = tpu.memref_squeeze %dma_start3A_38 : memref<1x128xi32, #tpu.memory_space<vmem>> -> memref<128xi32, #tpu.memory_space<vmem>>
      %dma_start3A_40 = arith.constant 0 : i32
      %dma_start3A_41 = arith.constant 0 : i32
      %dma_start3A_42 = tpu.memref_slice %arg2[%dma_start3A_40, %dma_start3A_41] : memref<10000x128xf32, #tpu.memory_space<hbm>> -> memref<10000x128xf32, #tpu.memory_space<hbm>>
      tpu.enqueue_indirect_dma source(%dma_start3A_42 : memref<10000x128xf32, #tpu.memory_space<hbm>>) target(%arg11 : memref<128x128xf32, #tpu.memory_space<vmem>>) offsets(%dma_start3A_39 : memref<128xi32, #tpu.memory_space<vmem>>) semaphore(%arg14 : memref<!tpu.dma_semaphore, #tpu.memory_space<semaphore_mem>>)
      %dma_wait3A = arith.constant 0 : i32
      %dma_wait3A_43 = arith.constant 0 : i32
      %dma_wait3A_44 = tpu.memref_slice %arg8[%dma_wait3A, %dma_wait3A_43] : memref<16x128xi32, #tpu.memory_space<vmem>> -> memref<1x128xi32, #tpu.memory_space<vmem>>
      %dma_wait3A_45 = tpu.memref_squeeze %dma_wait3A_44 : memref<1x128xi32, #tpu.memory_space<vmem>> -> memref<128xi32, #tpu.memory_space<vmem>>
      %dma_wait3A_46 = arith.constant 0 : i32
      %dma_wait3A_47 = arith.constant 0 : i32
      %dma_wait3A_48 = tpu.memref_slice %arg2[%dma_wait3A_46, %dma_wait3A_47] : memref<10000x128xf32, #tpu.memory_space<hbm>> -> memref<10000x128xf32, #tpu.memory_space<hbm>>
      tpu.wait_indirect_dma semaphore(%arg13 : memref<!tpu.dma_semaphore, #tpu.memory_space<semaphore_mem>>) src(%dma_wait3A_48 : memref<10000x128xf32, #tpu.memory_space<hbm>>) dst(%arg10 : memref<128x128xf32, #tpu.memory_space<vmem>>)
      %run_scoped3A = arith.constant 14 : i32
      "tpu.region"() ({
        %run_scoped3A_57 = tpu.sem_alloc : memref<!tpu.dma_semaphore, #tpu.memory_space<semaphore_mem>>
        %dma_start3A_58 = arith.constant 0 : i32
        %dma_start3A_59 = tpu.memref_slice %arg9[%run_scoped3A, %dma_start3A_58] : memref<16x128xi32, #tpu.memory_space<vmem>> -> memref<1x128xi32, #tpu.memory_space<vmem>>
        %dma_start3A_60 = tpu.memref_squeeze %dma_start3A_59 : memref<1x128xi32, #tpu.memory_space<vmem>> -> memref<128xi32, #tpu.memory_space<vmem>>
        %dma_start3A_61 = arith.constant 0 : i32
        %dma_start3A_62 = arith.constant 0 : i32
        %dma_start3A_63 = tpu.memref_slice %arg12[%dma_start3A_61, %dma_start3A_62] : memref<10112x128xf32, #tpu.memory_space<vmem_shared>> -> memref<10112x128xf32, #tpu.memory_space<vmem_shared>>
        tpu.enqueue_indirect_dma source(%arg10 : memref<128x128xf32, #tpu.memory_space<vmem>>) target(%dma_start3A_63 : memref<10112x128xf32, #tpu.memory_space<vmem_shared>>) offsets(%dma_start3A_60 : memref<128xi32, #tpu.memory_space<vmem>>) semaphore(%run_scoped3A_57 : memref<!tpu.dma_semaphore, #tpu.memory_space<semaphore_mem>>) {add = true}
        %dma_wait3A_64 = arith.constant 0 : i32
        %dma_wait3A_65 = tpu.memref_slice %arg9[%run_scoped3A, %dma_wait3A_64] : memref<16x128xi32, #tpu.memory_space<vmem>> -> memref<1x128xi32, #tpu.memory_space<vmem>>
        %dma_wait3A_66 = tpu.memref_squeeze %dma_wait3A_65 : memref<1x128xi32, #tpu.memory_space<vmem>> -> memref<128xi32, #tpu.memory_space<vmem>>
        %dma_wait3A_67 = arith.constant 0 : i32
        %dma_wait3A_68 = arith.constant 0 : i32
        %dma_wait3A_69 = tpu.memref_slice %arg12[%dma_wait3A_67, %dma_wait3A_68] : memref<10112x128xf32, #tpu.memory_space<vmem_shared>> -> memref<10112x128xf32, #tpu.memory_space<vmem_shared>>
        tpu.wait_indirect_dma semaphore(%run_scoped3A_57 : memref<!tpu.dma_semaphore, #tpu.memory_space<semaphore_mem>>) src(%arg10 : memref<128x128xf32, #tpu.memory_space<vmem>>) dst(%dma_wait3A_69 : memref<10112x128xf32, #tpu.memory_space<vmem_shared>>)
        tpu.yield
      }) : () -> ()
      %dma_wait3A_49 = arith.constant 0 : i32
      %dma_wait3A_50 = arith.constant 0 : i32
      %dma_wait3A_51 = tpu.memref_slice %arg8[%dma_wait3A_49, %dma_wait3A_50] : memref<16x128xi32, #tpu.memory_space<vmem>> -> memref<1x128xi32, #tpu.memory_space<vmem>>
      %dma_wait3A_52 = tpu.memref_squeeze %dma_wait3A_51 : memref<1x128xi32, #tpu.memory_space<vmem>> -> memref<128xi32, #tpu.memory_space<vmem>>
      %dma_wait3A_53 = arith.constant 0 : i32
      %dma_wait3A_54 = arith.constant 0 : i32
      %dma_wait3A_55 = tpu.memref_slice %arg2[%dma_wait3A_53, %dma_wait3A_54] : memref<10000x128xf32, #tpu.memory_space<hbm>> -> memref<10000x128xf32, #tpu.memory_space<hbm>>
      tpu.wait_indirect_dma semaphore(%arg14 : memref<!tpu.dma_semaphore, #tpu.memory_space<semaphore_mem>>) src(%dma_wait3A_55 : memref<10000x128xf32, #tpu.memory_space<hbm>>) dst(%arg11 : memref<128x128xf32, #tpu.memory_space<vmem>>)
      %run_scoped3A_56 = arith.constant 15 : i32
      "tpu.region"() ({
        %run_scoped3A_57 = tpu.sem_alloc : memref<!tpu.dma_semaphore, #tpu.memory_space<semaphore_mem>>
        %dma_start3A_58 = arith.constant 0 : i32
        %dma_start3A_59 = tpu.memref_slice %arg9[%run_scoped3A_56, %dma_start3A_58] : memref<16x128xi32, #tpu.memory_space<vmem>> -> memref<1x128xi32, #tpu.memory_space<vmem>>
        %dma_start3A_60 = tpu.memref_squeeze %dma_start3A_59 : memref<1x128xi32, #tpu.memory_space<vmem>> -> memref<128xi32, #tpu.memory_space<vmem>>
        %dma_start3A_61 = arith.constant 0 : i32
        %dma_start3A_62 = arith.constant 0 : i32
        %dma_start3A_63 = tpu.memref_slice %arg12[%dma_start3A_61, %dma_start3A_62] : memref<10112x128xf32, #tpu.memory_space<vmem_shared>> -> memref<10112x128xf32, #tpu.memory_space<vmem_shared>>
        tpu.enqueue_indirect_dma source(%arg11 : memref<128x128xf32, #tpu.memory_space<vmem>>) target(%dma_start3A_63 : memref<10112x128xf32, #tpu.memory_space<vmem_shared>>) offsets(%dma_start3A_60 : memref<128xi32, #tpu.memory_space<vmem>>) semaphore(%run_scoped3A_57 : memref<!tpu.dma_semaphore, #tpu.memory_space<semaphore_mem>>) {add = true}
        %dma_wait3A_64 = arith.constant 0 : i32
        %dma_wait3A_65 = tpu.memref_slice %arg9[%run_scoped3A_56, %dma_wait3A_64] : memref<16x128xi32, #tpu.memory_space<vmem>> -> memref<1x128xi32, #tpu.memory_space<vmem>>
        %dma_wait3A_66 = tpu.memref_squeeze %dma_wait3A_65 : memref<1x128xi32, #tpu.memory_space<vmem>> -> memref<128xi32, #tpu.memory_space<vmem>>
        %dma_wait3A_67 = arith.constant 0 : i32
        %dma_wait3A_68 = arith.constant 0 : i32
        %dma_wait3A_69 = tpu.memref_slice %arg12[%dma_wait3A_67, %dma_wait3A_68] : memref<10112x128xf32, #tpu.memory_space<vmem_shared>> -> memref<10112x128xf32, #tpu.memory_space<vmem_shared>>
        tpu.wait_indirect_dma semaphore(%run_scoped3A_57 : memref<!tpu.dma_semaphore, #tpu.memory_space<semaphore_mem>>) src(%arg11 : memref<128x128xf32, #tpu.memory_space<vmem>>) dst(%dma_wait3A_69 : memref<10112x128xf32, #tpu.memory_space<vmem_shared>>)
        tpu.yield
      }) : () -> ()
    }
    %scan3A_9 = arith.constant 10 : i32
    %barrier3A_10 = arith.constant 0 : index
    tpu.barrier barrier_id(%barrier3A_10)
    %eq3A = arith.constant 0 : i32
    %eq3A_11 = arith.cmpi eq, %arg0, %eq3A : i32
    %convert_element_type3A = arith.extui %eq3A_11 : i1 to i32
    %cond3A = arith.constant 0 : i32
    %cond3A_12 = arith.cmpi ne, %convert_element_type3A, %cond3A : i32
    scf.if %cond3A_12 {
      %mul3A_18 = arith.constant 632 : i32
      %mul3A_19 = arith.muli %arg1, %mul3A_18 : i32
      %mul3A_20 = arith.constant 632 : i32
      %mul3A_21 = arith.muli %arg1, %mul3A_20 : i32
      "tpu.region"() ({
        %run_scoped3A = tpu.sem_alloc : memref<!tpu.dma_semaphore, #tpu.memory_space<semaphore_mem>>
        %dma_start3A = arith.constant 0 : i32
        %dma_start3A_22 = tpu.memref_slice %arg6[%mul3A_21, %dma_start3A] : memref<10112x128xf32, #tpu.memory_space<hbm>> -> memref<632x128xf32, #tpu.memory_space<hbm>>
        %dma_start3A_23 = arith.constant 0 : i32
        %dma_start3A_24 = tpu.memref_slice %arg12[%mul3A_19, %dma_start3A_23] : memref<10112x128xf32, #tpu.memory_space<vmem_shared>> -> memref<632x128xf32, #tpu.memory_space<vmem_shared>>
        tpu.enqueue_dma source(%dma_start3A_24 : memref<632x128xf32, #tpu.memory_space<vmem_shared>>) target(%dma_start3A_22 : memref<632x128xf32, #tpu.memory_space<hbm>>) target_semaphore(%run_scoped3A : memref<!tpu.dma_semaphore, #tpu.memory_space<semaphore_mem>>)
        %dma_wait3A = arith.constant 0 : i32
        %dma_wait3A_25 = tpu.memref_slice %arg6[%mul3A_21, %dma_wait3A] : memref<10112x128xf32, #tpu.memory_space<hbm>> -> memref<632x128xf32, #tpu.memory_space<hbm>>
        %dma_wait3A_26 = arith.constant 0 : i32
        %dma_wait3A_27 = tpu.memref_slice %arg12[%mul3A_19, %dma_wait3A_26] : memref<10112x128xf32, #tpu.memory_space<vmem_shared>> -> memref<632x128xf32, #tpu.memory_space<vmem_shared>>
        tpu.wait_dma2 semaphore(%run_scoped3A : memref<!tpu.dma_semaphore, #tpu.memory_space<semaphore_mem>>) src(%dma_wait3A_27 : memref<632x128xf32, #tpu.memory_space<vmem_shared>>) dst(%dma_wait3A_25 : memref<632x128xf32, #tpu.memory_space<hbm>>)
        tpu.yield
      }) : () -> ()
    } else {
    }
    %eq3A_13 = arith.constant 1 : i32
    %eq3A_14 = arith.cmpi eq, %arg0, %eq3A_13 : i32
    %convert_element_type3A_15 = arith.extui %eq3A_14 : i1 to i32
    %cond3A_16 = arith.constant 0 : i32
    %cond3A_17 = arith.cmpi ne, %convert_element_type3A_15, %cond3A_16 : i32
    scf.if %cond3A_17 {
      %mul3A_18 = arith.constant 632 : i32
      %mul3A_19 = arith.muli %arg1, %mul3A_18 : i32
      %mul3A_20 = arith.constant 632 : i32
      %mul3A_21 = arith.muli %arg1, %mul3A_20 : i32
      "tpu.region"() ({
        %run_scoped3A = tpu.sem_alloc : memref<!tpu.dma_semaphore, #tpu.memory_space<semaphore_mem>>
        %dma_start3A = arith.constant 0 : i32
        %dma_start3A_22 = tpu.memref_slice %arg7[%mul3A_21, %dma_start3A] : memref<10112x128xf32, #tpu.memory_space<hbm>> -> memref<632x128xf32, #tpu.memory_space<hbm>>
        %dma_start3A_23 = arith.constant 0 : i32
        %dma_start3A_24 = tpu.memref_slice %arg12[%mul3A_19, %dma_start3A_23] : memref<10112x128xf32, #tpu.memory_space<vmem_shared>> -> memref<632x128xf32, #tpu.memory_space<vmem_shared>>
        tpu.enqueue_dma source(%dma_start3A_24 : memref<632x128xf32, #tpu.memory_space<vmem_shared>>) target(%dma_start3A_22 : memref<632x128xf32, #tpu.memory_space<hbm>>) target_semaphore(%run_scoped3A : memref<!tpu.dma_semaphore, #tpu.memory_space<semaphore_mem>>)
        %dma_wait3A = arith.constant 0 : i32
        %dma_wait3A_25 = tpu.memref_slice %arg7[%mul3A_21, %dma_wait3A] : memref<10112x128xf32, #tpu.memory_space<hbm>> -> memref<632x128xf32, #tpu.memory_space<hbm>>
        %dma_wait3A_26 = arith.constant 0 : i32
        %dma_wait3A_27 = tpu.memref_slice %arg12[%mul3A_19, %dma_wait3A_26] : memref<10112x128xf32, #tpu.memory_space<vmem_shared>> -> memref<632x128xf32, #tpu.memory_space<vmem_shared>>
        tpu.wait_dma2 semaphore(%run_scoped3A : memref<!tpu.dma_semaphore, #tpu.memory_space<semaphore_mem>>) src(%dma_wait3A_27 : memref<632x128xf32, #tpu.memory_space<vmem_shared>>) dst(%dma_wait3A_25 : memref<632x128xf32, #tpu.memory_space<hbm>>)
        tpu.yield
      }) : () -> ()
    } else {
    }
    return
  }
}

#map = affine_map<(d0, d1) -> (0, 0)>
module attributes {stable_mosaic.version = 14 : i64} {
  func.func @_degree_body(%arg0: i32, %arg1: i32, %arg2: memref<5120x128xi32, #tpu.memory_space<hbm>>, %arg3: memref<10112x128xf32, #tpu.memory_space<hbm>>, %arg4: memref<128x128xf32, #tpu.memory_space<hbm>>, %arg5: memref<10112x128xf32, #tpu.memory_space<hbm>>, %arg6: memref<10112x128xf32, #tpu.memory_space<hbm>>, %arg7: memref<16x128xi32, #tpu.memory_space<vmem>>, %arg8: memref<128x128xf32, #tpu.memory_space<vmem>>, %arg9: memref<10112x128xf32, #tpu.memory_space<vmem_shared>>, %arg10: memref<!tpu.dma_semaphore, #tpu.memory_space<semaphore_mem>>) attributes {dimension_semantics = [#tpu.dimension_semantics<core_parallel>, #tpu.dimension_semantics<subcore_parallel>], iteration_bounds = array<i64: 2, 16>, scalar_prefetch = 0 : i64, scratch_operands = 4 : i64, tpu.core_type = #tpu.core_type<sc_vector_subcore>, window_params = [{transform_indices = #map}, {transform_indices = #map}, {transform_indices = #map}, {transform_indices = #map}, {transform_indices = #map}]} {
    %mul3A = arith.constant 16 : i32
    %mul3A_0 = arith.muli %arg0, %mul3A : i32
    %add3A = arith.addi %mul3A_0, %arg1 : i32
    %mul3A_1 = arith.constant 632 : i32
    %mul3A_2 = arith.muli %arg1, %mul3A_1 : i32
    %mul3A_3 = arith.constant 632 : i32
    %mul3A_4 = arith.muli %arg1, %mul3A_3 : i32
    "tpu.region"() ({
      %run_scoped3A = tpu.sem_alloc : memref<!tpu.dma_semaphore, #tpu.memory_space<semaphore_mem>>
      %dma_start3A = arith.constant 0 : i32
      %dma_start3A_18 = tpu.memref_slice %arg9[%mul3A_4, %dma_start3A] : memref<10112x128xf32, #tpu.memory_space<vmem_shared>> -> memref<632x128xf32, #tpu.memory_space<vmem_shared>>
      %dma_start3A_19 = arith.constant 0 : i32
      %dma_start3A_20 = tpu.memref_slice %arg3[%mul3A_2, %dma_start3A_19] : memref<10112x128xf32, #tpu.memory_space<hbm>> -> memref<632x128xf32, #tpu.memory_space<hbm>>
      tpu.enqueue_dma source(%dma_start3A_20 : memref<632x128xf32, #tpu.memory_space<hbm>>) target(%dma_start3A_18 : memref<632x128xf32, #tpu.memory_space<vmem_shared>>) target_semaphore(%run_scoped3A : memref<!tpu.dma_semaphore, #tpu.memory_space<semaphore_mem>>)
      %dma_wait3A = arith.constant 0 : i32
      %dma_wait3A_21 = tpu.memref_slice %arg9[%mul3A_4, %dma_wait3A] : memref<10112x128xf32, #tpu.memory_space<vmem_shared>> -> memref<632x128xf32, #tpu.memory_space<vmem_shared>>
      %dma_wait3A_22 = arith.constant 0 : i32
      %dma_wait3A_23 = tpu.memref_slice %arg3[%mul3A_2, %dma_wait3A_22] : memref<10112x128xf32, #tpu.memory_space<hbm>> -> memref<632x128xf32, #tpu.memory_space<hbm>>
      tpu.wait_dma2 semaphore(%run_scoped3A : memref<!tpu.dma_semaphore, #tpu.memory_space<semaphore_mem>>) src(%dma_wait3A_23 : memref<632x128xf32, #tpu.memory_space<hbm>>) dst(%dma_wait3A_21 : memref<632x128xf32, #tpu.memory_space<vmem_shared>>)
      tpu.yield
    }) : () -> ()
    "tpu.region"() ({
      %run_scoped3A = tpu.sem_alloc : memref<!tpu.dma_semaphore, #tpu.memory_space<semaphore_mem>>
      tpu.enqueue_dma source(%arg4 : memref<128x128xf32, #tpu.memory_space<hbm>>) target(%arg8 : memref<128x128xf32, #tpu.memory_space<vmem>>) target_semaphore(%run_scoped3A : memref<!tpu.dma_semaphore, #tpu.memory_space<semaphore_mem>>)
      tpu.wait_dma2 semaphore(%run_scoped3A : memref<!tpu.dma_semaphore, #tpu.memory_space<semaphore_mem>>) src(%arg4 : memref<128x128xf32, #tpu.memory_space<hbm>>) dst(%arg8 : memref<128x128xf32, #tpu.memory_space<vmem>>)
      tpu.yield
    }) : () -> ()
    %barrier3A = arith.constant 0 : index
    tpu.barrier barrier_id(%barrier3A)
    %scan3A = arith.constant 0 : i32
    %scan3A_5 = arith.constant 0 : i32
    %scan3A_6 = arith.constant 10 : i32
    %scan3A_7 = arith.addi %scan3A_5, %scan3A_6 : i32
    %scan3A_8 = arith.constant 1 : i32
    scf.for %scan3A_18 = %scan3A_5 to %scan3A_7 step %scan3A_8  : i32 {
      %mul3A_19 = arith.constant 10 : i32
      %mul3A_20 = arith.muli %add3A, %mul3A_19 : i32
      %add3A_21 = arith.addi %mul3A_20, %scan3A_18 : i32
      %mul3A_22 = arith.constant 16 : i32
      %mul3A_23 = arith.muli %add3A_21, %mul3A_22 : i32
      "tpu.region"() ({
        %run_scoped3A = tpu.sem_alloc : memref<!tpu.dma_semaphore, #tpu.memory_space<semaphore_mem>>
        %dma_start3A = arith.constant 0 : i32
        %dma_start3A_30 = tpu.memref_slice %arg2[%mul3A_23, %dma_start3A] : memref<5120x128xi32, #tpu.memory_space<hbm>> -> memref<16x128xi32, #tpu.memory_space<hbm>>
        %dma_start3A_31 = arith.constant 0 : i32
        %dma_start3A_32 = tpu.memref_slice %arg2[%mul3A_23, %dma_start3A_31] : memref<5120x128xi32, #tpu.memory_space<hbm>> -> memref<16x128xi32, #tpu.memory_space<hbm>>
        tpu.enqueue_dma source(%dma_start3A_32 : memref<16x128xi32, #tpu.memory_space<hbm>>) target(%arg7 : memref<16x128xi32, #tpu.memory_space<vmem>>) target_semaphore(%run_scoped3A : memref<!tpu.dma_semaphore, #tpu.memory_space<semaphore_mem>>)
        %dma_wait3A = arith.constant 0 : i32
        %dma_wait3A_33 = tpu.memref_slice %arg2[%mul3A_23, %dma_wait3A] : memref<5120x128xi32, #tpu.memory_space<hbm>> -> memref<16x128xi32, #tpu.memory_space<hbm>>
        %dma_wait3A_34 = arith.constant 0 : i32
        %dma_wait3A_35 = tpu.memref_slice %arg2[%mul3A_23, %dma_wait3A_34] : memref<5120x128xi32, #tpu.memory_space<hbm>> -> memref<16x128xi32, #tpu.memory_space<hbm>>
        tpu.wait_dma2 semaphore(%run_scoped3A : memref<!tpu.dma_semaphore, #tpu.memory_space<semaphore_mem>>) src(%dma_wait3A_35 : memref<16x128xi32, #tpu.memory_space<hbm>>) dst(%arg7 : memref<16x128xi32, #tpu.memory_space<vmem>>)
        tpu.yield
      }) : () -> ()
      %scan3A_24 = arith.constant 0 : i32
      %scan3A_25 = arith.constant 0 : i32
      %scan3A_26 = arith.constant 16 : i32
      %scan3A_27 = arith.addi %scan3A_25, %scan3A_26 : i32
      %scan3A_28 = arith.constant 1 : i32
      scf.for %scan3A_30 = %scan3A_25 to %scan3A_27 step %scan3A_28  : i32 {
        "tpu.region"() ({
          %run_scoped3A = tpu.sem_alloc : memref<!tpu.dma_semaphore, #tpu.memory_space<semaphore_mem>>
          %dma_start3A = arith.constant 0 : i32
          %dma_start3A_31 = tpu.memref_slice %arg7[%scan3A_30, %dma_start3A] : memref<16x128xi32, #tpu.memory_space<vmem>> -> memref<1x128xi32, #tpu.memory_space<vmem>>
          %dma_start3A_32 = tpu.memref_squeeze %dma_start3A_31 : memref<1x128xi32, #tpu.memory_space<vmem>> -> memref<128xi32, #tpu.memory_space<vmem>>
          %dma_start3A_33 = arith.constant 0 : i32
          %dma_start3A_34 = arith.constant 0 : i32
          %dma_start3A_35 = tpu.memref_slice %arg9[%dma_start3A_33, %dma_start3A_34] : memref<10112x128xf32, #tpu.memory_space<vmem_shared>> -> memref<10112x128xf32, #tpu.memory_space<vmem_shared>>
          tpu.enqueue_indirect_dma source(%arg8 : memref<128x128xf32, #tpu.memory_space<vmem>>) target(%dma_start3A_35 : memref<10112x128xf32, #tpu.memory_space<vmem_shared>>) offsets(%dma_start3A_32 : memref<128xi32, #tpu.memory_space<vmem>>) semaphore(%run_scoped3A : memref<!tpu.dma_semaphore, #tpu.memory_space<semaphore_mem>>) {add = true}
          %dma_wait3A = arith.constant 0 : i32
          %dma_wait3A_36 = tpu.memref_slice %arg7[%scan3A_30, %dma_wait3A] : memref<16x128xi32, #tpu.memory_space<vmem>> -> memref<1x128xi32, #tpu.memory_space<vmem>>
          %dma_wait3A_37 = tpu.memref_squeeze %dma_wait3A_36 : memref<1x128xi32, #tpu.memory_space<vmem>> -> memref<128xi32, #tpu.memory_space<vmem>>
          %dma_wait3A_38 = arith.constant 0 : i32
          %dma_wait3A_39 = arith.constant 0 : i32
          %dma_wait3A_40 = tpu.memref_slice %arg9[%dma_wait3A_38, %dma_wait3A_39] : memref<10112x128xf32, #tpu.memory_space<vmem_shared>> -> memref<10112x128xf32, #tpu.memory_space<vmem_shared>>
          tpu.wait_indirect_dma semaphore(%run_scoped3A : memref<!tpu.dma_semaphore, #tpu.memory_space<semaphore_mem>>) src(%arg8 : memref<128x128xf32, #tpu.memory_space<vmem>>) dst(%dma_wait3A_40 : memref<10112x128xf32, #tpu.memory_space<vmem_shared>>)
          tpu.yield
        }) : () -> ()
      }
      %scan3A_29 = arith.constant 16 : i32
    }
    %scan3A_9 = arith.constant 10 : i32
    %barrier3A_10 = arith.constant 0 : index
    tpu.barrier barrier_id(%barrier3A_10)
    %eq3A = arith.constant 0 : i32
    %eq3A_11 = arith.cmpi eq, %arg0, %eq3A : i32
    %convert_element_type3A = arith.extui %eq3A_11 : i1 to i32
    %cond3A = arith.constant 0 : i32
    %cond3A_12 = arith.cmpi ne, %convert_element_type3A, %cond3A : i32
    scf.if %cond3A_12 {
      %mul3A_18 = arith.constant 632 : i32
      %mul3A_19 = arith.muli %arg1, %mul3A_18 : i32
      %mul3A_20 = arith.constant 632 : i32
      %mul3A_21 = arith.muli %arg1, %mul3A_20 : i32
      "tpu.region"() ({
        %run_scoped3A = tpu.sem_alloc : memref<!tpu.dma_semaphore, #tpu.memory_space<semaphore_mem>>
        %dma_start3A = arith.constant 0 : i32
        %dma_start3A_22 = tpu.memref_slice %arg5[%mul3A_21, %dma_start3A] : memref<10112x128xf32, #tpu.memory_space<hbm>> -> memref<632x128xf32, #tpu.memory_space<hbm>>
        %dma_start3A_23 = arith.constant 0 : i32
        %dma_start3A_24 = tpu.memref_slice %arg9[%mul3A_19, %dma_start3A_23] : memref<10112x128xf32, #tpu.memory_space<vmem_shared>> -> memref<632x128xf32, #tpu.memory_space<vmem_shared>>
        tpu.enqueue_dma source(%dma_start3A_24 : memref<632x128xf32, #tpu.memory_space<vmem_shared>>) target(%dma_start3A_22 : memref<632x128xf32, #tpu.memory_space<hbm>>) target_semaphore(%run_scoped3A : memref<!tpu.dma_semaphore, #tpu.memory_space<semaphore_mem>>)
        %dma_wait3A = arith.constant 0 : i32
        %dma_wait3A_25 = tpu.memref_slice %arg5[%mul3A_21, %dma_wait3A] : memref<10112x128xf32, #tpu.memory_space<hbm>> -> memref<632x128xf32, #tpu.memory_space<hbm>>
        %dma_wait3A_26 = arith.constant 0 : i32
        %dma_wait3A_27 = tpu.memref_slice %arg9[%mul3A_19, %dma_wait3A_26] : memref<10112x128xf32, #tpu.memory_space<vmem_shared>> -> memref<632x128xf32, #tpu.memory_space<vmem_shared>>
        tpu.wait_dma2 semaphore(%run_scoped3A : memref<!tpu.dma_semaphore, #tpu.memory_space<semaphore_mem>>) src(%dma_wait3A_27 : memref<632x128xf32, #tpu.memory_space<vmem_shared>>) dst(%dma_wait3A_25 : memref<632x128xf32, #tpu.memory_space<hbm>>)
        tpu.yield
      }) : () -> ()
    } else {
    }
    %eq3A_13 = arith.constant 1 : i32
    %eq3A_14 = arith.cmpi eq, %arg0, %eq3A_13 : i32
    %convert_element_type3A_15 = arith.extui %eq3A_14 : i1 to i32
    %cond3A_16 = arith.constant 0 : i32
    %cond3A_17 = arith.cmpi ne, %convert_element_type3A_15, %cond3A_16 : i32
    scf.if %cond3A_17 {
      %mul3A_18 = arith.constant 632 : i32
      %mul3A_19 = arith.muli %arg1, %mul3A_18 : i32
      %mul3A_20 = arith.constant 632 : i32
      %mul3A_21 = arith.muli %arg1, %mul3A_20 : i32
      "tpu.region"() ({
        %run_scoped3A = tpu.sem_alloc : memref<!tpu.dma_semaphore, #tpu.memory_space<semaphore_mem>>
        %dma_start3A = arith.constant 0 : i32
        %dma_start3A_22 = tpu.memref_slice %arg6[%mul3A_21, %dma_start3A] : memref<10112x128xf32, #tpu.memory_space<hbm>> -> memref<632x128xf32, #tpu.memory_space<hbm>>
        %dma_start3A_23 = arith.constant 0 : i32
        %dma_start3A_24 = tpu.memref_slice %arg9[%mul3A_19, %dma_start3A_23] : memref<10112x128xf32, #tpu.memory_space<vmem_shared>> -> memref<632x128xf32, #tpu.memory_space<vmem_shared>>
        tpu.enqueue_dma source(%dma_start3A_24 : memref<632x128xf32, #tpu.memory_space<vmem_shared>>) target(%dma_start3A_22 : memref<632x128xf32, #tpu.memory_space<hbm>>) target_semaphore(%run_scoped3A : memref<!tpu.dma_semaphore, #tpu.memory_space<semaphore_mem>>)
        %dma_wait3A = arith.constant 0 : i32
        %dma_wait3A_25 = tpu.memref_slice %arg6[%mul3A_21, %dma_wait3A] : memref<10112x128xf32, #tpu.memory_space<hbm>> -> memref<632x128xf32, #tpu.memory_space<hbm>>
        %dma_wait3A_26 = arith.constant 0 : i32
        %dma_wait3A_27 = tpu.memref_slice %arg9[%mul3A_19, %dma_wait3A_26] : memref<10112x128xf32, #tpu.memory_space<vmem_shared>> -> memref<632x128xf32, #tpu.memory_space<vmem_shared>>
        tpu.wait_dma2 semaphore(%run_scoped3A : memref<!tpu.dma_semaphore, #tpu.memory_space<semaphore_mem>>) src(%dma_wait3A_27 : memref<632x128xf32, #tpu.memory_space<vmem_shared>>) dst(%dma_wait3A_25 : memref<632x128xf32, #tpu.memory_space<hbm>>)
        tpu.yield
      }) : () -> ()
    } else {
    }
    return
  }
}

#map = affine_map<(d0, d1) -> (0, 0)>
module attributes {stable_mosaic.version = 14 : i64} {
  func.func @_scatter_body(%arg0: i32, %arg1: i32, %arg2: memref<10000x128xf32, #tpu.memory_space<hbm>>, %arg3: memref<5120x128xi32, #tpu.memory_space<hbm>>, %arg4: memref<5120x128xi32, #tpu.memory_space<hbm>>, %arg5: memref<10112x128xf32, #tpu.memory_space<hbm>>, %arg6: memref<10112x128xf32, #tpu.memory_space<hbm>>, %arg7: memref<10112x128xf32, #tpu.memory_space<hbm>>, %arg8: memref<16x128xi32, #tpu.memory_space<vmem>>, %arg9: memref<16x128xi32, #tpu.memory_space<vmem>>, %arg10: memref<128x128xf32, #tpu.memory_space<vmem>>, %arg11: memref<128x128xf32, #tpu.memory_space<vmem>>, %arg12: memref<10112x128xf32, #tpu.memory_space<vmem_shared>>, %arg13: memref<!tpu.dma_semaphore, #tpu.memory_space<semaphore_mem>>, %arg14: memref<!tpu.dma_semaphore, #tpu.memory_space<semaphore_mem>>) attributes {dimension_semantics = [#tpu.dimension_semantics<core_parallel>, #tpu.dimension_semantics<subcore_parallel>], iteration_bounds = array<i64: 2, 16>, scalar_prefetch = 0 : i64, scratch_operands = 7 : i64, tpu.core_type = #tpu.core_type<sc_vector_subcore>, window_params = [{transform_indices = #map}, {transform_indices = #map}, {transform_indices = #map}, {transform_indices = #map}, {transform_indices = #map}, {transform_indices = #map}]} {
    %mul3A = arith.constant 16 : i32
    %mul3A_0 = arith.muli %arg0, %mul3A : i32
    %add3A = arith.addi %mul3A_0, %arg1 : i32
    %mul3A_1 = arith.constant 632 : i32
    %mul3A_2 = arith.muli %arg1, %mul3A_1 : i32
    %mul3A_3 = arith.constant 632 : i32
    %mul3A_4 = arith.muli %arg1, %mul3A_3 : i32
    "tpu.region"() ({
      %run_scoped3A = tpu.sem_alloc : memref<!tpu.dma_semaphore, #tpu.memory_space<semaphore_mem>>
      %dma_start3A = arith.constant 0 : i32
      %dma_start3A_18 = tpu.memref_slice %arg12[%mul3A_4, %dma_start3A] : memref<10112x128xf32, #tpu.memory_space<vmem_shared>> -> memref<632x128xf32, #tpu.memory_space<vmem_shared>>
      %dma_start3A_19 = arith.constant 0 : i32
      %dma_start3A_20 = tpu.memref_slice %arg5[%mul3A_2, %dma_start3A_19] : memref<10112x128xf32, #tpu.memory_space<hbm>> -> memref<632x128xf32, #tpu.memory_space<hbm>>
      tpu.enqueue_dma source(%dma_start3A_20 : memref<632x128xf32, #tpu.memory_space<hbm>>) target(%dma_start3A_18 : memref<632x128xf32, #tpu.memory_space<vmem_shared>>) target_semaphore(%run_scoped3A : memref<!tpu.dma_semaphore, #tpu.memory_space<semaphore_mem>>)
      %dma_wait3A = arith.constant 0 : i32
      %dma_wait3A_21 = tpu.memref_slice %arg12[%mul3A_4, %dma_wait3A] : memref<10112x128xf32, #tpu.memory_space<vmem_shared>> -> memref<632x128xf32, #tpu.memory_space<vmem_shared>>
      %dma_wait3A_22 = arith.constant 0 : i32
      %dma_wait3A_23 = tpu.memref_slice %arg5[%mul3A_2, %dma_wait3A_22] : memref<10112x128xf32, #tpu.memory_space<hbm>> -> memref<632x128xf32, #tpu.memory_space<hbm>>
      tpu.wait_dma2 semaphore(%run_scoped3A : memref<!tpu.dma_semaphore, #tpu.memory_space<semaphore_mem>>) src(%dma_wait3A_23 : memref<632x128xf32, #tpu.memory_space<hbm>>) dst(%dma_wait3A_21 : memref<632x128xf32, #tpu.memory_space<vmem_shared>>)
      tpu.yield
    }) : () -> ()
    %barrier3A = arith.constant 0 : index
    tpu.barrier barrier_id(%barrier3A)
    %scan3A = arith.constant 0 : i32
    %scan3A_5 = arith.constant 0 : i32
    %scan3A_6 = arith.constant 10 : i32
    %scan3A_7 = arith.addi %scan3A_5, %scan3A_6 : i32
    %scan3A_8 = arith.constant 1 : i32
    scf.for %scan3A_18 = %scan3A_5 to %scan3A_7 step %scan3A_8  : i32 {
      %mul3A_19 = arith.constant 10 : i32
      %mul3A_20 = arith.muli %add3A, %mul3A_19 : i32
      %add3A_21 = arith.addi %mul3A_20, %scan3A_18 : i32
      %mul3A_22 = arith.constant 16 : i32
      %mul3A_23 = arith.muli %add3A_21, %mul3A_22 : i32
      "tpu.region"() ({
        %run_scoped3A_57 = tpu.sem_alloc : memref<!tpu.dma_semaphore, #tpu.memory_space<semaphore_mem>>
        %dma_start3A_58 = arith.constant 0 : i32
        %dma_start3A_59 = tpu.memref_slice %arg3[%mul3A_23, %dma_start3A_58] : memref<5120x128xi32, #tpu.memory_space<hbm>> -> memref<16x128xi32, #tpu.memory_space<hbm>>
        %dma_start3A_60 = arith.constant 0 : i32
        %dma_start3A_61 = tpu.memref_slice %arg3[%mul3A_23, %dma_start3A_60] : memref<5120x128xi32, #tpu.memory_space<hbm>> -> memref<16x128xi32, #tpu.memory_space<hbm>>
        tpu.enqueue_dma source(%dma_start3A_61 : memref<16x128xi32, #tpu.memory_space<hbm>>) target(%arg8 : memref<16x128xi32, #tpu.memory_space<vmem>>) target_semaphore(%run_scoped3A_57 : memref<!tpu.dma_semaphore, #tpu.memory_space<semaphore_mem>>)
        %dma_wait3A_62 = arith.constant 0 : i32
        %dma_wait3A_63 = tpu.memref_slice %arg3[%mul3A_23, %dma_wait3A_62] : memref<5120x128xi32, #tpu.memory_space<hbm>> -> memref<16x128xi32, #tpu.memory_space<hbm>>
        %dma_wait3A_64 = arith.constant 0 : i32
        %dma_wait3A_65 = tpu.memref_slice %arg3[%mul3A_23, %dma_wait3A_64] : memref<5120x128xi32, #tpu.memory_space<hbm>> -> memref<16x128xi32, #tpu.memory_space<hbm>>
        tpu.wait_dma2 semaphore(%run_scoped3A_57 : memref<!tpu.dma_semaphore, #tpu.memory_space<semaphore_mem>>) src(%dma_wait3A_65 : memref<16x128xi32, #tpu.memory_space<hbm>>) dst(%arg8 : memref<16x128xi32, #tpu.memory_space<vmem>>)
        tpu.yield
      }) : () -> ()
      "tpu.region"() ({
        %run_scoped3A_57 = tpu.sem_alloc : memref<!tpu.dma_semaphore, #tpu.memory_space<semaphore_mem>>
        %dma_start3A_58 = arith.constant 0 : i32
        %dma_start3A_59 = tpu.memref_slice %arg4[%mul3A_23, %dma_start3A_58] : memref<5120x128xi32, #tpu.memory_space<hbm>> -> memref<16x128xi32, #tpu.memory_space<hbm>>
        %dma_start3A_60 = arith.constant 0 : i32
        %dma_start3A_61 = tpu.memref_slice %arg4[%mul3A_23, %dma_start3A_60] : memref<5120x128xi32, #tpu.memory_space<hbm>> -> memref<16x128xi32, #tpu.memory_space<hbm>>
        tpu.enqueue_dma source(%dma_start3A_61 : memref<16x128xi32, #tpu.memory_space<hbm>>) target(%arg9 : memref<16x128xi32, #tpu.memory_space<vmem>>) target_semaphore(%run_scoped3A_57 : memref<!tpu.dma_semaphore, #tpu.memory_space<semaphore_mem>>)
        %dma_wait3A_62 = arith.constant 0 : i32
        %dma_wait3A_63 = tpu.memref_slice %arg4[%mul3A_23, %dma_wait3A_62] : memref<5120x128xi32, #tpu.memory_space<hbm>> -> memref<16x128xi32, #tpu.memory_space<hbm>>
        %dma_wait3A_64 = arith.constant 0 : i32
        %dma_wait3A_65 = tpu.memref_slice %arg4[%mul3A_23, %dma_wait3A_64] : memref<5120x128xi32, #tpu.memory_space<hbm>> -> memref<16x128xi32, #tpu.memory_space<hbm>>
        tpu.wait_dma2 semaphore(%run_scoped3A_57 : memref<!tpu.dma_semaphore, #tpu.memory_space<semaphore_mem>>) src(%dma_wait3A_65 : memref<16x128xi32, #tpu.memory_space<hbm>>) dst(%arg9 : memref<16x128xi32, #tpu.memory_space<vmem>>)
        tpu.yield
      }) : () -> ()
      %dma_start3A = arith.constant 0 : i32
      %dma_start3A_24 = arith.constant 0 : i32
      %dma_start3A_25 = tpu.memref_slice %arg8[%dma_start3A, %dma_start3A_24] : memref<16x128xi32, #tpu.memory_space<vmem>> -> memref<1x128xi32, #tpu.memory_space<vmem>>
      %dma_start3A_26 = tpu.memref_squeeze %dma_start3A_25 : memref<1x128xi32, #tpu.memory_space<vmem>> -> memref<128xi32, #tpu.memory_space<vmem>>
      %dma_start3A_27 = arith.constant 0 : i32
      %dma_start3A_28 = arith.constant 0 : i32
      %dma_start3A_29 = tpu.memref_slice %arg2[%dma_start3A_27, %dma_start3A_28] : memref<10000x128xf32, #tpu.memory_space<hbm>> -> memref<10000x128xf32, #tpu.memory_space<hbm>>
      tpu.enqueue_indirect_dma source(%dma_start3A_29 : memref<10000x128xf32, #tpu.memory_space<hbm>>) target(%arg10 : memref<128x128xf32, #tpu.memory_space<vmem>>) offsets(%dma_start3A_26 : memref<128xi32, #tpu.memory_space<vmem>>) semaphore(%arg13 : memref<!tpu.dma_semaphore, #tpu.memory_space<semaphore_mem>>)
      %scan3A_30 = arith.constant 0 : i32
      %scan3A_31 = arith.constant 0 : i32
      %scan3A_32 = arith.constant 7 : i32
      %scan3A_33 = arith.addi %scan3A_31, %scan3A_32 : i32
      %scan3A_34 = arith.constant 1 : i32
      scf.for %scan3A_57 = %scan3A_31 to %scan3A_33 step %scan3A_34  : i32 {
        %mul3A_58 = arith.constant 2 : i32
        %mul3A_59 = arith.muli %mul3A_58, %scan3A_57 : i32
        %add3A_60 = arith.constant 1 : i32
        %add3A_61 = arith.addi %mul3A_59, %add3A_60 : i32
        %dma_start3A_62 = arith.constant 0 : i32
        %dma_start3A_63 = tpu.memref_slice %arg8[%add3A_61, %dma_start3A_62] : memref<16x128xi32, #tpu.memory_space<vmem>> -> memref<1x128xi32, #tpu.memory_space<vmem>>
        %dma_start3A_64 = tpu.memref_squeeze %dma_start3A_63 : memref<1x128xi32, #tpu.memory_space<vmem>> -> memref<128xi32, #tpu.memory_space<vmem>>
        %dma_start3A_65 = arith.constant 0 : i32
        %dma_start3A_66 = arith.constant 0 : i32
        %dma_start3A_67 = tpu.memref_slice %arg2[%dma_start3A_65, %dma_start3A_66] : memref<10000x128xf32, #tpu.memory_space<hbm>> -> memref<10000x128xf32, #tpu.memory_space<hbm>>
        tpu.enqueue_indirect_dma source(%dma_start3A_67 : memref<10000x128xf32, #tpu.memory_space<hbm>>) target(%arg11 : memref<128x128xf32, #tpu.memory_space<vmem>>) offsets(%dma_start3A_64 : memref<128xi32, #tpu.memory_space<vmem>>) semaphore(%arg14 : memref<!tpu.dma_semaphore, #tpu.memory_space<semaphore_mem>>)
        %dma_wait3A_68 = arith.constant 0 : i32
        %dma_wait3A_69 = arith.constant 0 : i32
        %dma_wait3A_70 = tpu.memref_slice %arg8[%dma_wait3A_68, %dma_wait3A_69] : memref<16x128xi32, #tpu.memory_space<vmem>> -> memref<1x128xi32, #tpu.memory_space<vmem>>
        %dma_wait3A_71 = tpu.memref_squeeze %dma_wait3A_70 : memref<1x128xi32, #tpu.memory_space<vmem>> -> memref<128xi32, #tpu.memory_space<vmem>>
        %dma_wait3A_72 = arith.constant 0 : i32
        %dma_wait3A_73 = arith.constant 0 : i32
        %dma_wait3A_74 = tpu.memref_slice %arg2[%dma_wait3A_72, %dma_wait3A_73] : memref<10000x128xf32, #tpu.memory_space<hbm>> -> memref<10000x128xf32, #tpu.memory_space<hbm>>
        tpu.wait_indirect_dma semaphore(%arg13 : memref<!tpu.dma_semaphore, #tpu.memory_space<semaphore_mem>>) src(%dma_wait3A_74 : memref<10000x128xf32, #tpu.memory_space<hbm>>) dst(%arg10 : memref<128x128xf32, #tpu.memory_space<vmem>>)
        %mul3A_75 = arith.constant 2 : i32
        %mul3A_76 = arith.muli %mul3A_75, %scan3A_57 : i32
        "tpu.region"() ({
          %run_scoped3A_98 = tpu.sem_alloc : memref<!tpu.dma_semaphore, #tpu.memory_space<semaphore_mem>>
          %dma_start3A_99 = arith.constant 0 : i32
          %dma_start3A_100 = tpu.memref_slice %arg9[%mul3A_76, %dma_start3A_99] : memref<16x128xi32, #tpu.memory_space<vmem>> -> memref<1x128xi32, #tpu.memory_space<vmem>>
          %dma_start3A_101 = tpu.memref_squeeze %dma_start3A_100 : memref<1x128xi32, #tpu.memory_space<vmem>> -> memref<128xi32, #tpu.memory_space<vmem>>
          %dma_start3A_102 = arith.constant 0 : i32
          %dma_start3A_103 = arith.constant 0 : i32
          %dma_start3A_104 = tpu.memref_slice %arg12[%dma_start3A_102, %dma_start3A_103] : memref<10112x128xf32, #tpu.memory_space<vmem_shared>> -> memref<10112x128xf32, #tpu.memory_space<vmem_shared>>
          tpu.enqueue_indirect_dma source(%arg10 : memref<128x128xf32, #tpu.memory_space<vmem>>) target(%dma_start3A_104 : memref<10112x128xf32, #tpu.memory_space<vmem_shared>>) offsets(%dma_start3A_101 : memref<128xi32, #tpu.memory_space<vmem>>) semaphore(%run_scoped3A_98 : memref<!tpu.dma_semaphore, #tpu.memory_space<semaphore_mem>>) {add = true}
          %dma_wait3A_105 = arith.constant 0 : i32
          %dma_wait3A_106 = tpu.memref_slice %arg9[%mul3A_76, %dma_wait3A_105] : memref<16x128xi32, #tpu.memory_space<vmem>> -> memref<1x128xi32, #tpu.memory_space<vmem>>
          %dma_wait3A_107 = tpu.memref_squeeze %dma_wait3A_106 : memref<1x128xi32, #tpu.memory_space<vmem>> -> memref<128xi32, #tpu.memory_space<vmem>>
          %dma_wait3A_108 = arith.constant 0 : i32
          %dma_wait3A_109 = arith.constant 0 : i32
          %dma_wait3A_110 = tpu.memref_slice %arg12[%dma_wait3A_108, %dma_wait3A_109] : memref<10112x128xf32, #tpu.memory_space<vmem_shared>> -> memref<10112x128xf32, #tpu.memory_space<vmem_shared>>
          tpu.wait_indirect_dma semaphore(%run_scoped3A_98 : memref<!tpu.dma_semaphore, #tpu.memory_space<semaphore_mem>>) src(%arg10 : memref<128x128xf32, #tpu.memory_space<vmem>>) dst(%dma_wait3A_110 : memref<10112x128xf32, #tpu.memory_space<vmem_shared>>)
          tpu.yield
        }) : () -> ()
        %mul3A_77 = arith.constant 2 : i32
        %mul3A_78 = arith.muli %mul3A_77, %scan3A_57 : i32
        %add3A_79 = arith.constant 2 : i32
        %add3A_80 = arith.addi %mul3A_78, %add3A_79 : i32
        %dma_start3A_81 = arith.constant 0 : i32
        %dma_start3A_82 = tpu.memref_slice %arg8[%add3A_80, %dma_start3A_81] : memref<16x128xi32, #tpu.memory_space<vmem>> -> memref<1x128xi32, #tpu.memory_space<vmem>>
        %dma_start3A_83 = tpu.memref_squeeze %dma_start3A_82 : memref<1x128xi32, #tpu.memory_space<vmem>> -> memref<128xi32, #tpu.memory_space<vmem>>
        %dma_start3A_84 = arith.constant 0 : i32
        %dma_start3A_85 = arith.constant 0 : i32
        %dma_start3A_86 = tpu.memref_slice %arg2[%dma_start3A_84, %dma_start3A_85] : memref<10000x128xf32, #tpu.memory_space<hbm>> -> memref<10000x128xf32, #tpu.memory_space<hbm>>
        tpu.enqueue_indirect_dma source(%dma_start3A_86 : memref<10000x128xf32, #tpu.memory_space<hbm>>) target(%arg10 : memref<128x128xf32, #tpu.memory_space<vmem>>) offsets(%dma_start3A_83 : memref<128xi32, #tpu.memory_space<vmem>>) semaphore(%arg13 : memref<!tpu.dma_semaphore, #tpu.memory_space<semaphore_mem>>)
        %dma_wait3A_87 = arith.constant 0 : i32
        %dma_wait3A_88 = arith.constant 0 : i32
        %dma_wait3A_89 = tpu.memref_slice %arg8[%dma_wait3A_87, %dma_wait3A_88] : memref<16x128xi32, #tpu.memory_space<vmem>> -> memref<1x128xi32, #tpu.memory_space<vmem>>
        %dma_wait3A_90 = tpu.memref_squeeze %dma_wait3A_89 : memref<1x128xi32, #tpu.memory_space<vmem>> -> memref<128xi32, #tpu.memory_space<vmem>>
        %dma_wait3A_91 = arith.constant 0 : i32
        %dma_wait3A_92 = arith.constant 0 : i32
        %dma_wait3A_93 = tpu.memref_slice %arg2[%dma_wait3A_91, %dma_wait3A_92] : memref<10000x128xf32, #tpu.memory_space<hbm>> -> memref<10000x128xf32, #tpu.memory_space<hbm>>
        tpu.wait_indirect_dma semaphore(%arg14 : memref<!tpu.dma_semaphore, #tpu.memory_space<semaphore_mem>>) src(%dma_wait3A_93 : memref<10000x128xf32, #tpu.memory_space<hbm>>) dst(%arg11 : memref<128x128xf32, #tpu.memory_space<vmem>>)
        %mul3A_94 = arith.constant 2 : i32
        %mul3A_95 = arith.muli %mul3A_94, %scan3A_57 : i32
        %add3A_96 = arith.constant 1 : i32
        %add3A_97 = arith.addi %mul3A_95, %add3A_96 : i32
        "tpu.region"() ({
          %run_scoped3A_98 = tpu.sem_alloc : memref<!tpu.dma_semaphore, #tpu.memory_space<semaphore_mem>>
          %dma_start3A_99 = arith.constant 0 : i32
          %dma_start3A_100 = tpu.memref_slice %arg9[%add3A_97, %dma_start3A_99] : memref<16x128xi32, #tpu.memory_space<vmem>> -> memref<1x128xi32, #tpu.memory_space<vmem>>
          %dma_start3A_101 = tpu.memref_squeeze %dma_start3A_100 : memref<1x128xi32, #tpu.memory_space<vmem>> -> memref<128xi32, #tpu.memory_space<vmem>>
          %dma_start3A_102 = arith.constant 0 : i32
          %dma_start3A_103 = arith.constant 0 : i32
          %dma_start3A_104 = tpu.memref_slice %arg12[%dma_start3A_102, %dma_start3A_103] : memref<10112x128xf32, #tpu.memory_space<vmem_shared>> -> memref<10112x128xf32, #tpu.memory_space<vmem_shared>>
          tpu.enqueue_indirect_dma source(%arg11 : memref<128x128xf32, #tpu.memory_space<vmem>>) target(%dma_start3A_104 : memref<10112x128xf32, #tpu.memory_space<vmem_shared>>) offsets(%dma_start3A_101 : memref<128xi32, #tpu.memory_space<vmem>>) semaphore(%run_scoped3A_98 : memref<!tpu.dma_semaphore, #tpu.memory_space<semaphore_mem>>) {add = true}
          %dma_wait3A_105 = arith.constant 0 : i32
          %dma_wait3A_106 = tpu.memref_slice %arg9[%add3A_97, %dma_wait3A_105] : memref<16x128xi32, #tpu.memory_space<vmem>> -> memref<1x128xi32, #tpu.memory_space<vmem>>
          %dma_wait3A_107 = tpu.memref_squeeze %dma_wait3A_106 : memref<1x128xi32, #tpu.memory_space<vmem>> -> memref<128xi32, #tpu.memory_space<vmem>>
          %dma_wait3A_108 = arith.constant 0 : i32
          %dma_wait3A_109 = arith.constant 0 : i32
          %dma_wait3A_110 = tpu.memref_slice %arg12[%dma_wait3A_108, %dma_wait3A_109] : memref<10112x128xf32, #tpu.memory_space<vmem_shared>> -> memref<10112x128xf32, #tpu.memory_space<vmem_shared>>
          tpu.wait_indirect_dma semaphore(%run_scoped3A_98 : memref<!tpu.dma_semaphore, #tpu.memory_space<semaphore_mem>>) src(%arg11 : memref<128x128xf32, #tpu.memory_space<vmem>>) dst(%dma_wait3A_110 : memref<10112x128xf32, #tpu.memory_space<vmem_shared>>)
          tpu.yield
        }) : () -> ()
      }
      %scan3A_35 = arith.constant 7 : i32
      %dma_start3A_36 = arith.constant 15 : i32
      %dma_start3A_37 = arith.constant 0 : i32
      %dma_start3A_38 = tpu.memref_slice %arg8[%dma_start3A_36, %dma_start3A_37] : memref<16x128xi32, #tpu.memory_space<vmem>> -> memref<1x128xi32, #tpu.memory_space<vmem>>
      %dma_start3A_39 = tpu.memref_squeeze %dma_start3A_38 : memref<1x128xi32, #tpu.memory_space<vmem>> -> memref<128xi32, #tpu.memory_space<vmem>>
      %dma_start3A_40 = arith.constant 0 : i32
      %dma_start3A_41 = arith.constant 0 : i32
      %dma_start3A_42 = tpu.memref_slice %arg2[%dma_start3A_40, %dma_start3A_41] : memref<10000x128xf32, #tpu.memory_space<hbm>> -> memref<10000x128xf32, #tpu.memory_space<hbm>>
      tpu.enqueue_indirect_dma source(%dma_start3A_42 : memref<10000x128xf32, #tpu.memory_space<hbm>>) target(%arg11 : memref<128x128xf32, #tpu.memory_space<vmem>>) offsets(%dma_start3A_39 : memref<128xi32, #tpu.memory_space<vmem>>) semaphore(%arg14 : memref<!tpu.dma_semaphore, #tpu.memory_space<semaphore_mem>>)
      %dma_wait3A = arith.constant 0 : i32
      %dma_wait3A_43 = arith.constant 0 : i32
      %dma_wait3A_44 = tpu.memref_slice %arg8[%dma_wait3A, %dma_wait3A_43] : memref<16x128xi32, #tpu.memory_space<vmem>> -> memref<1x128xi32, #tpu.memory_space<vmem>>
      %dma_wait3A_45 = tpu.memref_squeeze %dma_wait3A_44 : memref<1x128xi32, #tpu.memory_space<vmem>> -> memref<128xi32, #tpu.memory_space<vmem>>
      %dma_wait3A_46 = arith.constant 0 : i32
      %dma_wait3A_47 = arith.constant 0 : i32
      %dma_wait3A_48 = tpu.memref_slice %arg2[%dma_wait3A_46, %dma_wait3A_47] : memref<10000x128xf32, #tpu.memory_space<hbm>> -> memref<10000x128xf32, #tpu.memory_space<hbm>>
      tpu.wait_indirect_dma semaphore(%arg13 : memref<!tpu.dma_semaphore, #tpu.memory_space<semaphore_mem>>) src(%dma_wait3A_48 : memref<10000x128xf32, #tpu.memory_space<hbm>>) dst(%arg10 : memref<128x128xf32, #tpu.memory_space<vmem>>)
      %run_scoped3A = arith.constant 14 : i32
      "tpu.region"() ({
        %run_scoped3A_57 = tpu.sem_alloc : memref<!tpu.dma_semaphore, #tpu.memory_space<semaphore_mem>>
        %dma_start3A_58 = arith.constant 0 : i32
        %dma_start3A_59 = tpu.memref_slice %arg9[%run_scoped3A, %dma_start3A_58] : memref<16x128xi32, #tpu.memory_space<vmem>> -> memref<1x128xi32, #tpu.memory_space<vmem>>
        %dma_start3A_60 = tpu.memref_squeeze %dma_start3A_59 : memref<1x128xi32, #tpu.memory_space<vmem>> -> memref<128xi32, #tpu.memory_space<vmem>>
        %dma_start3A_61 = arith.constant 0 : i32
        %dma_start3A_62 = arith.constant 0 : i32
        %dma_start3A_63 = tpu.memref_slice %arg12[%dma_start3A_61, %dma_start3A_62] : memref<10112x128xf32, #tpu.memory_space<vmem_shared>> -> memref<10112x128xf32, #tpu.memory_space<vmem_shared>>
        tpu.enqueue_indirect_dma source(%arg10 : memref<128x128xf32, #tpu.memory_space<vmem>>) target(%dma_start3A_63 : memref<10112x128xf32, #tpu.memory_space<vmem_shared>>) offsets(%dma_start3A_60 : memref<128xi32, #tpu.memory_space<vmem>>) semaphore(%run_scoped3A_57 : memref<!tpu.dma_semaphore, #tpu.memory_space<semaphore_mem>>) {add = true}
        %dma_wait3A_64 = arith.constant 0 : i32
        %dma_wait3A_65 = tpu.memref_slice %arg9[%run_scoped3A, %dma_wait3A_64] : memref<16x128xi32, #tpu.memory_space<vmem>> -> memref<1x128xi32, #tpu.memory_space<vmem>>
        %dma_wait3A_66 = tpu.memref_squeeze %dma_wait3A_65 : memref<1x128xi32, #tpu.memory_space<vmem>> -> memref<128xi32, #tpu.memory_space<vmem>>
        %dma_wait3A_67 = arith.constant 0 : i32
        %dma_wait3A_68 = arith.constant 0 : i32
        %dma_wait3A_69 = tpu.memref_slice %arg12[%dma_wait3A_67, %dma_wait3A_68] : memref<10112x128xf32, #tpu.memory_space<vmem_shared>> -> memref<10112x128xf32, #tpu.memory_space<vmem_shared>>
        tpu.wait_indirect_dma semaphore(%run_scoped3A_57 : memref<!tpu.dma_semaphore, #tpu.memory_space<semaphore_mem>>) src(%arg10 : memref<128x128xf32, #tpu.memory_space<vmem>>) dst(%dma_wait3A_69 : memref<10112x128xf32, #tpu.memory_space<vmem_shared>>)
        tpu.yield
      }) : () -> ()
      %dma_wait3A_49 = arith.constant 0 : i32
      %dma_wait3A_50 = arith.constant 0 : i32
      %dma_wait3A_51 = tpu.memref_slice %arg8[%dma_wait3A_49, %dma_wait3A_50] : memref<16x128xi32, #tpu.memory_space<vmem>> -> memref<1x128xi32, #tpu.memory_space<vmem>>
      %dma_wait3A_52 = tpu.memref_squeeze %dma_wait3A_51 : memref<1x128xi32, #tpu.memory_space<vmem>> -> memref<128xi32, #tpu.memory_space<vmem>>
      %dma_wait3A_53 = arith.constant 0 : i32
      %dma_wait3A_54 = arith.constant 0 : i32
      %dma_wait3A_55 = tpu.memref_slice %arg2[%dma_wait3A_53, %dma_wait3A_54] : memref<10000x128xf32, #tpu.memory_space<hbm>> -> memref<10000x128xf32, #tpu.memory_space<hbm>>
      tpu.wait_indirect_dma semaphore(%arg14 : memref<!tpu.dma_semaphore, #tpu.memory_space<semaphore_mem>>) src(%dma_wait3A_55 : memref<10000x128xf32, #tpu.memory_space<hbm>>) dst(%arg11 : memref<128x128xf32, #tpu.memory_space<vmem>>)
      %run_scoped3A_56 = arith.constant 15 : i32
      "tpu.region"() ({
        %run_scoped3A_57 = tpu.sem_alloc : memref<!tpu.dma_semaphore, #tpu.memory_space<semaphore_mem>>
        %dma_start3A_58 = arith.constant 0 : i32
        %dma_start3A_59 = tpu.memref_slice %arg9[%run_scoped3A_56, %dma_start3A_58] : memref<16x128xi32, #tpu.memory_space<vmem>> -> memref<1x128xi32, #tpu.memory_space<vmem>>
        %dma_start3A_60 = tpu.memref_squeeze %dma_start3A_59 : memref<1x128xi32, #tpu.memory_space<vmem>> -> memref<128xi32, #tpu.memory_space<vmem>>
        %dma_start3A_61 = arith.constant 0 : i32
        %dma_start3A_62 = arith.constant 0 : i32
        %dma_start3A_63 = tpu.memref_slice %arg12[%dma_start3A_61, %dma_start3A_62] : memref<10112x128xf32, #tpu.memory_space<vmem_shared>> -> memref<10112x128xf32, #tpu.memory_space<vmem_shared>>
        tpu.enqueue_indirect_dma source(%arg11 : memref<128x128xf32, #tpu.memory_space<vmem>>) target(%dma_start3A_63 : memref<10112x128xf32, #tpu.memory_space<vmem_shared>>) offsets(%dma_start3A_60 : memref<128xi32, #tpu.memory_space<vmem>>) semaphore(%run_scoped3A_57 : memref<!tpu.dma_semaphore, #tpu.memory_space<semaphore_mem>>) {add = true}
        %dma_wait3A_64 = arith.constant 0 : i32
        %dma_wait3A_65 = tpu.memref_slice %arg9[%run_scoped3A_56, %dma_wait3A_64] : memref<16x128xi32, #tpu.memory_space<vmem>> -> memref<1x128xi32, #tpu.memory_space<vmem>>
        %dma_wait3A_66 = tpu.memref_squeeze %dma_wait3A_65 : memref<1x128xi32, #tpu.memory_space<vmem>> -> memref<128xi32, #tpu.memory_space<vmem>>
        %dma_wait3A_67 = arith.constant 0 : i32
        %dma_wait3A_68 = arith.constant 0 : i32
        %dma_wait3A_69 = tpu.memref_slice %arg12[%dma_wait3A_67, %dma_wait3A_68] : memref<10112x128xf32, #tpu.memory_space<vmem_shared>> -> memref<10112x128xf32, #tpu.memory_space<vmem_shared>>
        tpu.wait_indirect_dma semaphore(%run_scoped3A_57 : memref<!tpu.dma_semaphore, #tpu.memory_space<semaphore_mem>>) src(%arg11 : memref<128x128xf32, #tpu.memory_space<vmem>>) dst(%dma_wait3A_69 : memref<10112x128xf32, #tpu.memory_space<vmem_shared>>)
        tpu.yield
      }) : () -> ()
    }
    %scan3A_9 = arith.constant 10 : i32
    %barrier3A_10 = arith.constant 0 : index
    tpu.barrier barrier_id(%barrier3A_10)
    %eq3A = arith.constant 0 : i32
    %eq3A_11 = arith.cmpi eq, %arg0, %eq3A : i32
    %convert_element_type3A = arith.extui %eq3A_11 : i1 to i32
    %cond3A = arith.constant 0 : i32
    %cond3A_12 = arith.cmpi ne, %convert_element_type3A, %cond3A : i32
    scf.if %cond3A_12 {
      %mul3A_18 = arith.constant 632 : i32
      %mul3A_19 = arith.muli %arg1, %mul3A_18 : i32
      %mul3A_20 = arith.constant 632 : i32
      %mul3A_21 = arith.muli %arg1, %mul3A_20 : i32
      "tpu.region"() ({
        %run_scoped3A = tpu.sem_alloc : memref<!tpu.dma_semaphore, #tpu.memory_space<semaphore_mem>>
        %dma_start3A = arith.constant 0 : i32
        %dma_start3A_22 = tpu.memref_slice %arg6[%mul3A_21, %dma_start3A] : memref<10112x128xf32, #tpu.memory_space<hbm>> -> memref<632x128xf32, #tpu.memory_space<hbm>>
        %dma_start3A_23 = arith.constant 0 : i32
        %dma_start3A_24 = tpu.memref_slice %arg12[%mul3A_19, %dma_start3A_23] : memref<10112x128xf32, #tpu.memory_space<vmem_shared>> -> memref<632x128xf32, #tpu.memory_space<vmem_shared>>
        tpu.enqueue_dma source(%dma_start3A_24 : memref<632x128xf32, #tpu.memory_space<vmem_shared>>) target(%dma_start3A_22 : memref<632x128xf32, #tpu.memory_space<hbm>>) target_semaphore(%run_scoped3A : memref<!tpu.dma_semaphore, #tpu.memory_space<semaphore_mem>>)
        %dma_wait3A = arith.constant 0 : i32
        %dma_wait3A_25 = tpu.memref_slice %arg6[%mul3A_21, %dma_wait3A] : memref<10112x128xf32, #tpu.memory_space<hbm>> -> memref<632x128xf32, #tpu.memory_space<hbm>>
        %dma_wait3A_26 = arith.constant 0 : i32
        %dma_wait3A_27 = tpu.memref_slice %arg12[%mul3A_19, %dma_wait3A_26] : memref<10112x128xf32, #tpu.memory_space<vmem_shared>> -> memref<632x128xf32, #tpu.memory_space<vmem_shared>>
        tpu.wait_dma2 semaphore(%run_scoped3A : memref<!tpu.dma_semaphore, #tpu.memory_space<semaphore_mem>>) src(%dma_wait3A_27 : memref<632x128xf32, #tpu.memory_space<vmem_shared>>) dst(%dma_wait3A_25 : memref<632x128xf32, #tpu.memory_space<hbm>>)
        tpu.yield
      }) : () -> ()
    } else {
    }
    %eq3A_13 = arith.constant 1 : i32
    %eq3A_14 = arith.cmpi eq, %arg0, %eq3A_13 : i32
    %convert_element_type3A_15 = arith.extui %eq3A_14 : i1 to i32
    %cond3A_16 = arith.constant 0 : i32
    %cond3A_17 = arith.cmpi ne, %convert_element_type3A_15, %cond3A_16 : i32
    scf.if %cond3A_17 {
      %mul3A_18 = arith.constant 632 : i32
      %mul3A_19 = arith.muli %arg1, %mul3A_18 : i32
      %mul3A_20 = arith.constant 632 : i32
      %mul3A_21 = arith.muli %arg1, %mul3A_20 : i32
      "tpu.region"() ({
        %run_scoped3A = tpu.sem_alloc : memref<!tpu.dma_semaphore, #tpu.memory_space<semaphore_mem>>
        %dma_start3A = arith.constant 0 : i32
        %dma_start3A_22 = tpu.memref_slice %arg7[%mul3A_21, %dma_start3A] : memref<10112x128xf32, #tpu.memory_space<hbm>> -> memref<632x128xf32, #tpu.memory_space<hbm>>
        %dma_start3A_23 = arith.constant 0 : i32
        %dma_start3A_24 = tpu.memref_slice %arg12[%mul3A_19, %dma_start3A_23] : memref<10112x128xf32, #tpu.memory_space<vmem_shared>> -> memref<632x128xf32, #tpu.memory_space<vmem_shared>>
        tpu.enqueue_dma source(%dma_start3A_24 : memref<632x128xf32, #tpu.memory_space<vmem_shared>>) target(%dma_start3A_22 : memref<632x128xf32, #tpu.memory_space<hbm>>) target_semaphore(%run_scoped3A : memref<!tpu.dma_semaphore, #tpu.memory_space<semaphore_mem>>)
        %dma_wait3A = arith.constant 0 : i32
        %dma_wait3A_25 = tpu.memref_slice %arg7[%mul3A_21, %dma_wait3A] : memref<10112x128xf32, #tpu.memory_space<hbm>> -> memref<632x128xf32, #tpu.memory_space<hbm>>
        %dma_wait3A_26 = arith.constant 0 : i32
        %dma_wait3A_27 = tpu.memref_slice %arg12[%mul3A_19, %dma_wait3A_26] : memref<10112x128xf32, #tpu.memory_space<vmem_shared>> -> memref<632x128xf32, #tpu.memory_space<vmem_shared>>
        tpu.wait_dma2 semaphore(%run_scoped3A : memref<!tpu.dma_semaphore, #tpu.memory_space<semaphore_mem>>) src(%dma_wait3A_27 : memref<632x128xf32, #tpu.memory_space<vmem_shared>>) dst(%dma_wait3A_25 : memref<632x128xf32, #tpu.memory_space<hbm>>)
        tpu.yield
      }) : () -> ()
    } else {
    }
    return
  }
}

module attributes {stable_mosaic.version = 14 : i64} {
  func.func @_tc_first_body(%arg0: i32, %arg1: memref<1000x8xf32, #tpu.memory_space<vmem>>, %arg2: memref<8x128xf32, #tpu.memory_space<vmem>>, %arg3: memref<1000x128xf32, #tpu.memory_space<vmem>>, %arg4: memref<1000x128xf32, #tpu.memory_space<vmem>>, %arg5: memref<1000x128xf32, #tpu.memory_space<vmem>>, %arg6: memref<1000x128xf32, #tpu.memory_space<vmem>>) attributes {dimension_semantics = [#tpu.dimension_semantics<arbitrary>], iteration_bounds = array<i64: 10>, scalar_prefetch = 0 : i64, scratch_operands = 0 : i64, tpu.core_type = #tpu.core_type<tc>, window_params = [{transform_indices = @transform_0, window_bounds = array<i64: 1000, 8>}, {pipeline_mode = #tpu.pipeline_mode<synchronous>, transform_indices = @transform_1, window_bounds = array<i64: 8, 128>}, {transform_indices = @transform_2, window_bounds = array<i64: 1000, 128>}, {transform_indices = @transform_3, window_bounds = array<i64: 1000, 128>}, {transform_indices = @transform_4, window_bounds = array<i64: 1000, 128>}, {transform_indices = @transform_5, window_bounds = array<i64: 1000, 128>}]} {
    %get3A = arith.constant 0 : index
    %get3A_0 = arith.constant 0 : index
    %get3A_1 = vector.load %arg3[%get3A, %get3A_0] : memref<1000x128xf32, #tpu.memory_space<vmem>>, vector<1000x128xf32>
    %add3A = arith.constant 1.000000e+00 : f32
    %add3A_2 = vector.broadcast %add3A : f32 to vector<1000x128xf32>
    %add3A_3 = arith.addf %add3A_2, %get3A_1 : vector<1000x128xf32>
    %get3A_4 = arith.constant 0 : index
    %get3A_5 = arith.constant 0 : index
    %get3A_6 = vector.load %arg4[%get3A_4, %get3A_5] : memref<1000x128xf32, #tpu.memory_space<vmem>>, vector<1000x128xf32>
    %add3A_7 = arith.addf %add3A_3, %get3A_6 : vector<1000x128xf32>
    %rsqrt3A = math.rsqrt %add3A_7 : vector<1000x128xf32>
    %swap3A = arith.constant 0 : index
    %swap3A_8 = arith.constant 0 : index
    %swap3A_9 = vector.load %arg6[%swap3A, %swap3A_8] : memref<1000x128xf32, #tpu.memory_space<vmem>>, vector<1000x128xf32>
    tpu.vector_store %arg6[%swap3A, %swap3A_8], %rsqrt3A {strides = array<i32>} : memref<1000x128xf32, #tpu.memory_space<vmem>>, vector<1000x128xf32>,
    %get3A_10 = arith.constant 0 : index
    %get3A_11 = arith.constant 0 : index
    %get3A_12 = vector.load %arg1[%get3A_10, %get3A_11] : memref<1000x8xf32, #tpu.memory_space<vmem>>, vector<1000x8xf32>
    %get3A_13 = arith.constant 0 : index
    %get3A_14 = arith.constant 0 : index
    %get3A_15 = vector.load %arg2[%get3A_13, %get3A_14] : memref<8x128xf32, #tpu.memory_space<vmem>>, vector<8x128xf32>
    %dot_general3A = arith.constant dense<0.000000e+00> : vector<1000x128xf32>
    %dot_general3A_16 = tpu.matmul %get3A_12, %get3A_15, %dot_general3A {dimension_numbers = #tpu.dot_dimension_numbers<[1], [0], [0], [1], [0, 0, 1, 1], [], []>, transpose_lhs_hint = false} : vector<1000x8xf32>, vector<8x128xf32>, vector<1000x128xf32> -> vector<1000x128xf32>
    %mul3A = arith.mulf %rsqrt3A, %dot_general3A_16 : vector<1000x128xf32>
    %swap3A_17 = arith.constant 0 : index
    %swap3A_18 = arith.constant 0 : index
    %swap3A_19 = vector.load %arg5[%swap3A_17, %swap3A_18] : memref<1000x128xf32, #tpu.memory_space<vmem>>, vector<1000x128xf32>
    tpu.vector_store %arg5[%swap3A_17, %swap3A_18], %mul3A {strides = array<i32>} : memref<1000x128xf32, #tpu.memory_space<vmem>>, vector<1000x128xf32>,
    return
  }
  func.func @transform_0(%arg0: i32) -> (i32, i32) {
    %c0_i32 = arith.constant 0 : i32
    %c0_i32_0 = arith.constant 0 : i32
    return %arg0, %c0_i32 : i32, i32
  }
  func.func @transform_1(%arg0: i32) -> (i32, i32) {
    %c0_i32 = arith.constant 0 : i32
    %c0_i32_0 = arith.constant 0 : i32
    %c0_i32_1 = arith.constant 0 : i32
    return %c0_i32, %c0_i32_0 : i32, i32
  }
  func.func @transform_2(%arg0: i32) -> (i32, i32) {
    %c0_i32 = arith.constant 0 : i32
    %c0_i32_0 = arith.constant 0 : i32
    return %arg0, %c0_i32 : i32, i32
  }
  func.func @transform_3(%arg0: i32) -> (i32, i32) {
    %c0_i32 = arith.constant 0 : i32
    %c0_i32_0 = arith.constant 0 : i32
    return %arg0, %c0_i32 : i32, i32
  }
  func.func @transform_4(%arg0: i32) -> (i32, i32) {
    %c0_i32 = arith.constant 0 : i32
    %c0_i32_0 = arith.constant 0 : i32
    return %arg0, %c0_i32 : i32, i32
  }
  func.func @transform_5(%arg0: i32) -> (i32, i32) {
    %c0_i32 = arith.constant 0 : i32
    %c0_i32_0 = arith.constant 0 : i32
    return %arg0, %c0_i32 : i32, i32
  }
}

module attributes {stable_mosaic.version = 14 : i64} {
  func.func @_tc_mid_body(%arg0: i32, %arg1: memref<1000x128xf32, #tpu.memory_space<vmem>>, %arg2: memref<1000x128xf32, #tpu.memory_space<vmem>>, %arg3: memref<1000x128xf32, #tpu.memory_space<vmem>>, %arg4: memref<1000x128xf32, #tpu.memory_space<vmem>>, %arg5: memref<128x128xf32, #tpu.memory_space<vmem>>, %arg6: memref<1x128xf32, #tpu.memory_space<vmem>>, %arg7: memref<1000x128xf32, #tpu.memory_space<vmem>>) attributes {dimension_semantics = [#tpu.dimension_semantics<arbitrary>], iteration_bounds = array<i64: 10>, scalar_prefetch = 0 : i64, scratch_operands = 0 : i64, tpu.core_type = #tpu.core_type<tc>, window_params = [{transform_indices = @transform_0, window_bounds = array<i64: 1000, 128>}, {transform_indices = @transform_1, window_bounds = array<i64: 1000, 128>}, {transform_indices = @transform_2, window_bounds = array<i64: 1000, 128>}, {transform_indices = @transform_3, window_bounds = array<i64: 1000, 128>}, {pipeline_mode = #tpu.pipeline_mode<synchronous>, transform_indices = @transform_4, window_bounds = array<i64: 128, 128>}, {pipeline_mode = #tpu.pipeline_mode<synchronous>, transform_indices = @transform_5, window_bounds = array<i64: 1, 128>}, {transform_indices = @transform_6, window_bounds = array<i64: 1000, 128>}]} {
    %get3A = arith.constant 0 : index
    %get3A_0 = arith.constant 0 : index
    %get3A_1 = vector.load %arg4[%get3A, %get3A_0] : memref<1000x128xf32, #tpu.memory_space<vmem>>, vector<1000x128xf32>
    %get3A_2 = arith.constant 0 : index
    %get3A_3 = arith.constant 0 : index
    %get3A_4 = vector.load %arg1[%get3A_2, %get3A_3] : memref<1000x128xf32, #tpu.memory_space<vmem>>, vector<1000x128xf32>
    %get3A_5 = arith.constant 0 : index
    %get3A_6 = arith.constant 0 : index
    %get3A_7 = vector.load %arg2[%get3A_5, %get3A_6] : memref<1000x128xf32, #tpu.memory_space<vmem>>, vector<1000x128xf32>
    %add3A = arith.addf %get3A_4, %get3A_7 : vector<1000x128xf32>
    %get3A_8 = arith.constant 0 : index
    %get3A_9 = arith.constant 0 : index
    %get3A_10 = vector.load %arg3[%get3A_8, %get3A_9] : memref<1000x128xf32, #tpu.memory_space<vmem>>, vector<1000x128xf32>
    %add3A_11 = arith.addf %add3A, %get3A_10 : vector<1000x128xf32>
    %mul3A = arith.mulf %get3A_1, %add3A_11 : vector<1000x128xf32>
    %get3A_12 = arith.constant 0 : index
    %get3A_13 = arith.constant 0 : index
    %get3A_14 = vector.load %arg6[%get3A_12, %get3A_13] : memref<1x128xf32, #tpu.memory_space<vmem>>, vector<1x128xf32>
    %add3A_15 = vector.broadcast %get3A_14 : vector<1x128xf32> to vector<1000x128xf32>
    %add3A_16 = arith.addf %mul3A, %add3A_15 : vector<1000x128xf32>
    %max3A = arith.constant 0.000000e+00 : f32
    %max3A_17 = vector.broadcast %max3A : f32 to vector<1000x128xf32>
    %max3A_18 = arith.maximumf %add3A_16, %max3A_17 : vector<1000x128xf32>
    %get3A_19 = arith.constant 0 : index
    %get3A_20 = arith.constant 0 : index
    %get3A_21 = vector.load %arg5[%get3A_19, %get3A_20] : memref<128x128xf32, #tpu.memory_space<vmem>>, vector<128x128xf32>
    %dot_general3A = arith.constant dense<0.000000e+00> : vector<1000x128xf32>
    %dot_general3A_22 = tpu.matmul %max3A_18, %get3A_21, %dot_general3A {dimension_numbers = #tpu.dot_dimension_numbers<[1], [0], [0], [1], [0, 0, 1, 1], [], []>, transpose_lhs_hint = false} : vector<1000x128xf32>, vector<128x128xf32>, vector<1000x128xf32> -> vector<1000x128xf32>
    %mul3A_23 = arith.mulf %get3A_1, %dot_general3A_22 : vector<1000x128xf32>
    %swap3A = arith.constant 0 : index
    %swap3A_24 = arith.constant 0 : index
    %swap3A_25 = vector.load %arg7[%swap3A, %swap3A_24] : memref<1000x128xf32, #tpu.memory_space<vmem>>, vector<1000x128xf32>
    tpu.vector_store %arg7[%swap3A, %swap3A_24], %mul3A_23 {strides = array<i32>} : memref<1000x128xf32, #tpu.memory_space<vmem>>, vector<1000x128xf32>,
    return
  }
  func.func @transform_0(%arg0: i32) -> (i32, i32) {
    %c0_i32 = arith.constant 0 : i32
    %c0_i32_0 = arith.constant 0 : i32
    return %arg0, %c0_i32 : i32, i32
  }
  func.func @transform_1(%arg0: i32) -> (i32, i32) {
    %c0_i32 = arith.constant 0 : i32
    %c0_i32_0 = arith.constant 0 : i32
    return %arg0, %c0_i32 : i32, i32
  }
  func.func @transform_2(%arg0: i32) -> (i32, i32) {
    %c0_i32 = arith.constant 0 : i32
    %c0_i32_0 = arith.constant 0 : i32
    return %arg0, %c0_i32 : i32, i32
  }
  func.func @transform_3(%arg0: i32) -> (i32, i32) {
    %c0_i32 = arith.constant 0 : i32
    %c0_i32_0 = arith.constant 0 : i32
    return %arg0, %c0_i32 : i32, i32
  }
  func.func @transform_4(%arg0: i32) -> (i32, i32) {
    %c0_i32 = arith.constant 0 : i32
    %c0_i32_0 = arith.constant 0 : i32
    %c0_i32_1 = arith.constant 0 : i32
    return %c0_i32, %c0_i32_0 : i32, i32
  }
  func.func @transform_5(%arg0: i32) -> (i32, i32) {
    %c0_i32 = arith.constant 0 : i32
    %c0_i32_0 = arith.constant 0 : i32
    %c0_i32_1 = arith.constant 0 : i32
    return %c0_i32, %c0_i32_0 : i32, i32
  }
  func.func @transform_6(%arg0: i32) -> (i32, i32) {
    %c0_i32 = arith.constant 0 : i32
    %c0_i32_0 = arith.constant 0 : i32
    return %arg0, %c0_i32 : i32, i32
  }
}

module attributes {stable_mosaic.version = 14 : i64} {
  func.func @_tc_final_body(%arg0: i32, %arg1: memref<1000x128xf32, #tpu.memory_space<vmem>>, %arg2: memref<1000x128xf32, #tpu.memory_space<vmem>>, %arg3: memref<1000x128xf32, #tpu.memory_space<vmem>>, %arg4: memref<1000x128xf32, #tpu.memory_space<vmem>>, %arg5: memref<1x128xf32, #tpu.memory_space<vmem>>, %arg6: memref<1000x64xf32, #tpu.memory_space<vmem>>) attributes {dimension_semantics = [#tpu.dimension_semantics<arbitrary>], iteration_bounds = array<i64: 10>, scalar_prefetch = 0 : i64, scratch_operands = 0 : i64, tpu.core_type = #tpu.core_type<tc>, window_params = [{transform_indices = @transform_0, window_bounds = array<i64: 1000, 128>}, {transform_indices = @transform_1, window_bounds = array<i64: 1000, 128>}, {transform_indices = @transform_2, window_bounds = array<i64: 1000, 128>}, {transform_indices = @transform_3, window_bounds = array<i64: 1000, 128>}, {pipeline_mode = #tpu.pipeline_mode<synchronous>, transform_indices = @transform_4, window_bounds = array<i64: 1, 128>}, {transform_indices = @transform_5, window_bounds = array<i64: 1000, 64>}]} {
    %get3A = arith.constant 0 : index
    %get3A_0 = arith.constant 0 : index
    %get3A_1 = vector.load %arg4[%get3A, %get3A_0] : memref<1000x128xf32, #tpu.memory_space<vmem>>, vector<1000x128xf32>
    %get3A_2 = arith.constant 0 : index
    %get3A_3 = arith.constant 0 : index
    %get3A_4 = vector.load %arg1[%get3A_2, %get3A_3] : memref<1000x128xf32, #tpu.memory_space<vmem>>, vector<1000x128xf32>
    %get3A_5 = arith.constant 0 : index
    %get3A_6 = arith.constant 0 : index
    %get3A_7 = vector.load %arg2[%get3A_5, %get3A_6] : memref<1000x128xf32, #tpu.memory_space<vmem>>, vector<1000x128xf32>
    %add3A = arith.addf %get3A_4, %get3A_7 : vector<1000x128xf32>
    %get3A_8 = arith.constant 0 : index
    %get3A_9 = arith.constant 0 : index
    %get3A_10 = vector.load %arg3[%get3A_8, %get3A_9] : memref<1000x128xf32, #tpu.memory_space<vmem>>, vector<1000x128xf32>
    %add3A_11 = arith.addf %add3A, %get3A_10 : vector<1000x128xf32>
    %mul3A = arith.mulf %get3A_1, %add3A_11 : vector<1000x128xf32>
    %get3A_12 = arith.constant 0 : index
    %get3A_13 = arith.constant 0 : index
    %get3A_14 = vector.load %arg5[%get3A_12, %get3A_13] : memref<1x128xf32, #tpu.memory_space<vmem>>, vector<1x128xf32>
    %add3A_15 = vector.broadcast %get3A_14 : vector<1x128xf32> to vector<1000x128xf32>
    %add3A_16 = arith.addf %mul3A, %add3A_15 : vector<1000x128xf32>
    %slice3A = vector.extract_strided_slice %add3A_16 {offsets = [0, 0], sizes = [1000, 64], strides = [1, 1]} : vector<1000x128xf32> to vector<1000x64xf32>
    %swap3A = arith.constant 0 : index
    %swap3A_17 = arith.constant 0 : index
    %swap3A_18 = vector.load %arg6[%swap3A, %swap3A_17] : memref<1000x64xf32, #tpu.memory_space<vmem>>, vector<1000x64xf32>
    tpu.vector_store %arg6[%swap3A, %swap3A_17], %slice3A {strides = array<i32>} : memref<1000x64xf32, #tpu.memory_space<vmem>>, vector<1000x64xf32>,
    return
  }
  func.func @transform_0(%arg0: i32) -> (i32, i32) {
    %c0_i32 = arith.constant 0 : i32
    %c0_i32_0 = arith.constant 0 : i32
    return %arg0, %c0_i32 : i32, i32
  }
  func.func @transform_1(%arg0: i32) -> (i32, i32) {
    %c0_i32 = arith.constant 0 : i32
    %c0_i32_0 = arith.constant 0 : i32
    return %arg0, %c0_i32 : i32, i32
  }
  func.func @transform_2(%arg0: i32) -> (i32, i32) {
    %c0_i32 = arith.constant 0 : i32
    %c0_i32_0 = arith.constant 0 : i32
    return %arg0, %c0_i32 : i32, i32
  }
  func.func @transform_3(%arg0: i32) -> (i32, i32) {
    %c0_i32 = arith.constant 0 : i32
    %c0_i32_0 = arith.constant 0 : i32
    return %arg0, %c0_i32 : i32, i32
  }
  func.func @transform_4(%arg0: i32) -> (i32, i32) {
    %c0_i32 = arith.constant 0 : i32
    %c0_i32_0 = arith.constant 0 : i32
    %c0_i32_1 = arith.constant 0 : i32
    return %c0_i32, %c0_i32_0 : i32, i32
  }
  func.func @transform_5(%arg0: i32) -> (i32, i32) {
    %c0_i32 = arith.constant 0 : i32
    %c0_i32_0 = arith.constant 0 : i32
    return %arg0, %c0_i32 : i32, i32
  }
}

</mosaic_0001>

<sc_bundles>
// kernel: kernel.10.cloned.1.call-start
scs
__scs_entry_jumppad:
0x0: {  	(pc) =	sbr.rel $0x88, $3  }
0x1: {  	(tag) =	ssettag $0x0;
	lr =	simm.s32 $0x1  }
0x2: {  	[smem:$0x3F99] =	sst lr;
	_ =	strace $0xD0000000  }
0x3: {  	_ = 	snop  }
0x4: {  	_ = 	snop  }
0x5: {  	_ = 	snop  }
0x6: {  	_ = 	snop  }
0x7: {  	_ = 	snop  }
__scs_overlays_trampoline_lowered:
0x8: {  	[smem:$0x3FA8] =	sst s0  }
0x9: {  	[smem:$0x3FA9] =	sst s1  }
0xa: {  	[smem:$0x3FAA] =	sst s2  }
0xb: {  	[smem:$0x3FAB] =	sst s3  }
0xc: {  	[smem:$0x3FAC] =	sst s4  }
0xd: {  	[smem:$0x3FAD] =	sst s5  }
0xe: {  	[smem:$0x3FAE] =	sst s6  }
0xf: {  	[smem:$0x3FAF] =	sst s7  }
0x10: {  	[smem:$0x3FB0] =	sst s8  }
0x11: {  	[smem:$0x3FB1] =	sst s9;
	s0 =	simm.s32 @!p0 $0x0  }
0x12: {  	s1 =	sld [smem:$0x3F97];
	s0 =	simm.s32 @p0 $0x1  }
0x13: {  	[smem:$0x3FB2] =	sst s0;
	s0 =	simm.s32 @!p1 $0x0  }
0x14: {  	s2 =	sld [smem:$0x3F96];
	s0 =	simm.s32 @p1 $0x1  }
0x15: {  	[smem:$0x3FB3] =	sst s0;
	s0 =	simm.s32 @!p2 $0x0  }
0x16: {  	s3 =	sld [smem:$0x3FDB];
	s0 =	simm.s32 @p2 $0x1  }
0x17: {  	s4 =	simm.s32 $0x1BF5;
	[smem:$0x3FB5] =	sst s0  }
0x18: {  	s0 =	sld [smem:$0x3F98];
	_ =	swait.ge [sflag:s4], $0x0  }
0x19: {  	s7 =	sld [smem:$0x3F99]  }
0x1a: {  	s8 =	sadd.s32 $0xFFFFE003, lr  }
0x1b: {  	s9 =	sadd.s32 $0xFFFFFEF7, lr;
	s5 =	simm.s32 $0xFFFFFFFF;
	p2 =	slt.u32 s8, $0xFFFFF086  }
0x1c: {  	p1 =	slt.u32 s9, $0xF7A;
	s5 =	simm.s32 @!p2 $0x0  }
0x1d: {  	s5 =	simm.s32 @p1 $0x1;
	p0 =	seq.s32 s7, s2  }
0x1e: {  	s7 =	smul.u32 @!p0 $0xF7A, s2;
	p2 =	seq.s32 @!p0 s5, $0x0  }
0x1f: {  	s9 =	smul.u32 $0xF7A, s1;
	s8 =	simm.s32 @!p0 $0x1BF5;
	p2 =	por !p2, p0  }
0x20: {  	[sflag:s8] =	ssyncset.s32 @!p0 $0xFFFFF086;
	s6 =	sadd.s32 @!p0 s3, s7;
	s7 =	simm.s32 @!p0 $0x108  }
0x21: {  	s3 =	sadd.s32 s3, s9;
	s6 =	sadd.s32 @!p0 $0x88, s6;
	s7 =	simm.s32 @p2 $0x1082  }
0x22: {  	[simem:s7], [sflag:s8] =	dma.local @!p0 [hbm:s6], $0xF7A  }
0x23: {  	s9 =	sor.u32 $0xD0000000, s2;
	s6 =	simm.s32 $0x108;
	_ =	swait.ge @!p0 [sflag:s8], $0x0  }
0x24: {  	s3 =	sadd.s32 $0x88, s3;
	s6 =	simm.s32 @!p1 $0x1082;
	[sflag:s4] =	ssyncset.s32 $0xFFFFF086  }
0x25: {  	[simem:s6], [sflag:s4] =	dma.local [hbm:s3], $0xF7A  }
0x26: {  	[smem:$0x3F99] =	sst s1;
	(tag) =	ssettag s2;
	_ =	strace s9  }
0x27: {  	s1 =	sld [smem:$0x3FA9]  }
0x28: {  	s2 =	sld [smem:$0x3FAA]  }
0x29: {  	s4 =	sld [smem:$0x3FAC]  }
0x2a: {  	p0 =	seq.s32 s5, $0x0;
	s5 =	sld [smem:$0x3FAD]  }
0x2b: {  	s6 =	sld [smem:$0x3FAE]  }
0x2c: {  	s7 =	sld [smem:$0x3FAF]  }
0x2d: {  	s3 =	simm.s32 $0x108;
	s8 =	sld [smem:$0x3FB0]  }
0x2e: {  	s3 =	simm.s32 @!p0 $0x1082;
	s9 =	sld [smem:$0x3FB1]  }
0x2f: {  	lr =	sadd.s32 s0, s3;
	s0 =	sld [smem:$0x3FA8]  }
0x30: {  	s3 =	sld [smem:$0x3FAB]  }
0x31: {  	[smem:$0x3FB4] =	sst s10  }
0x32: {  	s10 =	sld [smem:$0x3FB2];
	_ =	sdelay $0x3  }
0x33: {  	p0 =	seq.s32 s10, $0x1;
	s10 =	sld [smem:$0x3FB4];
	_ =	sdelay $0x3  }
0x34: {  	[smem:$0x3FB4] =	sst s10  }
0x35: {  	s10 =	sld [smem:$0x3FB3];
	_ =	sdelay $0x3  }
0x36: {  	p1 =	seq.s32 s10, $0x1;
	s10 =	sld [smem:$0x3FB4];
	_ =	sdelay $0x3  }
0x37: {  	[smem:$0x3FB4] =	sst s10  }
0x38: {  	s10 =	sld [smem:$0x3FB5]  }
0x39: {  	_ = 	snop;
	(pc) =	sbr.ind lr, $3  }
0x3a: {  	_ = 	snop  }
0x3b: {  	_ = 	snop  }
0x3c: {  	p2 =	seq.s32 s10, $0x1;
	s10 =	sld [smem:$0x3FB4]  }
0x3d: {  	_ =	shalt  }
0x3e: {  	_ =	shalt  }
0x3f: {  	_ =	shalt  }
0x40: {  	_ =	shalt  }
0x41: {  	_ =	shalt  }
0x42: {  	_ =	shalt  }
0x43: {  	_ =	shalt  }
0x44: {  	_ =	shalt  }
0x45: {  	_ =	shalt  }
0x46: {  	_ =	shalt  }
0x47: {  	_ =	shalt  }
0x48: {  	_ =	shalt  }
0x49: {  	_ =	shalt  }
0x4a: {  	_ =	shalt  }
0x4b: {  	_ =	shalt  }
0x4c: {  	_ =	shalt  }
0x4d: {  	_ =	shalt  }
0x4e: {  	_ =	shalt  }
0x4f: {  	_ =	shalt  }
0x50: {  	_ =	shalt  }
0x51: {  	_ =	shalt  }
0x52: {  	_ =	shalt  }
0x53: {  	_ =	shalt  }
0x54: {  	_ =	shalt  }
0x55: {  	_ =	shalt  }
0x56: {  	_ =	shalt  }
0x57: {  	_ =	shalt  }
0x58: {  	_ =	shalt  }
0x59: {  	_ =	shalt  }
0x5a: {  	_ =	shalt  }
0x5b: {  	_ =	shalt  }
0x5c: {  	_ =	shalt  }
0x5d: {  	_ =	shalt  }
0x5e: {  	_ =	shalt  }
0x5f: {  	_ =	shalt  }
0x60: {  	_ =	shalt  }
0x61: {  	_ =	shalt  }
0x62: {  	_ =	shalt  }
0x63: {  	_ =	shalt  }
0x64: {  	_ =	shalt  }
0x65: {  	_ =	shalt  }
0x66: {  	_ =	shalt  }
0x67: {  	_ =	shalt  }
0x68: {  	_ =	shalt  }
0x69: {  	_ =	shalt  }
0x6a: {  	_ =	shalt  }
0x6b: {  	_ =	shalt  }
0x6c: {  	_ =	shalt  }
0x6d: {  	_ =	shalt  }
0x6e: {  	_ =	shalt  }
0x6f: {  	_ =	shalt  }
0x70: {  	_ =	shalt  }
0x71: {  	_ =	shalt  }
0x72: {  	_ =	shalt  }
0x73: {  	_ =	shalt  }
0x74: {  	_ =	shalt  }
0x75: {  	_ =	shalt  }
0x76: {  	_ =	shalt  }
0x77: {  	_ =	shalt  }
0x78: {  	_ =	shalt  }
0x79: {  	_ =	shalt  }
0x7a: {  	_ =	shalt  }
0x7b: {  	_ =	shalt  }
0x7c: {  	_ =	shalt  }
0x7d: {  	_ =	shalt  }
0x7e: {  	_ =	shalt  }
0x7f: {  	_ =	shalt  }
0x80: {  	_ =	shalt  }
0x81: {  	_ =	shalt  }
0x82: {  	_ =	shalt  }
0x83: {  	_ =	shalt  }
0x84: {  	_ =	shalt  }
0x85: {  	_ =	shalt  }
0x86: {  	_ =	shalt  }
0x87: {  	_ =	shalt  }
.Lfunc_end0:
.L_simem_size_0:
called_computation_lowered:
.L_overlay_start_0:
0x88: {  	s2 =	sld [smem:$0x3FD9]  }
0x89: {  	s3 =	sld [smem:$0x3FFE];
	_ =	sdelay $0x1  }
0x8a: {  	s1 =	srdreg.scid  }
0x8b: {  	s0 =	sand.u32 $0x1, s1  }
0x8c: {  	s17 =	sshll.u32 s0, $0xA;
	s2 =	sadd.s32 s3, s2  }
0x8d: {  	s2 =	sadd.s32 s2, s17  }
0x8e: {  	[smem:$0x3FC0] =	sst s2  }
0x8f: {  	_ = 	snop  }
0x90: {  	s2 =	sld [smem:$0x3FD0];
	(tm) =	ssettm $0x1  }
0x91: {  	s18 =	sld [smem:$0x3FFB];
	_ =	sdelay $0x3  }
0x92: {  	_ =	strace s18  }
0x93: {  	s3 =	sld [smem:$0x3FFC];
	_ =	sdelay $0x3  }
0x94: {  	_ =	strace s3  }
0x95: {  	s3 =	sld [smem:$0x3FFD];
	_ =	sdelay $0x3  }
0x96: {  	_ =	strace s3  }
0x97: {  	_ =	strace $0x8FFFFFFF  }
0x98: {  	s19 =	sld [smem:$0x3FDB];
	_ =	sdelay $0x1  }
0x99: {  	s4 =	simm.s32 $_scs_section_size  }
0x9a: {  	s5 =	simm.s32 $_size__tile_overlayer_lowered;
	s6 =	simm.s32 $_tile_overlayer_lowered  }
0x9b: {  	s22 =	simm.s32 $0x1BFF;
	s21 =	sshll.u32 s6, $0x1;
	s3 =	sadd.s32 s4, s19  }
0x9c: {  	s7 =	simm.s32 $0x0;
	s20 =	sshll.u32 s5, $0x1;
	s5 =	sadd.s32 s21, s3  }
0x9d: {  	[timem:s7], [sflag:s22] =	dma.local [hbm:s5], s20  }
0x9e: {  	_ =	swait.ge [sflag:s22], s20  }
0x9f: {  	s4 =	ssub.s32 $0x0, s20;
	[sflag:s22] =	ssyncset.done $0x0  }
0xa0: {  	[sflag:s22] =	ssyncadd.s32 s4;
	_ =	sdelay $0x1  }
0xa1: {  	s23 =	simm.s32 $0x1B8B  }
0xa2: {  	_ =	swait.ge [sflag:s23], $0x1  }
0xa3: {  	[sflag:s23] =	ssyncset.done $0x0  }
0xa4: {  	s25 =	simm.s32 $0x1B8E;
	s24 =	sld [smem:$0x3FFE];
	[sflag:s23] =	ssyncadd.s32 $0xFFFFFFFF  }
0xa5: {  	s26 =	simm.s32 $execute0_lowered;
	[smem:$0x3FD2] =	sst s25  }
0xa6: {  	s5 =	sshll.u32 s26, $0x1;
	_ =	strace $0x80000046;
	[dreg:$0x1] =	wrdreg $0xFFFFFFFF  }
0xa7: {  	s28 =	simm.s32 $_size_execute0_lowered;
	s3 =	sadd.s32 s3, s5;
	[dreg:$0x0] =	wrdreg $0x0  }
0xa8: {  	s5 =	sshll.u32 s28, $0x1;
	[dreg:$0x2] =	wrdreg s3  }
0xa9: {  	[dreg:$0x3] =	wrdreg s5  }
0xaa: {  	[dreg:$0x4] =	wrdreg $0xC0  }
0xab: {  	_ =	task [dreg:s7], $0x5FFFF  }
0xac: {  	[dreg:$0x1] =	wrdreg $0xFFFFFFFF  }
0xad: {  	[dreg:$0x0] =	wrdreg $0x60  }
0xae: {  	[dreg:$0x2] =	wrdreg s24  }
0xaf: {  	[dreg:$0x3] =	wrdreg s2  }
0xb0: {  	[dreg:$0x4] =	wrdreg $0x48000  }
0xb1: {  	[dreg:$0x5] =	wrdreg $0x9  }
0xb2: {  	_ =	task.clear_ibuf [dreg:s7], $0x6FFFF;
	_ =	strace $0x90000046  }
0xb3: {  	s29 =	simm.s32 $0x9;
	_ =	strace $0x80000048  }
0xb4: {  	_ =	swait.ge [sflag:s29], $0x1  }
0xb5: {  	[sflag:s29] =	ssyncadd.s32 $0xFFFFFFFF  }
0xb6: {  	_ =	strace $0x90000048  }
0xb7: {  	_ =	sfence  }
0xb8: {  	s30 =	sld [smem:$0x0];
	_ =	sdelay $0x2  }
0xb9: {  	s31 =	sshll.u32 s1, $0xD;
	s1 =	sshrl.u32 s1, $0x2  }
0xba: {  	s3 =	sand.u32 $0x4000, s31;
	s1 =	sadd.s32 s1, s30  }
0xbb: {  	s0 =	sor.u32 s3, s0;
	s1 =	sshll.u32 s1, $0x11  }
0xbc: {  	s0 =	sor.u32 s1, s0  }
0xbd: {  	s0 =	sadd.s32 $0x8F2B, s0  }
0xbe: {  	[sflag:s0] =	ssyncadd.remote.s32 $0x1  }
0xbf: {  	_ =	sfence.sel $0xFFFF  }
0xc0: {  	[dreg:$0x0] =	wrdreg $0xFFFFFFFF;
	(pc) =	sbr.abs _section_cstart, $3  }
0xc1: {  	[dreg:$0x1] =	wrdreg $0xFFFFFFFF  }
0xc2: {  	_ =	task.clear_ibuf [dreg:s7], $0x2FFFF;
	_ =	strace $0x9FFFFFFF  }
0xc3: {  	(tm) =	ssettm $0x7FFFFFFF  }
tec
execute0_lowered:
.L_overlay_start_1:
0x0: {  	(tag) =	ssettag $0x1  }
0x1: {  	s0 =	rddreg [dreg:$0x0]  }
0x2: {  	s1 =	rddreg [dreg:$0x1]  }
0x3: {  	s2 =	rddreg [dreg:$0x2];
	s3 =	srdreg.scid  }
0x4: {  	s4 =	simm.s32 $0x0;
	s24 =	stileid.u32;
	s12 =	simm.s32 $0x7B800  }
0x5: {  	s13 =	simm.s32 $0x80;
	s14 =	simm.s32 $0x100;
	s15 =	simm.s32 $0x180  }
0x6: {  	s16 =	simm.s32 $0x200;
	s17 =	simm.s32 $0x280;
	s18 =	simm.s32 $0x300  }
0x7: {  	s19 =	simm.s32 $0x380;
	s20 =	simm.s32 $0x400;
	s21 =	simm.s32 $0x480  }
0x8: {  	s22 =	simm.s32 $0x500;
	s23 =	simm.s32 $0x580;
	s6 =	smul.u32 $0x4F000, s24  }
0x9: {  	s28 =	simm.s32 $0x780;
	s29 =	simm.s32 $0x0;
	s8 =	smul.u32 $0x2780, s24  }
0xa: {  	s7 =	sand.u32 $0x1, s3;
	[smem:$0x7FF] =	sst s4;
	s31 =	smul.u32 $0xA00, s24  }
0xb: {  	s30 =	sshll.u32 s24, $0x6;
	s24 =	simm.s32 $0x600;
	s5 =	smul.u32 $0xA000, s7  }
0xc: {  	_ =	strace $0x80000047;
	s9 =	ssub.s32 $0x2, s7;
	p0 =	seq.s32 s7, $0x1  }
0xd: {  	s25 =	sshrl.u32 s9, $0x1;
	s6 =	sshrl.u32 s6, $0x2;
	s12 =	simm.s32 @!p0 $0x54000  }
0xe: {  	s10 =	sadd.s32 s5, s0;
	s0 =	sadd.s32 s8, s0;
	s26 =	ssub.s32 s9, s25  }
0xf: {  	s11 =	sadd.s32 s6, s2;
	s6 =	sor.u32 $0x1C01, s30;
	s25 =	simm.s32 $0x680  }
0x10: {  	s5 =	sadd.s32 $0x2C800, s0;
	s7 =	smax.u32 s26, $0x1;
	s9 =	sadd.s32 s31, s10  }
0x11: {  	s8 =	sadd.s32 s12, s0;
	s10 =	sshrl.u32 s11, $0x3;
	s11 =	simm.s32 $0x1  }
0x12: {  	s12 =	simm.s32 $0x800;
	s26 =	simm.s32 $0x700;
	s9 =	sadd.s32 $0x4800, s9  }
.LBB2_1:
0x13: {  	[spmem:s10], [sflag:s6] =	dma.local [hbm:s5], $0x2780  }
0x14: {  	_ =	swait.ge [sflag:s11], $0x2780  }
0x15: {  	[sflag:s11] =	ssyncset.done $0x0  }
0x16: {  	[sflag:s11] =	ssyncadd.s32 $0xFFFFD880  }
0x17: {  	[tilespmem:s12], [sflag:$0x1] =	stream.linear.gather [hbm4b:s1+s4], $0x4000, $0x38;
	[tilespmem:$0x18400] =	vst v63  }
0x18: {  	_ =	swait.ge [sflag:s11], $0x4000  }
0x19: {  	[sflag:s11] =	ssyncset.done $0x0  }
0x1a: {  	[sflag:s11] =	ssyncadd.s32 $0xFFFFC000  }
0x1b: {  	s0 =	sadd.s32 $0x0, s9;
	[bflag:$0x0] =	sbarrier.arrive $0xFFFF  }
0x1c: {  	[tilespmem:s4], [sflag:$0x1] =	stream.linear.gather [hbm4b:s0+s4], $0x800, $0x38;
	[tilespmem:$0x18400] =	vst v63  }
0x1d: {  	_ =	swait.ge [sflag:s11], $0x800  }
0x1e: {  	[sflag:s11] =	ssyncset.done $0x0  }
0x1f: {  	[sflag:s11] =	ssyncadd.s32 $0xFFFFF800  }
0x20: {  	[spmem:s2] =	stream.indirect.scatter.add.f32 [tilespmem:s12], [sflag:$0x1], $0x80, s4, s13, $0xb8;
	[tilespmem:$0x18400] =	vst v63  }
0x21: {  	_ =	swait.ge [sflag:s11], $0x4000  }
0x22: {  	[sflag:s11] =	ssyncset.done $0x0  }
0x23: {  	[sflag:s11] =	ssyncadd.s32 $0xFFFFC000  }
0x24: {  	[spmem:s2] =	stream.indirect.scatter.add.f32 [tilespmem:s12], [sflag:$0x1], $0x80, s13, s13, $0xb8;
	[tilespmem:$0x18400] =	vst v63  }
0x25: {  	_ =	swait.ge [sflag:s11], $0x4000  }
0x26: {  	[sflag:s11] =	ssyncset.done $0x0  }
0x27: {  	[sflag:s11] =	ssyncadd.s32 $0xFFFFC000  }
0x28: {  	[spmem:s2] =	stream.indirect.scatter.add.f32 [tilespmem:s12], [sflag:$0x1], $0x80, s14, s13, $0xb8;
	[tilespmem:$0x18400] =	vst v63  }
0x29: {  	_ =	swait.ge [sflag:s11], $0x4000  }
0x2a: {  	[sflag:s11] =	ssyncset.done $0x0  }
0x2b: {  	[sflag:s11] =	ssyncadd.s32 $0xFFFFC000  }
0x2c: {  	[spmem:s2] =	stream.indirect.scatter.add.f32 [tilespmem:s12], [sflag:$0x1], $0x80, s15, s13, $0xb8;
	[tilespmem:$0x18400] =	vst v63  }
0x2d: {  	_ =	swait.ge [sflag:s11], $0x4000  }
0x2e: {  	[sflag:s11] =	ssyncset.done $0x0  }
0x2f: {  	[sflag:s11] =	ssyncadd.s32 $0xFFFFC000  }
0x30: {  	[spmem:s2] =	stream.indirect.scatter.add.f32 [tilespmem:s12], [sflag:$0x1], $0x80, s16, s13, $0xb8;
	[tilespmem:$0x18400] =	vst v63  }
0x31: {  	_ =	swait.ge [sflag:s11], $0x4000  }
0x32: {  	[sflag:s11] =	ssyncset.done $0x0  }
0x33: {  	[sflag:s11] =	ssyncadd.s32 $0xFFFFC000  }
0x34: {  	[spmem:s2] =	stream.indirect.scatter.add.f32 [tilespmem:s12], [sflag:$0x1], $0x80, s17, s13, $0xb8;
	[tilespmem:$0x18400] =	vst v63  }
0x35: {  	_ =	swait.ge [sflag:s11], $0x4000  }
0x36: {  	[sflag:s11] =	ssyncset.done $0x0  }
0x37: {  	[sflag:s11] =	ssyncadd.s32 $0xFFFFC000  }
0x38: {  	[spmem:s2] =	stream.indirect.scatter.add.f32 [tilespmem:s12], [sflag:$0x1], $0x80, s18, s13, $0xb8;
	[tilespmem:$0x18400] =	vst v63  }
0x39: {  	_ =	swait.ge [sflag:s11], $0x4000  }
0x3a: {  	[sflag:s11] =	ssyncset.done $0x0  }
0x3b: {  	[sflag:s11] =	ssyncadd.s32 $0xFFFFC000  }
0x3c: {  	[spmem:s2] =	stream.indirect.scatter.add.f32 [tilespmem:s12], [sflag:$0x1], $0x80, s19, s13, $0xb8;
	[tilespmem:$0x18400] =	vst v63  }
0x3d: {  	_ =	swait.ge [sflag:s11], $0x4000  }
0x3e: {  	[sflag:s11] =	ssyncset.done $0x0  }
0x3f: {  	[sflag:s11] =	ssyncadd.s32 $0xFFFFC000  }
0x40: {  	[spmem:s2] =	stream.indirect.scatter.add.f32 [tilespmem:s12], [sflag:$0x1], $0x80, s20, s13, $0xb8;
	[tilespmem:$0x18400] =	vst v63  }
0x41: {  	_ =	swait.ge [sflag:s11], $0x4000  }
0x42: {  	[sflag:s11] =	ssyncset.done $0x0  }
0x43: {  	[sflag:s11] =	ssyncadd.s32 $0xFFFFC000  }
0x44: {  	[spmem:s2] =	stream.indirect.scatter.add.f32 [tilespmem:s12], [sflag:$0x1], $0x80, s21, s13, $0xb8;
	[tilespmem:$0x18400] =	vst v63  }
0x45: {  	_ =	swait.ge [sflag:s11], $0x4000  }
0x46: {  	[sflag:s11] =	ssyncset.done $0x0  }
0x47: {  	[sflag:s11] =	ssyncadd.s32 $0xFFFFC000  }
0x48: {  	[spmem:s2] =	stream.indirect.scatter.add.f32 [tilespmem:s12], [sflag:$0x1], $0x80, s22, s13, $0xb8;
	[tilespmem:$0x18400] =	vst v63  }
0x49: {  	_ =	swait.ge [sflag:s11], $0x4000  }
0x4a: {  	[sflag:s11] =	ssyncset.done $0x0  }
0x4b: {  	[sflag:s11] =	ssyncadd.s32 $0xFFFFC000  }
0x4c: {  	[spmem:s2] =	stream.indirect.scatter.add.f32 [tilespmem:s12], [sflag:$0x1], $0x80, s23, s13, $0xb8;
	[tilespmem:$0x18400] =	vst v63  }
0x4d: {  	_ =	swait.ge [sflag:s11], $0x4000  }
0x4e: {  	[sflag:s11] =	ssyncset.done $0x0  }
0x4f: {  	[sflag:s11] =	ssyncadd.s32 $0xFFFFC000  }
0x50: {  	[spmem:s2] =	stream.indirect.scatter.add.f32 [tilespmem:s12], [sflag:$0x1], $0x80, s24, s13, $0xb8;
	[tilespmem:$0x18400] =	vst v63  }
0x51: {  	_ =	swait.ge [sflag:s11], $0x4000  }
0x52: {  	[sflag:s11] =	ssyncset.done $0x0  }
0x53: {  	[sflag:s11] =	ssyncadd.s32 $0xFFFFC000  }
0x54: {  	[spmem:s2] =	stream.indirect.scatter.add.f32 [tilespmem:s12], [sflag:$0x1], $0x80, s25, s13, $0xb8;
	[tilespmem:$0x18400] =	vst v63  }
0x55: {  	_ =	swait.ge [sflag:s11], $0x4000  }
0x56: {  	[sflag:s11] =	ssyncset.done $0x0  }
0x57: {  	[sflag:s11] =	ssyncadd.s32 $0xFFFFC000  }
0x58: {  	[spmem:s2] =	stream.indirect.scatter.add.f32 [tilespmem:s12], [sflag:$0x1], $0x80, s26, s13, $0xb8;
	[tilespmem:$0x18400] =	vst v63  }
0x59: {  	_ =	swait.ge [sflag:s11], $0x4000  }
0x5a: {  	[sflag:s11] =	ssyncset.done $0x0  }
0x5b: {  	[sflag:s11] =	ssyncadd.s32 $0xFFFFC000  }
0x5c: {  	[spmem:s2] =	stream.indirect.scatter.add.f32 [tilespmem:s12], [sflag:$0x1], $0x80, s28, s13, $0xb8;
	[tilespmem:$0x18400] =	vst v63  }
0x5d: {  	_ =	swait.ge [sflag:s11], $0x4000  }
0x5e: {  	s30 =	simm.s32 $0x100;
	s31 =	simm.s32 $0x200;
	[sflag:s11] =	ssyncset.done $0x0  }
.LBB2_2:
0x5f: {  	s3 =	sadd.s32 s30, s9  }
0x60: {  	[sflag:s11] =	ssyncadd.s32 $0xFFFFC000;
	s30 =	smov.u32 s31;
	s0 =	sadd.s32 $0x100, s31  }
0x61: {  	[tilespmem:s4], [sflag:$0x1] =	stream.linear.gather [hbm4b:s3+s4], $0x800, $0x38;
	[tilespmem:$0x18400] =	vst v63  }
0x62: {  	p0 =	sne.s32 s31, $0x900;
	_ =	swait.ge [sflag:s11], $0x800  }
0x63: {  	[sflag:s11] =	ssyncset.done $0x0  }
0x64: {  	[sflag:s11] =	ssyncadd.s32 $0xFFFFF800  }
0x65: {  	[spmem:s2] =	stream.indirect.scatter.add.f32 [tilespmem:s12], [sflag:$0x1], $0x80, s4, s13, $0xb8;
	[tilespmem:$0x18400] =	vst v63  }
0x66: {  	_ =	swait.ge [sflag:s11], $0x4000  }
0x67: {  	[sflag:s11] =	ssyncset.done $0x0  }
0x68: {  	[sflag:s11] =	ssyncadd.s32 $0xFFFFC000  }
0x69: {  	[spmem:s2] =	stream.indirect.scatter.add.f32 [tilespmem:s12], [sflag:$0x1], $0x80, s13, s13, $0xb8;
	[tilespmem:$0x18400] =	vst v63  }
0x6a: {  	_ =	swait.ge [sflag:s11], $0x4000  }
0x6b: {  	[sflag:s11] =	ssyncset.done $0x0  }
0x6c: {  	[sflag:s11] =	ssyncadd.s32 $0xFFFFC000  }
0x6d: {  	[spmem:s2] =	stream.indirect.scatter.add.f32 [tilespmem:s12], [sflag:$0x1], $0x80, s14, s13, $0xb8;
	[tilespmem:$0x18400] =	vst v63  }
0x6e: {  	_ =	swait.ge [sflag:s11], $0x4000  }
0x6f: {  	[sflag:s11] =	ssyncset.done $0x0  }
0x70: {  	[sflag:s11] =	ssyncadd.s32 $0xFFFFC000  }
0x71: {  	[spmem:s2] =	stream.indirect.scatter.add.f32 [tilespmem:s12], [sflag:$0x1], $0x80, s15, s13, $0xb8;
	[tilespmem:$0x18400] =	vst v63  }
0x72: {  	_ =	swait.ge [sflag:s11], $0x4000  }
0x73: {  	[sflag:s11] =	ssyncset.done $0x0  }
0x74: {  	[sflag:s11] =	ssyncadd.s32 $0xFFFFC000  }
0x75: {  	[spmem:s2] =	stream.indirect.scatter.add.f32 [tilespmem:s12], [sflag:$0x1], $0x80, s16, s13, $0xb8;
	[tilespmem:$0x18400] =	vst v63  }
0x76: {  	_ =	swait.ge [sflag:s11], $0x4000  }
0x77: {  	[sflag:s11] =	ssyncset.done $0x0  }
0x78: {  	[sflag:s11] =	ssyncadd.s32 $0xFFFFC000  }
0x79: {  	[spmem:s2] =	stream.indirect.scatter.add.f32 [tilespmem:s12], [sflag:$0x1], $0x80, s17, s13, $0xb8;
	[tilespmem:$0x18400] =	vst v63  }
0x7a: {  	_ =	swait.ge [sflag:s11], $0x4000  }
0x7b: {  	[sflag:s11] =	ssyncset.done $0x0  }
0x7c: {  	[sflag:s11] =	ssyncadd.s32 $0xFFFFC000  }
0x7d: {  	[spmem:s2] =	stream.indirect.scatter.add.f32 [tilespmem:s12], [sflag:$0x1], $0x80, s18, s13, $0xb8;
	[tilespmem:$0x18400] =	vst v63  }
0x7e: {  	_ =	swait.ge [sflag:s11], $0x4000  }
0x7f: {  	[sflag:s11] =	ssyncset.done $0x0  }
0x80: {  	[sflag:s11] =	ssyncadd.s32 $0xFFFFC000  }
0x81: {  	[spmem:s2] =	stream.indirect.scatter.add.f32 [tilespmem:s12], [sflag:$0x1], $0x80, s19, s13, $0xb8;
	[tilespmem:$0x18400] =	vst v63  }
0x82: {  	_ =	swait.ge [sflag:s11], $0x4000  }
0x83: {  	[sflag:s11] =	ssyncset.done $0x0  }
0x84: {  	[sflag:s11] =	ssyncadd.s32 $0xFFFFC000  }
0x85: {  	[spmem:s2] =	stream.indirect.scatter.add.f32 [tilespmem:s12], [sflag:$0x1], $0x80, s20, s13, $0xb8;
	[tilespmem:$0x18400] =	vst v63  }
0x86: {  	_ =	swait.ge [sflag:s11], $0x4000  }
0x87: {  	[sflag:s11] =	ssyncset.done $0x0  }
0x88: {  	[sflag:s11] =	ssyncadd.s32 $0xFFFFC000  }
0x89: {  	[spmem:s2] =	stream.indirect.scatter.add.f32 [tilespmem:s12], [sflag:$0x1], $0x80, s21, s13, $0xb8;
	[tilespmem:$0x18400] =	vst v63  }
0x8a: {  	_ =	swait.ge [sflag:s11], $0x4000  }
0x8b: {  	[sflag:s11] =	ssyncset.done $0x0  }
0x8c: {  	[sflag:s11] =	ssyncadd.s32 $0xFFFFC000  }
0x8d: {  	[spmem:s2] =	stream.indirect.scatter.add.f32 [tilespmem:s12], [sflag:$0x1], $0x80, s22, s13, $0xb8;
	[tilespmem:$0x18400] =	vst v63  }
0x8e: {  	_ =	swait.ge [sflag:s11], $0x4000  }
0x8f: {  	[sflag:s11] =	ssyncset.done $0x0  }
0x90: {  	[sflag:s11] =	ssyncadd.s32 $0xFFFFC000  }
0x91: {  	[spmem:s2] =	stream.indirect.scatter.add.f32 [tilespmem:s12], [sflag:$0x1], $0x80, s23, s13, $0xb8;
	[tilespmem:$0x18400] =	vst v63  }
0x92: {  	_ =	swait.ge [sflag:s11], $0x4000  }
0x93: {  	[sflag:s11] =	ssyncset.done $0x0  }
0x94: {  	[sflag:s11] =	ssyncadd.s32 $0xFFFFC000  }
0x95: {  	[spmem:s2] =	stream.indirect.scatter.add.f32 [tilespmem:s12], [sflag:$0x1], $0x80, s24, s13, $0xb8;
	[tilespmem:$0x18400] =	vst v63  }
0x96: {  	_ =	swait.ge [sflag:s11], $0x4000  }
0x97: {  	[sflag:s11] =	ssyncset.done $0x0  }
0x98: {  	[sflag:s11] =	ssyncadd.s32 $0xFFFFC000  }
0x99: {  	[spmem:s2] =	stream.indirect.scatter.add.f32 [tilespmem:s12], [sflag:$0x1], $0x80, s25, s13, $0xb8;
	[tilespmem:$0x18400] =	vst v63  }
0x9a: {  	_ =	swait.ge [sflag:s11], $0x4000  }
0x9b: {  	[sflag:s11] =	ssyncset.done $0x0  }
0x9c: {  	[sflag:s11] =	ssyncadd.s32 $0xFFFFC000  }
0x9d: {  	[spmem:s2] =	stream.indirect.scatter.add.f32 [tilespmem:s12], [sflag:$0x1], $0x80, s26, s13, $0xb8;
	[tilespmem:$0x18400] =	vst v63  }
0x9e: {  	_ =	swait.ge [sflag:s11], $0x4000  }
.Ltmp0:
0x9f: {  	[sflag:s11] =	ssyncset.done $0x0;
	(pc) =	sbr.rel @p0 .LBB2_2-.Ltmp0, $4  }
0xa0: {  	[sflag:s11] =	ssyncadd.s32 $0xFFFFC000  }
0xa1: {  	[spmem:s2] =	stream.indirect.scatter.add.f32 [tilespmem:s12], [sflag:$0x1], $0x80, s28, s13, $0xb8;
	[tilespmem:$0x18400] =	vst v63  }
0xa2: {  	_ =	swait.ge [sflag:s11], $0x4000  }
0xa3: {  	s31 =	smov.u32 s0;
	[sflag:s11] =	ssyncset.done $0x0  }
0xa4: {  	s0 =	sadd.s32 s30, s9;
	[sflag:s11] =	ssyncadd.s32 $0xFFFFC000  }
0xa5: {  	[tilespmem:s4], [sflag:$0x1] =	stream.linear.gather [hbm4b:s0+s4], $0x800, $0x38;
	[tilespmem:$0x18400] =	vst v63  }
0xa6: {  	_ =	swait.ge [sflag:s11], $0x800  }
0xa7: {  	[sflag:s11] =	ssyncset.done $0x0  }
0xa8: {  	[sflag:s11] =	ssyncadd.s32 $0xFFFFF800  }
0xa9: {  	[spmem:s2] =	stream.indirect.scatter.add.f32 [tilespmem:s12], [sflag:$0x1], $0x80, s4, s13, $0xb8;
	[tilespmem:$0x18400] =	vst v63  }
0xaa: {  	_ =	swait.ge [sflag:s11], $0x4000  }
0xab: {  	[sflag:s11] =	ssyncset.done $0x0  }
0xac: {  	[sflag:s11] =	ssyncadd.s32 $0xFFFFC000  }
0xad: {  	[spmem:s2] =	stream.indirect.scatter.add.f32 [tilespmem:s12], [sflag:$0x1], $0x80, s13, s13, $0xb8;
	[tilespmem:$0x18400] =	vst v63  }
0xae: {  	_ =	swait.ge [sflag:s11], $0x4000  }
0xaf: {  	[sflag:s11] =	ssyncset.done $0x0  }
0xb0: {  	[sflag:s11] =	ssyncadd.s32 $0xFFFFC000  }
0xb1: {  	[spmem:s2] =	stream.indirect.scatter.add.f32 [tilespmem:s12], [sflag:$0x1], $0x80, s14, s13, $0xb8;
	[tilespmem:$0x18400] =	vst v63  }
0xb2: {  	_ =	swait.ge [sflag:s11], $0x4000  }
0xb3: {  	[sflag:s11] =	ssyncset.done $0x0  }
0xb4: {  	[sflag:s11] =	ssyncadd.s32 $0xFFFFC000  }
0xb5: {  	[spmem:s2] =	stream.indirect.scatter.add.f32 [tilespmem:s12], [sflag:$0x1], $0x80, s15, s13, $0xb8;
	[tilespmem:$0x18400] =	vst v63  }
0xb6: {  	_ =	swait.ge [sflag:s11], $0x4000  }
0xb7: {  	[sflag:s11] =	ssyncset.done $0x0  }
0xb8: {  	[sflag:s11] =	ssyncadd.s32 $0xFFFFC000  }
0xb9: {  	[spmem:s2] =	stream.indirect.scatter.add.f32 [tilespmem:s12], [sflag:$0x1], $0x80, s16, s13, $0xb8;
	[tilespmem:$0x18400] =	vst v63  }
0xba: {  	_ =	swait.ge [sflag:s11], $0x4000  }
0xbb: {  	[sflag:s11] =	ssyncset.done $0x0  }
0xbc: {  	[sflag:s11] =	ssyncadd.s32 $0xFFFFC000  }
0xbd: {  	[spmem:s2] =	stream.indirect.scatter.add.f32 [tilespmem:s12], [sflag:$0x1], $0x80, s17, s13, $0xb8;
	[tilespmem:$0x18400] =	vst v63  }
0xbe: {  	_ =	swait.ge [sflag:s11], $0x4000  }
0xbf: {  	[sflag:s11] =	ssyncset.done $0x0  }
0xc0: {  	[sflag:s11] =	ssyncadd.s32 $0xFFFFC000  }
0xc1: {  	[spmem:s2] =	stream.indirect.scatter.add.f32 [tilespmem:s12], [sflag:$0x1], $0x80, s18, s13, $0xb8;
	[tilespmem:$0x18400] =	vst v63  }
0xc2: {  	_ =	swait.ge [sflag:s11], $0x4000  }
0xc3: {  	[sflag:s11] =	ssyncset.done $0x0  }
0xc4: {  	[sflag:s11] =	ssyncadd.s32 $0xFFFFC000  }
0xc5: {  	[spmem:s2] =	stream.indirect.scatter.add.f32 [tilespmem:s12], [sflag:$0x1], $0x80, s19, s13, $0xb8;
	[tilespmem:$0x18400] =	vst v63  }
0xc6: {  	_ =	swait.ge [sflag:s11], $0x4000  }
0xc7: {  	[sflag:s11] =	ssyncset.done $0x0  }
0xc8: {  	[sflag:s11] =	ssyncadd.s32 $0xFFFFC000  }
0xc9: {  	[spmem:s2] =	stream.indirect.scatter.add.f32 [tilespmem:s12], [sflag:$0x1], $0x80, s20, s13, $0xb8;
	[tilespmem:$0x18400] =	vst v63  }
0xca: {  	_ =	swait.ge [sflag:s11], $0x4000  }
0xcb: {  	[sflag:s11] =	ssyncset.done $0x0  }
0xcc: {  	[sflag:s11] =	ssyncadd.s32 $0xFFFFC000  }
0xcd: {  	[spmem:s2] =	stream.indirect.scatter.add.f32 [tilespmem:s12], [sflag:$0x1], $0x80, s21, s13, $0xb8;
	[tilespmem:$0x18400] =	vst v63  }
0xce: {  	_ =	swait.ge [sflag:s11], $0x4000  }
0xcf: {  	[sflag:s11] =	ssyncset.done $0x0  }
0xd0: {  	[sflag:s11] =	ssyncadd.s32 $0xFFFFC000  }
0xd1: {  	[spmem:s2] =	stream.indirect.scatter.add.f32 [tilespmem:s12], [sflag:$0x1], $0x80, s22, s13, $0xb8;
	[tilespmem:$0x18400] =	vst v63  }
0xd2: {  	_ =	swait.ge [sflag:s11], $0x4000  }
0xd3: {  	[sflag:s11] =	ssyncset.done $0x0  }
0xd4: {  	[sflag:s11] =	ssyncadd.s32 $0xFFFFC000  }
0xd5: {  	[spmem:s2] =	stream.indirect.scatter.add.f32 [tilespmem:s12], [sflag:$0x1], $0x80, s23, s13, $0xb8;
	[tilespmem:$0x18400] =	vst v63  }
0xd6: {  	_ =	swait.ge [sflag:s11], $0x4000  }
0xd7: {  	[sflag:s11] =	ssyncset.done $0x0  }
0xd8: {  	[sflag:s11] =	ssyncadd.s32 $0xFFFFC000  }
0xd9: {  	[spmem:s2] =	stream.indirect.scatter.add.f32 [tilespmem:s12], [sflag:$0x1], $0x80, s24, s13, $0xb8;
	[tilespmem:$0x18400] =	vst v63  }
0xda: {  	_ =	swait.ge [sflag:s11], $0x4000  }
0xdb: {  	[sflag:s11] =	ssyncset.done $0x0  }
0xdc: {  	[sflag:s11] =	ssyncadd.s32 $0xFFFFC000  }
0xdd: {  	[spmem:s2] =	stream.indirect.scatter.add.f32 [tilespmem:s12], [sflag:$0x1], $0x80, s25, s13, $0xb8;
	[tilespmem:$0x18400] =	vst v63  }
0xde: {  	_ =	swait.ge [sflag:s11], $0x4000  }
0xdf: {  	[sflag:s11] =	ssyncset.done $0x0  }
0xe0: {  	[sflag:s11] =	ssyncadd.s32 $0xFFFFC000  }
0xe1: {  	[spmem:s2] =	stream.indirect.scatter.add.f32 [tilespmem:s12], [sflag:$0x1], $0x80, s26, s13, $0xb8;
	[tilespmem:$0x18400] =	vst v63  }
0xe2: {  	_ =	swait.ge [sflag:s11], $0x4000  }
0xe3: {  	[sflag:s11] =	ssyncset.done $0x0  }
0xe4: {  	[sflag:s11] =	ssyncadd.s32 $0xFFFFC000  }
0xe5: {  	[spmem:s2] =	stream.indirect.scatter.add.f32 [tilespmem:s12], [sflag:$0x1], $0x80, s28, s13, $0xb8;
	[tilespmem:$0x18400] =	vst v63  }
0xe6: {  	_ =	swait.ge [sflag:s11], $0x4000  }
0xe7: {  	s29 =	sadd.s32 $0x1, s29;
	[sflag:s11] =	ssyncset.done $0x0  }
0xe8: {  	p0 =	sne.s32 s29, s7;
	[sflag:s11] =	ssyncadd.s32 $0xFFFFC000  }
.Ltmp1:
0xe9: {  	[bflag:$0x0] =	sbarrier.arrive $0xFFFF;
	(pc) =	sbr.rel @p0 .LBB2_1-.Ltmp1, $4  }
0xea: {  	[hbm:s8], [sflag:s6] =	dma.local [spmem:s10], $0x2780  }
0xeb: {  	_ =	swait.ge [sflag:s11], $0x2780  }
0xec: {  	[sflag:s11] =	ssyncset.done $0x0  }
0xed: {  	[sflag:s11] =	ssyncadd.s32 $0xFFFFD880  }
0xee: {  	_ =	sfence.sel $0x180000  }
0xef: {  	[bflag:$0x0] =	sbarrier.arrive $0xFFFF  }
0xf0: {  	_ =	strace $0x90000047  }
0xf1: {  	s0 =	stileid.u32;
	[bflag:$0x2] =	sbarrier.arrive $0xFFFF  }
0xf2: {  	p0 =	sne.s32 s0, $0x0;
	s0 =	rddreg [dreg:$0x3]  }
0xf3: {  	s0 =	sadd.s32 @!p0 $0x100000, s0  }
0xf4: {  	[sflag:s0] =	ssyncadd.tile.s32 @!p0 $0x1;
	_ =	shalt  }
.Lfunc_end2:
_tile_overlayer_lowered:
.L_overlay_start_2:
0xf5: {  	(tag) =	ssettag $0x2  }
0xf6: {  	s0 =	rddreg [dreg:$0x0];
	s2 =	stileid.u32  }
0xf7: {  	s1 =	rddreg [dreg:$0x1];
	p0 =	sne.s32 s2, $0x0  }
0xf8: {  	s3 =	rddreg [dreg:$0x2];
	[bflag:$0x3] =	sbarrier.arrive $0xFFFF;
	s2 =	simm.s32 @!p0 $0x1C01  }
0xf9: {  	[timem:s3], [sflag:s2] =	dma.local @!p0 [hbm:s0], s1  }
0xfa: {  	s0 =	simm.s32 @!p0 $0x1  }
0xfb: {  	_ =	swait.ge @!p0 [sflag:s0], s1  }
0xfc: {  	s1 =	ssub.s32 @!p0 $0x0, s1;
	[sflag:s0] =	ssyncset.done @!p0 $0x0  }
0xfd: {  	[sflag:s0] =	ssyncadd.s32 @!p0 s1  }
0xfe: {  	[bflag:$0x3] =	sbarrier.arrive $0xFFFF  }
0xff: {  	_ =	shalt  }

// kernel: kernel.13.cloned.1.call-start
scs
__scs_entry_jumppad:
0x0: {  	(pc) =	sbr.rel $0x88, $3  }
0x1: {  	(tag) =	ssettag $0x0;
	lr =	simm.s32 $0x1  }
0x2: {  	[smem:$0x3F99] =	sst lr;
	_ =	strace $0xD0000000  }
0x3: {  	_ = 	snop  }
0x4: {  	_ = 	snop  }
0x5: {  	_ = 	snop  }
0x6: {  	_ = 	snop  }
0x7: {  	_ = 	snop  }
__scs_overlays_trampoline_lowered:
0x8: {  	[smem:$0x3FA8] =	sst s0  }
0x9: {  	[smem:$0x3FA9] =	sst s1  }
0xa: {  	[smem:$0x3FAA] =	sst s2  }
0xb: {  	[smem:$0x3FAB] =	sst s3  }
0xc: {  	[smem:$0x3FAC] =	sst s4  }
0xd: {  	[smem:$0x3FAD] =	sst s5  }
0xe: {  	[smem:$0x3FAE] =	sst s6  }
0xf: {  	[smem:$0x3FAF] =	sst s7  }
0x10: {  	[smem:$0x3FB0] =	sst s8  }
0x11: {  	[smem:$0x3FB1] =	sst s9;
	s0 =	simm.s32 @!p0 $0x0  }
0x12: {  	s1 =	sld [smem:$0x3F97];
	s0 =	simm.s32 @p0 $0x1  }
0x13: {  	[smem:$0x3FB2] =	sst s0;
	s0 =	simm.s32 @!p1 $0x0  }
0x14: {  	s2 =	sld [smem:$0x3F96];
	s0 =	simm.s32 @p1 $0x1  }
0x15: {  	[smem:$0x3FB3] =	sst s0;
	s0 =	simm.s32 @!p2 $0x0  }
0x16: {  	s3 =	sld [smem:$0x3FDB];
	s0 =	simm.s32 @p2 $0x1  }
0x17: {  	s4 =	simm.s32 $0x1BF5;
	[smem:$0x3FB5] =	sst s0  }
0x18: {  	s0 =	sld [smem:$0x3F98];
	_ =	swait.ge [sflag:s4], $0x0  }
0x19: {  	s7 =	sld [smem:$0x3F99]  }
0x1a: {  	s8 =	sadd.s32 $0xFFFFE003, lr  }
0x1b: {  	s9 =	sadd.s32 $0xFFFFFEF7, lr;
	s5 =	simm.s32 $0xFFFFFFFF;
	p2 =	slt.u32 s8, $0xFFFFF086  }
0x1c: {  	p1 =	slt.u32 s9, $0xF7A;
	s5 =	simm.s32 @!p2 $0x0  }
0x1d: {  	s5 =	simm.s32 @p1 $0x1;
	p0 =	seq.s32 s7, s2  }
0x1e: {  	s7 =	smul.u32 @!p0 $0xF7A, s2;
	p2 =	seq.s32 @!p0 s5, $0x0  }
0x1f: {  	s9 =	smul.u32 $0xF7A, s1;
	s8 =	simm.s32 @!p0 $0x1BF5;
	p2 =	por !p2, p0  }
0x20: {  	[sflag:s8] =	ssyncset.s32 @!p0 $0xFFFFF086;
	s6 =	sadd.s32 @!p0 s3, s7;
	s7 =	simm.s32 @!p0 $0x108  }
0x21: {  	s3 =	sadd.s32 s3, s9;
	s6 =	sadd.s32 @!p0 $0x88, s6;
	s7 =	simm.s32 @p2 $0x1082  }
0x22: {  	[simem:s7], [sflag:s8] =	dma.local @!p0 [hbm:s6], $0xF7A  }
0x23: {  	s9 =	sor.u32 $0xD0000000, s2;
	s6 =	simm.s32 $0x108;
	_ =	swait.ge @!p0 [sflag:s8], $0x0  }
0x24: {  	s3 =	sadd.s32 $0x88, s3;
	s6 =	simm.s32 @!p1 $0x1082;
	[sflag:s4] =	ssyncset.s32 $0xFFFFF086  }
0x25: {  	[simem:s6], [sflag:s4] =	dma.local [hbm:s3], $0xF7A  }
0x26: {  	[smem:$0x3F99] =	sst s1;
	(tag) =	ssettag s2;
	_ =	strace s9  }
0x27: {  	s1 =	sld [smem:$0x3FA9]  }
0x28: {  	s2 =	sld [smem:$0x3FAA]  }
0x29: {  	s4 =	sld [smem:$0x3FAC]  }
0x2a: {  	p0 =	seq.s32 s5, $0x0;
	s5 =	sld [smem:$0x3FAD]  }
0x2b: {  	s6 =	sld [smem:$0x3FAE]  }
0x2c: {  	s7 =	sld [smem:$0x3FAF]  }
0x2d: {  	s3 =	simm.s32 $0x108;
	s8 =	sld [smem:$0x3FB0]  }
0x2e: {  	s3 =	simm.s32 @!p0 $0x1082;
	s9 =	sld [smem:$0x3FB1]  }
0x2f: {  	lr =	sadd.s32 s0, s3;
	s0 =	sld [smem:$0x3FA8]  }
0x30: {  	s3 =	sld [smem:$0x3FAB]  }
0x31: {  	[smem:$0x3FB4] =	sst s10  }
0x32: {  	s10 =	sld [smem:$0x3FB2];
	_ =	sdelay $0x3  }
0x33: {  	p0 =	seq.s32 s10, $0x1;
	s10 =	sld [smem:$0x3FB4];
	_ =	sdelay $0x3  }
0x34: {  	[smem:$0x3FB4] =	sst s10  }
0x35: {  	s10 =	sld [smem:$0x3FB3];
	_ =	sdelay $0x3  }
0x36: {  	p1 =	seq.s32 s10, $0x1;
	s10 =	sld [smem:$0x3FB4];
	_ =	sdelay $0x3  }
0x37: {  	[smem:$0x3FB4] =	sst s10  }
0x38: {  	s10 =	sld [smem:$0x3FB5]  }
0x39: {  	_ = 	snop;
	(pc) =	sbr.ind lr, $3  }
0x3a: {  	_ = 	snop  }
0x3b: {  	_ = 	snop  }
0x3c: {  	p2 =	seq.s32 s10, $0x1;
	s10 =	sld [smem:$0x3FB4]  }
0x3d: {  	_ =	shalt  }
0x3e: {  	_ =	shalt  }
0x3f: {  	_ =	shalt  }
0x40: {  	_ =	shalt  }
0x41: {  	_ =	shalt  }
0x42: {  	_ =	shalt  }
0x43: {  	_ =	shalt  }
0x44: {  	_ =	shalt  }
0x45: {  	_ =	shalt  }
0x46: {  	_ =	shalt  }
0x47: {  	_ =	shalt  }
0x48: {  	_ =	shalt  }
0x49: {  	_ =	shalt  }
0x4a: {  	_ =	shalt  }
0x4b: {  	_ =	shalt  }
0x4c: {  	_ =	shalt  }
0x4d: {  	_ =	shalt  }
0x4e: {  	_ =	shalt  }
0x4f: {  	_ =	shalt  }
0x50: {  	_ =	shalt  }
0x51: {  	_ =	shalt  }
0x52: {  	_ =	shalt  }
0x53: {  	_ =	shalt  }
0x54: {  	_ =	shalt  }
0x55: {  	_ =	shalt  }
0x56: {  	_ =	shalt  }
0x57: {  	_ =	shalt  }
0x58: {  	_ =	shalt  }
0x59: {  	_ =	shalt  }
0x5a: {  	_ =	shalt  }
0x5b: {  	_ =	shalt  }
0x5c: {  	_ =	shalt  }
0x5d: {  	_ =	shalt  }
0x5e: {  	_ =	shalt  }
0x5f: {  	_ =	shalt  }
0x60: {  	_ =	shalt  }
0x61: {  	_ =	shalt  }
0x62: {  	_ =	shalt  }
0x63: {  	_ =	shalt  }
0x64: {  	_ =	shalt  }
0x65: {  	_ =	shalt  }
0x66: {  	_ =	shalt  }
0x67: {  	_ =	shalt  }
0x68: {  	_ =	shalt  }
0x69: {  	_ =	shalt  }
0x6a: {  	_ =	shalt  }
0x6b: {  	_ =	shalt  }
0x6c: {  	_ =	shalt  }
0x6d: {  	_ =	shalt  }
0x6e: {  	_ =	shalt  }
0x6f: {  	_ =	shalt  }
0x70: {  	_ =	shalt  }
0x71: {  	_ =	shalt  }
0x72: {  	_ =	shalt  }
0x73: {  	_ =	shalt  }
0x74: {  	_ =	shalt  }
0x75: {  	_ =	shalt  }
0x76: {  	_ =	shalt  }
0x77: {  	_ =	shalt  }
0x78: {  	_ =	shalt  }
0x79: {  	_ =	shalt  }
0x7a: {  	_ =	shalt  }
0x7b: {  	_ =	shalt  }
0x7c: {  	_ =	shalt  }
0x7d: {  	_ =	shalt  }
0x7e: {  	_ =	shalt  }
0x7f: {  	_ =	shalt  }
0x80: {  	_ =	shalt  }
0x81: {  	_ =	shalt  }
0x82: {  	_ =	shalt  }
0x83: {  	_ =	shalt  }
0x84: {  	_ =	shalt  }
0x85: {  	_ =	shalt  }
0x86: {  	_ =	shalt  }
0x87: {  	_ =	shalt  }
.Lfunc_end0:
.L_simem_size_0:
called_computation.1_lowered:
.L_overlay_start_0:
0x88: {  	s2 =	sld [smem:$0x3FD9]  }
0x89: {  	s3 =	sld [smem:$0x3FFE];
	_ =	sdelay $0x1  }
0x8a: {  	s1 =	srdreg.scid  }
0x8b: {  	s0 =	sand.u32 $0x1, s1  }
0x8c: {  	s16 =	sshll.u32 s0, $0xA;
	s2 =	sadd.s32 s3, s2  }
0x8d: {  	s2 =	sadd.s32 s2, s16  }
0x8e: {  	[smem:$0x3FC0] =	sst s2  }
0x8f: {  	_ = 	snop  }
0x90: {  	(tm) =	ssettm $0x1  }
0x91: {  	s17 =	sld [smem:$0x3FFB];
	_ =	sdelay $0x3  }
0x92: {  	_ =	strace s17  }
0x93: {  	s2 =	sld [smem:$0x3FFC];
	_ =	sdelay $0x3  }
0x94: {  	_ =	strace s2  }
0x95: {  	s2 =	sld [smem:$0x3FFD];
	_ =	sdelay $0x3  }
0x96: {  	_ =	strace s2  }
0x97: {  	_ =	strace $0x8FFFFFFF  }
0x98: {  	s18 =	sld [smem:$0x3FDB];
	_ =	sdelay $0x1  }
0x99: {  	s19 =	simm.s32 $_scs_section_size  }
0x9a: {  	s4 =	simm.s32 $_size__tile_overlayer_lowered;
	s5 =	simm.s32 $_tile_overlayer_lowered  }
0x9b: {  	s22 =	simm.s32 $0x1BFF;
	s21 =	sshll.u32 s5, $0x1;
	s2 =	sadd.s32 s19, s18  }
0x9c: {  	s6 =	simm.s32 $0x0;
	s20 =	sshll.u32 s4, $0x1;
	s4 =	sadd.s32 s21, s2  }
0x9d: {  	[timem:s6], [sflag:s22] =	dma.local [hbm:s4], s20  }
0x9e: {  	_ =	swait.ge [sflag:s22], s20  }
0x9f: {  	s3 =	ssub.s32 $0x0, s20;
	[sflag:s22] =	ssyncset.done $0x0  }
0xa0: {  	[sflag:s22] =	ssyncadd.s32 s3;
	_ =	sdelay $0x1  }
0xa1: {  	s23 =	simm.s32 $0x1B8B  }
0xa2: {  	_ =	swait.ge [sflag:s23], $0x1  }
0xa3: {  	[sflag:s23] =	ssyncset.done $0x0  }
0xa4: {  	s25 =	simm.s32 $0x1B8E;
	s24 =	sld [smem:$0x3FFE];
	[sflag:s23] =	ssyncadd.s32 $0xFFFFFFFF  }
0xa5: {  	s26 =	simm.s32 $execute0_lowered;
	[smem:$0x3FD2] =	sst s25  }
0xa6: {  	s4 =	sshll.u32 s26, $0x1;
	_ =	strace $0x80000049;
	[dreg:$0x1] =	wrdreg $0xFFFFFFFF  }
0xa7: {  	s28 =	simm.s32 $_size_execute0_lowered;
	s2 =	sadd.s32 s2, s4;
	[dreg:$0x0] =	wrdreg $0x0  }
0xa8: {  	s4 =	sshll.u32 s28, $0x1;
	[dreg:$0x2] =	wrdreg s2  }
0xa9: {  	[dreg:$0x3] =	wrdreg s4  }
0xaa: {  	[dreg:$0x4] =	wrdreg $0xC0  }
0xab: {  	_ =	task [dreg:s6], $0x5FFFF  }
0xac: {  	[dreg:$0x1] =	wrdreg $0xFFFFFFFF  }
0xad: {  	[dreg:$0x0] =	wrdreg $0x60  }
0xae: {  	[dreg:$0x2] =	wrdreg s24  }
0xaf: {  	[dreg:$0x3] =	wrdreg $0x90000  }
0xb0: {  	[dreg:$0x4] =	wrdreg $0x9  }
0xb1: {  	_ =	task.clear_ibuf [dreg:s6], $0x5FFFF;
	_ =	strace $0x90000049  }
0xb2: {  	s29 =	simm.s32 $0x9;
	_ =	strace $0x8000004B  }
0xb3: {  	_ =	swait.ge [sflag:s29], $0x1  }
0xb4: {  	[sflag:s29] =	ssyncadd.s32 $0xFFFFFFFF  }
0xb5: {  	_ =	strace $0x9000004B  }
0xb6: {  	_ =	sfence  }
0xb7: {  	s30 =	sld [smem:$0x0];
	_ =	sdelay $0x2  }
0xb8: {  	s31 =	sshll.u32 s1, $0xD;
	s1 =	sshrl.u32 s1, $0x2  }
0xb9: {  	s3 =	sand.u32 $0x4000, s31;
	s1 =	sadd.s32 s1, s30  }
0xba: {  	s0 =	sor.u32 s3, s0;
	s1 =	sshll.u32 s1, $0x11  }
0xbb: {  	s0 =	sor.u32 s1, s0  }
0xbc: {  	s0 =	sadd.s32 $0x8F2B, s0  }
0xbd: {  	[sflag:s0] =	ssyncadd.remote.s32 $0x1  }
0xbe: {  	_ =	sfence.sel $0xFFFF  }
0xbf: {  	[dreg:$0x0] =	wrdreg $0xFFFFFFFF;
	(pc) =	sbr.abs _section_cstart, $3  }
0xc0: {  	[dreg:$0x1] =	wrdreg $0xFFFFFFFF  }
0xc1: {  	_ =	task.clear_ibuf [dreg:s6], $0x2FFFF;
	_ =	strace $0x9FFFFFFF  }
0xc2: {  	(tm) =	ssettm $0x7FFFFFFF  }
0xc3: {  	_ =	shalt  }
tec
execute0_lowered:
.L_overlay_start_1:
0x0: {  	(tag) =	ssettag $0x1  }
0x1: {  	s0 =	rddreg [dreg:$0x0]  }
0x2: {  	s1 =	rddreg [dreg:$0x1];
	s2 =	srdreg.scid;
	s3 =	simm.s32 $0x0  }
0x3: {  	s10 =	stileid.u32;
	s14 =	simm.s32 $0x100;
	s15 =	simm.s32 $0x880  }
0x4: {  	s17 =	simm.s32 $0x180;
	s18 =	simm.s32 $0x900;
	s19 =	simm.s32 $0x200  }
0x5: {  	s20 =	simm.s32 $0x980;
	s21 =	simm.s32 $0x280;
	[smem:$0x7FF] =	sst s3  }
0x6: {  	s22 =	simm.s32 $0xA00;
	_ =	strace $0x8000004A;
	[dreg:$0x5] =	wrdreg s14  }
0x7: {  	s23 =	simm.s32 $0x300;
	s24 =	simm.s32 $0xA80;
	[dreg:$0x6] =	wrdreg s15  }
0x8: {  	s25 =	simm.s32 $0x380;
	s28 =	simm.s32 $0x680;
	[dreg:$0x7] =	wrdreg s17  }
0x9: {  	s29 =	simm.s32 $0xE00;
	s30 =	simm.s32 $0x700;
	[dreg:$0x8] =	wrdreg s18  }
0xa: {  	s31 =	simm.s32 $0xE80;
	s6 =	smul.u32 $0x2780, s10;
	[dreg:$0x9] =	wrdreg s19  }
0xb: {  	s2 =	sand.u32 $0x1, s2;
	s7 =	smul.u32 $0x4F000, s10;
	[dreg:$0xa] =	wrdreg s20  }
0xc: {  	s4 =	sadd.s32 $0x54000, s0;
	s9 =	smul.u32 $0xA00, s10;
	[dreg:$0xb] =	wrdreg s21  }
0xd: {  	s13 =	sshll.u32 s10, $0x6;
	s10 =	simm.s32 $0x3;
	[dreg:$0xc] =	wrdreg s22  }
0xe: {  	s5 =	smul.u32 $0xA000, s2;
	s8 =	ssub.s32 $0x2, s2;
	[dreg:$0xd] =	wrdreg s23  }
0xf: {  	p0 =	seq.s32 s2, $0x1;
	[dreg:$0xe] =	wrdreg s24;
	s14 =	simm.s32 $0x5000  }
0x10: {  	[dreg:$0xf] =	wrdreg s25;
	s15 =	simm.s32 $0x1;
	s17 =	simm.s32 $0x400  }
0x11: {  	s18 =	simm.s32 $0xB80;
	s19 =	simm.s32 $0x480;
	s20 =	simm.s32 $0xC00  }
0x12: {  	s21 =	simm.s32 $0x500;
	s22 =	simm.s32 $0xC80;
	s23 =	simm.s32 $0x580  }
0x13: {  	s24 =	simm.s32 $0xD00;
	s25 =	simm.s32 $0x600;
	s2 =	simm.s32 $0xF00  }
0x14: {  	s26 =	sshrl.u32 s8, $0x1;
	s7 =	sshrl.u32 s7, $0x2;
	s5 =	sadd.s32 s5, s0  }
0x15: {  	s0 =	sadd.s32 s6, s0;
	s6 =	ssub.s32 s8, s26;
	s7 =	sadd.s32 s7, s1  }
0x16: {  	s8 =	sor.u32 $0x1C03, s13;
	s13 =	simm.s32 $0x1000;
	s26 =	simm.s32 $0xB00  }
0x17: {  	s5 =	sadd.s32 s9, s5;
	s11 =	sadd.s32 $0x2C800, s0;
	[dreg:$0x10] =	wrdreg s26  }
0x18: {  	s16 =	smax.u32 s6, $0x1;
	s7 =	sshrl.u32 s7, $0x3;
	[dreg:$0x12] =	wrdreg s8  }
0x19: {  	s26 =	simm.s32 $0xD80;
	s9 =	simm.s32 $0x0;
	[dreg:$0x11] =	wrdreg s11  }
0x1a: {  	s12 =	sadd.s32 $0x4800, s5;
	s5 =	sadd.s32 $0x18800, s5;
	[dreg:$0x13] =	wrdreg s16  }
0x1b: {  	s11 =	simm.s32 $0x800;
	[dreg:$0x4] =	wrdreg s5;
	s5 =	simm.s32 $0xA2A00  }
0x1c: {  	s16 =	simm.s32 $0x2;
	[dreg:$0x15] =	wrdreg s7;
	s5 =	simm.s32 @!p0 $0x7B200  }
0x1d: {  	[dreg:$0x3] =	wrdreg s12;
	s12 =	simm.s32 $0x80;
	s0 =	sadd.s32 s5, s0  }
0x1e: {  	s5 =	simm.s32 $0xF80;
	[dreg:$0x14] =	wrdreg s0;
	s0 =	simm.s32 $0x780  }
.LBB2_1:
0x1f: {  	[dreg:$0x16] =	wrdreg s9  }
0x20: {  	s6 =	rddreg [dreg:$0x11]  }
0x21: {  	[spmem:s7], [sflag:s8] =	dma.local [hbm:s6], $0x2780  }
0x22: {  	_ =	swait.ge [sflag:s10], $0x2780  }
0x23: {  	[sflag:s10] =	ssyncset.done $0x0  }
0x24: {  	[sflag:s10] =	ssyncadd.s32 $0xFFFFD880  }
0x25: {  	[bflag:$0x0] =	sbarrier.arrive $0xFFFF  }
0x26: {  	s8 =	rddreg [dreg:$0x4]  }
0x27: {  	s6 =	sadd.s32 $0x0, s8  }
0x28: {  	[tilespmem:s3], [sflag:$0x3] =	stream.linear.gather [hbm4b:s6+s3], $0x800, $0x38;
	[tilespmem:$0x1CC00] =	vst v63  }
0x29: {  	_ =	swait.ge [sflag:s10], $0x800  }
0x2a: {  	s9 =	rddreg [dreg:$0x3];
	[sflag:s10] =	ssyncset.done $0x0  }
0x2b: {  	[sflag:s10] =	ssyncadd.s32 $0xFFFFF800;
	s6 =	sadd.s32 $0x0, s9  }
0x2c: {  	[tilespmem:s11], [sflag:$0x3] =	stream.linear.gather [hbm4b:s6+s3], $0x800, $0x38;
	[tilespmem:$0x1CC00] =	vst v63  }
0x2d: {  	_ =	swait.ge [sflag:s10], $0x800  }
0x2e: {  	[sflag:s10] =	ssyncset.done $0x0  }
0x2f: {  	[sflag:s10] =	ssyncadd.s32 $0xFFFFF800  }
0x30: {  	[tilespmem:s13], [sflag:$0x1] =	stream.indirect.gather [hbm4b:s4+s12], $0x80, s3, s12, $0xb8;
	[tilespmem:$0x1CC00] =	vst v63  }
0x31: {  	_ = 	snop  }
0x32: {  	[tilespmem:s14], [sflag:$0x2] =	stream.indirect.gather [hbm4b:s4+s12], $0x80, s12, s12, $0xb8;
	[tilespmem:$0x1CC00] =	vst v63  }
0x33: {  	_ =	swait.ge [sflag:s15], $0x4000  }
0x34: {  	[sflag:s15] =	ssyncset.done $0x0  }
0x35: {  	[sflag:s15] =	ssyncadd.s32 $0xFFFFC000  }
0x36: {  	[spmem:s1] =	stream.indirect.scatter.add.f32 [tilespmem:s13], [sflag:$0x3], $0x80, s11, s12, $0xb8;
	[tilespmem:$0x1CC00] =	vst v63  }
0x37: {  	_ =	swait.ge [sflag:s10], $0x4000  }
0x38: {  	[sflag:s10] =	ssyncset.done $0x0  }
0x39: {  	s7 =	rddreg [dreg:$0x5];
	[sflag:s10] =	ssyncadd.s32 $0xFFFFC000  }
0x3a: {  	[tilespmem:s13], [sflag:$0x1] =	stream.indirect.gather [hbm4b:s4+s12], $0x80, s7, s12, $0xb8;
	[tilespmem:$0x1CC00] =	vst v63  }
0x3b: {  	_ =	swait.ge [sflag:s16], $0x4000  }
0x3c: {  	[sflag:s16] =	ssyncset.done $0x0  }
0x3d: {  	s8 =	rddreg [dreg:$0x6];
	[sflag:s16] =	ssyncadd.s32 $0xFFFFC000  }
0x3e: {  	[spmem:s1] =	stream.indirect.scatter.add.f32 [tilespmem:s14], [sflag:$0x3], $0x80, s8, s12, $0xb8;
	[tilespmem:$0x1CC00] =	vst v63  }
0x3f: {  	_ =	swait.ge [sflag:s10], $0x4000  }
0x40: {  	[sflag:s10] =	ssyncset.done $0x0  }
0x41: {  	s9 =	rddreg [dreg:$0x7];
	[sflag:s10] =	ssyncadd.s32 $0xFFFFC000  }
0x42: {  	[tilespmem:s14], [sflag:$0x2] =	stream.indirect.gather [hbm4b:s4+s12], $0x80, s9, s12, $0xb8;
	[tilespmem:$0x1CC00] =	vst v63  }
0x43: {  	_ =	swait.ge [sflag:s15], $0x4000  }
0x44: {  	[sflag:s15] =	ssyncset.done $0x0  }
0x45: {  	s7 =	rddreg [dreg:$0x8];
	[sflag:s15] =	ssyncadd.s32 $0xFFFFC000  }
0x46: {  	[spmem:s1] =	stream.indirect.scatter.add.f32 [tilespmem:s13], [sflag:$0x3], $0x80, s7, s12, $0xb8;
	[tilespmem:$0x1CC00] =	vst v63  }
0x47: {  	_ =	swait.ge [sflag:s10], $0x4000  }
0x48: {  	[sflag:s10] =	ssyncset.done $0x0  }
0x49: {  	s8 =	rddreg [dreg:$0x9];
	[sflag:s10] =	ssyncadd.s32 $0xFFFFC000  }
0x4a: {  	[tilespmem:s13], [sflag:$0x1] =	stream.indirect.gather [hbm4b:s4+s12], $0x80, s8, s12, $0xb8;
	[tilespmem:$0x1CC00] =	vst v63  }
0x4b: {  	_ =	swait.ge [sflag:s16], $0x4000  }
0x4c: {  	[sflag:s16] =	ssyncset.done $0x0  }
0x4d: {  	s9 =	rddreg [dreg:$0xa];
	[sflag:s16] =	ssyncadd.s32 $0xFFFFC000  }
0x4e: {  	[spmem:s1] =	stream.indirect.scatter.add.f32 [tilespmem:s14], [sflag:$0x3], $0x80, s9, s12, $0xb8;
	[tilespmem:$0x1CC00] =	vst v63  }
0x4f: {  	_ =	swait.ge [sflag:s10], $0x4000  }
0x50: {  	[sflag:s10] =	ssyncset.done $0x0  }
0x51: {  	s7 =	rddreg [dreg:$0xb];
	[sflag:s10] =	ssyncadd.s32 $0xFFFFC000  }
0x52: {  	[tilespmem:s14], [sflag:$0x2] =	stream.indirect.gather [hbm4b:s4+s12], $0x80, s7, s12, $0xb8;
	[tilespmem:$0x1CC00] =	vst v63  }
0x53: {  	_ =	swait.ge [sflag:s15], $0x4000  }
0x54: {  	[sflag:s15] =	ssyncset.done $0x0  }
0x55: {  	s8 =	rddreg [dreg:$0xc];
	[sflag:s15] =	ssyncadd.s32 $0xFFFFC000  }
0x56: {  	[spmem:s1] =	stream.indirect.scatter.add.f32 [tilespmem:s13], [sflag:$0x3], $0x80, s8, s12, $0xb8;
	[tilespmem:$0x1CC00] =	vst v63  }
0x57: {  	_ =	swait.ge [sflag:s10], $0x4000  }
0x58: {  	[sflag:s10] =	ssyncset.done $0x0  }
0x59: {  	s9 =	rddreg [dreg:$0xd];
	[sflag:s10] =	ssyncadd.s32 $0xFFFFC000  }
0x5a: {  	[tilespmem:s13], [sflag:$0x1] =	stream.indirect.gather [hbm4b:s4+s12], $0x80, s9, s12, $0xb8;
	[tilespmem:$0x1CC00] =	vst v63  }
0x5b: {  	_ =	swait.ge [sflag:s16], $0x4000  }
0x5c: {  	[sflag:s16] =	ssyncset.done $0x0  }
0x5d: {  	s7 =	rddreg [dreg:$0xe];
	[sflag:s16] =	ssyncadd.s32 $0xFFFFC000  }
0x5e: {  	[spmem:s1] =	stream.indirect.scatter.add.f32 [tilespmem:s14], [sflag:$0x3], $0x80, s7, s12, $0xb8;
	[tilespmem:$0x1CC00] =	vst v63  }
0x5f: {  	_ =	swait.ge [sflag:s10], $0x4000  }
0x60: {  	[sflag:s10] =	ssyncset.done $0x0  }
0x61: {  	s8 =	rddreg [dreg:$0xf];
	[sflag:s10] =	ssyncadd.s32 $0xFFFFC000  }
0x62: {  	[tilespmem:s14], [sflag:$0x2] =	stream.indirect.gather [hbm4b:s4+s12], $0x80, s8, s12, $0xb8;
	[tilespmem:$0x1CC00] =	vst v63  }
0x63: {  	_ =	swait.ge [sflag:s15], $0x4000  }
0x64: {  	[sflag:s15] =	ssyncset.done $0x0  }
0x65: {  	s9 =	rddreg [dreg:$0x10];
	[sflag:s15] =	ssyncadd.s32 $0xFFFFC000  }
0x66: {  	[spmem:s1] =	stream.indirect.scatter.add.f32 [tilespmem:s13], [sflag:$0x3], $0x80, s9, s12, $0xb8;
	[tilespmem:$0x1CC00] =	vst v63  }
0x67: {  	_ =	swait.ge [sflag:s10], $0x4000  }
0x68: {  	[sflag:s10] =	ssyncset.done $0x0  }
0x69: {  	[sflag:s10] =	ssyncadd.s32 $0xFFFFC000  }
0x6a: {  	[tilespmem:s13], [sflag:$0x1] =	stream.indirect.gather [hbm4b:s4+s12], $0x80, s17, s12, $0xb8;
	[tilespmem:$0x1CC00] =	vst v63  }
0x6b: {  	_ =	swait.ge [sflag:s16], $0x4000  }
0x6c: {  	[sflag:s16] =	ssyncset.done $0x0  }
0x6d: {  	[sflag:s16] =	ssyncadd.s32 $0xFFFFC000  }
0x6e: {  	[spmem:s1] =	stream.indirect.scatter.add.f32 [tilespmem:s14], [sflag:$0x3], $0x80, s18, s12, $0xb8;
	[tilespmem:$0x1CC00] =	vst v63  }
0x6f: {  	_ =	swait.ge [sflag:s10], $0x4000  }
0x70: {  	[sflag:s10] =	ssyncset.done $0x0  }
0x71: {  	[sflag:s10] =	ssyncadd.s32 $0xFFFFC000  }
0x72: {  	[tilespmem:s14], [sflag:$0x2] =	stream.indirect.gather [hbm4b:s4+s12], $0x80, s19, s12, $0xb8;
	[tilespmem:$0x1CC00] =	vst v63  }
0x73: {  	_ =	swait.ge [sflag:s15], $0x4000  }
0x74: {  	[sflag:s15] =	ssyncset.done $0x0  }
0x75: {  	[sflag:s15] =	ssyncadd.s32 $0xFFFFC000  }
0x76: {  	[spmem:s1] =	stream.indirect.scatter.add.f32 [tilespmem:s13], [sflag:$0x3], $0x80, s20, s12, $0xb8;
	[tilespmem:$0x1CC00] =	vst v63  }
0x77: {  	_ =	swait.ge [sflag:s10], $0x4000  }
0x78: {  	[sflag:s10] =	ssyncset.done $0x0  }
0x79: {  	[sflag:s10] =	ssyncadd.s32 $0xFFFFC000  }
0x7a: {  	[tilespmem:s13], [sflag:$0x1] =	stream.indirect.gather [hbm4b:s4+s12], $0x80, s21, s12, $0xb8;
	[tilespmem:$0x1CC00] =	vst v63  }
0x7b: {  	_ =	swait.ge [sflag:s16], $0x4000  }
0x7c: {  	[sflag:s16] =	ssyncset.done $0x0  }
0x7d: {  	[sflag:s16] =	ssyncadd.s32 $0xFFFFC000  }
0x7e: {  	[spmem:s1] =	stream.indirect.scatter.add.f32 [tilespmem:s14], [sflag:$0x3], $0x80, s22, s12, $0xb8;
	[tilespmem:$0x1CC00] =	vst v63  }
0x7f: {  	_ =	swait.ge [sflag:s10], $0x4000  }
0x80: {  	[sflag:s10] =	ssyncset.done $0x0  }
0x81: {  	[sflag:s10] =	ssyncadd.s32 $0xFFFFC000  }
0x82: {  	[tilespmem:s14], [sflag:$0x2] =	stream.indirect.gather [hbm4b:s4+s12], $0x80, s23, s12, $0xb8;
	[tilespmem:$0x1CC00] =	vst v63  }
0x83: {  	_ =	swait.ge [sflag:s15], $0x4000  }
0x84: {  	[sflag:s15] =	ssyncset.done $0x0  }
0x85: {  	[sflag:s15] =	ssyncadd.s32 $0xFFFFC000  }
0x86: {  	[spmem:s1] =	stream.indirect.scatter.add.f32 [tilespmem:s13], [sflag:$0x3], $0x80, s24, s12, $0xb8;
	[tilespmem:$0x1CC00] =	vst v63  }
0x87: {  	_ =	swait.ge [sflag:s10], $0x4000  }
0x88: {  	[sflag:s10] =	ssyncset.done $0x0  }
0x89: {  	[sflag:s10] =	ssyncadd.s32 $0xFFFFC000  }
0x8a: {  	[tilespmem:s13], [sflag:$0x1] =	stream.indirect.gather [hbm4b:s4+s12], $0x80, s25, s12, $0xb8;
	[tilespmem:$0x1CC00] =	vst v63  }
0x8b: {  	_ =	swait.ge [sflag:s16], $0x4000  }
0x8c: {  	[sflag:s16] =	ssyncset.done $0x0  }
0x8d: {  	[sflag:s16] =	ssyncadd.s32 $0xFFFFC000  }
0x8e: {  	[spmem:s1] =	stream.indirect.scatter.add.f32 [tilespmem:s14], [sflag:$0x3], $0x80, s26, s12, $0xb8;
	[tilespmem:$0x1CC00] =	vst v63  }
0x8f: {  	_ =	swait.ge [sflag:s10], $0x4000  }
0x90: {  	[sflag:s10] =	ssyncset.done $0x0  }
0x91: {  	[sflag:s10] =	ssyncadd.s32 $0xFFFFC000  }
0x92: {  	[tilespmem:s14], [sflag:$0x2] =	stream.indirect.gather [hbm4b:s4+s12], $0x80, s28, s12, $0xb8;
	[tilespmem:$0x1CC00] =	vst v63  }
0x93: {  	_ =	swait.ge [sflag:s15], $0x4000  }
0x94: {  	[sflag:s15] =	ssyncset.done $0x0  }
0x95: {  	[sflag:s15] =	ssyncadd.s32 $0xFFFFC000  }
0x96: {  	[spmem:s1] =	stream.indirect.scatter.add.f32 [tilespmem:s13], [sflag:$0x3], $0x80, s29, s12, $0xb8;
	[tilespmem:$0x1CC00] =	vst v63  }
0x97: {  	_ =	swait.ge [sflag:s10], $0x4000  }
0x98: {  	[sflag:s10] =	ssyncset.done $0x0  }
0x99: {  	[sflag:s10] =	ssyncadd.s32 $0xFFFFC000  }
0x9a: {  	[tilespmem:s13], [sflag:$0x1] =	stream.indirect.gather [hbm4b:s4+s12], $0x80, s30, s12, $0xb8;
	[tilespmem:$0x1CC00] =	vst v63  }
0x9b: {  	_ =	swait.ge [sflag:s16], $0x4000  }
0x9c: {  	[sflag:s16] =	ssyncset.done $0x0  }
0x9d: {  	[sflag:s16] =	ssyncadd.s32 $0xFFFFC000  }
0x9e: {  	[spmem:s1] =	stream.indirect.scatter.add.f32 [tilespmem:s14], [sflag:$0x3], $0x80, s31, s12, $0xb8;
	[tilespmem:$0x1CC00] =	vst v63  }
0x9f: {  	_ =	swait.ge [sflag:s10], $0x4000  }
0xa0: {  	[sflag:s10] =	ssyncset.done $0x0  }
0xa1: {  	[sflag:s10] =	ssyncadd.s32 $0xFFFFC000  }
0xa2: {  	[tilespmem:s14], [sflag:$0x2] =	stream.indirect.gather [hbm4b:s4+s12], $0x80, s0, s12, $0xb8;
	[tilespmem:$0x1CC00] =	vst v63  }
0xa3: {  	_ =	swait.ge [sflag:s15], $0x4000  }
0xa4: {  	[sflag:s15] =	ssyncset.done $0x0  }
0xa5: {  	[sflag:s15] =	ssyncadd.s32 $0xFFFFC000  }
0xa6: {  	[spmem:s1] =	stream.indirect.scatter.add.f32 [tilespmem:s13], [sflag:$0x3], $0x80, s2, s12, $0xb8;
	[tilespmem:$0x1CC00] =	vst v63  }
0xa7: {  	_ =	swait.ge [sflag:s10], $0x4000  }
0xa8: {  	[sflag:s10] =	ssyncset.done $0x0  }
0xa9: {  	[sflag:s10] =	ssyncadd.s32 $0xFFFFC000  }
0xaa: {  	_ =	swait.ge [sflag:s16], $0x4000  }
0xab: {  	[sflag:s16] =	ssyncset.done $0x0  }
0xac: {  	[sflag:s16] =	ssyncadd.s32 $0xFFFFC000  }
0xad: {  	[spmem:s1] =	stream.indirect.scatter.add.f32 [tilespmem:s14], [sflag:$0x3], $0x80, s5, s12, $0xb8;
	[tilespmem:$0x1CC00] =	vst v63  }
0xae: {  	s6 =	simm.s32 $0x200;
	_ =	swait.ge [sflag:s10], $0x4000  }
0xaf: {  	s8 =	simm.s32 $0x100;
	s9 =	rddreg [dreg:$0x4];
	[sflag:s10] =	ssyncset.done $0x0  }
.LBB2_2:
0xb0: {  	[sflag:s10] =	ssyncadd.s32 $0xFFFFC000;
	s9 =	sadd.s32 s8, s9  }
0xb1: {  	[tilespmem:s3], [sflag:$0x3] =	stream.linear.gather [hbm4b:s9+s3], $0x800, $0x38;
	[tilespmem:$0x1CC00] =	vst v63  }
0xb2: {  	_ =	swait.ge [sflag:s10], $0x800  }
0xb3: {  	s9 =	rddreg [dreg:$0x3];
	[sflag:s10] =	ssyncset.done $0x0  }
0xb4: {  	[sflag:s10] =	ssyncadd.s32 $0xFFFFF800;
	s9 =	sadd.s32 s8, s9  }
0xb5: {  	[tilespmem:s11], [sflag:$0x3] =	stream.linear.gather [hbm4b:s9+s3], $0x800, $0x38;
	[tilespmem:$0x1CC00] =	vst v63  }
0xb6: {  	_ =	swait.ge [sflag:s10], $0x800  }
0xb7: {  	[sflag:s10] =	ssyncset.done $0x0  }
0xb8: {  	[sflag:s10] =	ssyncadd.s32 $0xFFFFF800  }
0xb9: {  	[tilespmem:s13], [sflag:$0x1] =	stream.indirect.gather [hbm4b:s4+s12], $0x80, s3, s12, $0xb8;
	[tilespmem:$0x1CC00] =	vst v63  }
0xba: {  	_ = 	snop  }
0xbb: {  	[tilespmem:s14], [sflag:$0x2] =	stream.indirect.gather [hbm4b:s4+s12], $0x80, s12, s12, $0xb8;
	[tilespmem:$0x1CC00] =	vst v63  }
0xbc: {  	_ =	swait.ge [sflag:s15], $0x4000  }
0xbd: {  	[sflag:s15] =	ssyncset.done $0x0  }
0xbe: {  	[sflag:s15] =	ssyncadd.s32 $0xFFFFC000  }
0xbf: {  	[spmem:s1] =	stream.indirect.scatter.add.f32 [tilespmem:s13], [sflag:$0x3], $0x80, s11, s12, $0xb8;
	[tilespmem:$0x1CC00] =	vst v63  }
0xc0: {  	_ =	swait.ge [sflag:s10], $0x4000  }
0xc1: {  	[sflag:s10] =	ssyncset.done $0x0  }
0xc2: {  	s9 =	rddreg [dreg:$0x5];
	[sflag:s10] =	ssyncadd.s32 $0xFFFFC000  }
0xc3: {  	[tilespmem:s13], [sflag:$0x1] =	stream.indirect.gather [hbm4b:s4+s12], $0x80, s9, s12, $0xb8;
	[tilespmem:$0x1CC00] =	vst v63  }
0xc4: {  	_ =	swait.ge [sflag:s16], $0x4000  }
0xc5: {  	[sflag:s16] =	ssyncset.done $0x0  }
0xc6: {  	s9 =	rddreg [dreg:$0x6];
	[sflag:s16] =	ssyncadd.s32 $0xFFFFC000  }
0xc7: {  	[spmem:s1] =	stream.indirect.scatter.add.f32 [tilespmem:s14], [sflag:$0x3], $0x80, s9, s12, $0xb8;
	[tilespmem:$0x1CC00] =	vst v63  }
0xc8: {  	_ =	swait.ge [sflag:s10], $0x4000  }
0xc9: {  	[sflag:s10] =	ssyncset.done $0x0  }
0xca: {  	s9 =	rddreg [dreg:$0x7];
	[sflag:s10] =	ssyncadd.s32 $0xFFFFC000  }
0xcb: {  	[tilespmem:s14], [sflag:$0x2] =	stream.indirect.gather [hbm4b:s4+s12], $0x80, s9, s12, $0xb8;
	[tilespmem:$0x1CC00] =	vst v63  }
0xcc: {  	_ =	swait.ge [sflag:s15], $0x4000  }
0xcd: {  	[sflag:s15] =	ssyncset.done $0x0  }
0xce: {  	s9 =	rddreg [dreg:$0x8];
	[sflag:s15] =	ssyncadd.s32 $0xFFFFC000  }
0xcf: {  	[spmem:s1] =	stream.indirect.scatter.add.f32 [tilespmem:s13], [sflag:$0x3], $0x80, s9, s12, $0xb8;
	[tilespmem:$0x1CC00] =	vst v63  }
0xd0: {  	_ =	swait.ge [sflag:s10], $0x4000  }
0xd1: {  	[sflag:s10] =	ssyncset.done $0x0  }
0xd2: {  	s9 =	rddreg [dreg:$0x9];
	[sflag:s10] =	ssyncadd.s32 $0xFFFFC000  }
0xd3: {  	[tilespmem:s13], [sflag:$0x1] =	stream.indirect.gather [hbm4b:s4+s12], $0x80, s9, s12, $0xb8;
	[tilespmem:$0x1CC00] =	vst v63  }
0xd4: {  	_ =	swait.ge [sflag:s16], $0x4000  }
0xd5: {  	[sflag:s16] =	ssyncset.done $0x0  }
0xd6: {  	s9 =	rddreg [dreg:$0xa];
	[sflag:s16] =	ssyncadd.s32 $0xFFFFC000  }
0xd7: {  	[spmem:s1] =	stream.indirect.scatter.add.f32 [tilespmem:s14], [sflag:$0x3], $0x80, s9, s12, $0xb8;
	[tilespmem:$0x1CC00] =	vst v63  }
0xd8: {  	_ =	swait.ge [sflag:s10], $0x4000  }
0xd9: {  	[sflag:s10] =	ssyncset.done $0x0  }
0xda: {  	s9 =	rddreg [dreg:$0xb];
	[sflag:s10] =	ssyncadd.s32 $0xFFFFC000  }
0xdb: {  	[tilespmem:s14], [sflag:$0x2] =	stream.indirect.gather [hbm4b:s4+s12], $0x80, s9, s12, $0xb8;
	[tilespmem:$0x1CC00] =	vst v63  }
0xdc: {  	_ =	swait.ge [sflag:s15], $0x4000  }
0xdd: {  	[sflag:s15] =	ssyncset.done $0x0  }
0xde: {  	s9 =	rddreg [dreg:$0xc];
	[sflag:s15] =	ssyncadd.s32 $0xFFFFC000  }
0xdf: {  	[spmem:s1] =	stream.indirect.scatter.add.f32 [tilespmem:s13], [sflag:$0x3], $0x80, s9, s12, $0xb8;
	[tilespmem:$0x1CC00] =	vst v63  }
0xe0: {  	_ =	swait.ge [sflag:s10], $0x4000  }
0xe1: {  	[sflag:s10] =	ssyncset.done $0x0  }
0xe2: {  	s9 =	rddreg [dreg:$0xd];
	[sflag:s10] =	ssyncadd.s32 $0xFFFFC000  }
0xe3: {  	[tilespmem:s13], [sflag:$0x1] =	stream.indirect.gather [hbm4b:s4+s12], $0x80, s9, s12, $0xb8;
	[tilespmem:$0x1CC00] =	vst v63  }
0xe4: {  	_ =	swait.ge [sflag:s16], $0x4000  }
0xe5: {  	[sflag:s16] =	ssyncset.done $0x0  }
0xe6: {  	s9 =	rddreg [dreg:$0xe];
	[sflag:s16] =	ssyncadd.s32 $0xFFFFC000  }
0xe7: {  	[spmem:s1] =	stream.indirect.scatter.add.f32 [tilespmem:s14], [sflag:$0x3], $0x80, s9, s12, $0xb8;
	[tilespmem:$0x1CC00] =	vst v63  }
0xe8: {  	_ =	swait.ge [sflag:s10], $0x4000  }
0xe9: {  	[sflag:s10] =	ssyncset.done $0x0  }
0xea: {  	s9 =	rddreg [dreg:$0xf];
	[sflag:s10] =	ssyncadd.s32 $0xFFFFC000  }
0xeb: {  	[tilespmem:s14], [sflag:$0x2] =	stream.indirect.gather [hbm4b:s4+s12], $0x80, s9, s12, $0xb8;
	[tilespmem:$0x1CC00] =	vst v63  }
0xec: {  	_ =	swait.ge [sflag:s15], $0x4000  }
0xed: {  	[sflag:s15] =	ssyncset.done $0x0  }
0xee: {  	s9 =	rddreg [dreg:$0x10];
	[sflag:s15] =	ssyncadd.s32 $0xFFFFC000  }
0xef: {  	[spmem:s1] =	stream.indirect.scatter.add.f32 [tilespmem:s13], [sflag:$0x3], $0x80, s9, s12, $0xb8;
	[tilespmem:$0x1CC00] =	vst v63  }
0xf0: {  	_ =	swait.ge [sflag:s10], $0x4000  }
0xf1: {  	[sflag:s10] =	ssyncset.done $0x0  }
0xf2: {  	[sflag:s10] =	ssyncadd.s32 $0xFFFFC000  }
0xf3: {  	[tilespmem:s13], [sflag:$0x1] =	stream.indirect.gather [hbm4b:s4+s12], $0x80, s17, s12, $0xb8;
	[tilespmem:$0x1CC00] =	vst v63  }
0xf4: {  	_ =	swait.ge [sflag:s16], $0x4000  }
0xf5: {  	[sflag:s16] =	ssyncset.done $0x0  }
0xf6: {  	[sflag:s16] =	ssyncadd.s32 $0xFFFFC000  }
0xf7: {  	[spmem:s1] =	stream.indirect.scatter.add.f32 [tilespmem:s14], [sflag:$0x3], $0x80, s18, s12, $0xb8;
	[tilespmem:$0x1CC00] =	vst v63  }
0xf8: {  	_ =	swait.ge [sflag:s10], $0x4000  }
0xf9: {  	[sflag:s10] =	ssyncset.done $0x0  }
0xfa: {  	[sflag:s10] =	ssyncadd.s32 $0xFFFFC000  }
0xfb: {  	[tilespmem:s14], [sflag:$0x2] =	stream.indirect.gather [hbm4b:s4+s12], $0x80, s19, s12, $0xb8;
	[tilespmem:$0x1CC00] =	vst v63  }
0xfc: {  	_ =	swait.ge [sflag:s15], $0x4000  }
0xfd: {  	[sflag:s15] =	ssyncset.done $0x0  }
0xfe: {  	[sflag:s15] =	ssyncadd.s32 $0xFFFFC000  }
0xff: {  	[spmem:s1] =	stream.indirect.scatter.add.f32 [tilespmem:s13], [sflag:$0x3], $0x80, s20, s12, $0xb8;
	[tilespmem:$0x1CC00] =	vst v63  }
0x100: {  	_ =	swait.ge [sflag:s10], $0x4000  }
0x101: {  	[sflag:s10] =	ssyncset.done $0x0  }
0x102: {  	[sflag:s10] =	ssyncadd.s32 $0xFFFFC000  }
0x103: {  	[tilespmem:s13], [sflag:$0x1] =	stream.indirect.gather [hbm4b:s4+s12], $0x80, s21, s12, $0xb8;
	[tilespmem:$0x1CC00] =	vst v63  }
0x104: {  	_ =	swait.ge [sflag:s16], $0x4000  }
0x105: {  	[sflag:s16] =	ssyncset.done $0x0  }
0x106: {  	[sflag:s16] =	ssyncadd.s32 $0xFFFFC000  }
0x107: {  	[spmem:s1] =	stream.indirect.scatter.add.f32 [tilespmem:s14], [sflag:$0x3], $0x80, s22, s12, $0xb8;
	[tilespmem:$0x1CC00] =	vst v63  }
0x108: {  	_ =	swait.ge [sflag:s10], $0x4000  }
0x109: {  	[sflag:s10] =	ssyncset.done $0x0  }
0x10a: {  	[sflag:s10] =	ssyncadd.s32 $0xFFFFC000  }
0x10b: {  	[tilespmem:s14], [sflag:$0x2] =	stream.indirect.gather [hbm4b:s4+s12], $0x80, s23, s12, $0xb8;
	[tilespmem:$0x1CC00] =	vst v63  }
0x10c: {  	_ =	swait.ge [sflag:s15], $0x4000  }
0x10d: {  	[sflag:s15] =	ssyncset.done $0x0  }
0x10e: {  	[sflag:s15] =	ssyncadd.s32 $0xFFFFC000  }
0x10f: {  	[spmem:s1] =	stream.indirect.scatter.add.f32 [tilespmem:s13], [sflag:$0x3], $0x80, s24, s12, $0xb8;
	[tilespmem:$0x1CC00] =	vst v63  }
0x110: {  	_ =	swait.ge [sflag:s10], $0x4000  }
0x111: {  	[sflag:s10] =	ssyncset.done $0x0  }
0x112: {  	[sflag:s10] =	ssyncadd.s32 $0xFFFFC000  }
0x113: {  	[tilespmem:s13], [sflag:$0x1] =	stream.indirect.gather [hbm4b:s4+s12], $0x80, s25, s12, $0xb8;
	[tilespmem:$0x1CC00] =	vst v63  }
0x114: {  	_ =	swait.ge [sflag:s16], $0x4000  }
0x115: {  	[sflag:s16] =	ssyncset.done $0x0  }
0x116: {  	[sflag:s16] =	ssyncadd.s32 $0xFFFFC000  }
0x117: {  	[spmem:s1] =	stream.indirect.scatter.add.f32 [tilespmem:s14], [sflag:$0x3], $0x80, s26, s12, $0xb8;
	[tilespmem:$0x1CC00] =	vst v63  }
0x118: {  	_ =	swait.ge [sflag:s10], $0x4000  }
0x119: {  	[sflag:s10] =	ssyncset.done $0x0  }
0x11a: {  	[sflag:s10] =	ssyncadd.s32 $0xFFFFC000  }
0x11b: {  	[tilespmem:s14], [sflag:$0x2] =	stream.indirect.gather [hbm4b:s4+s12], $0x80, s28, s12, $0xb8;
	[tilespmem:$0x1CC00] =	vst v63  }
0x11c: {  	_ =	swait.ge [sflag:s15], $0x4000  }
0x11d: {  	[sflag:s15] =	ssyncset.done $0x0  }
0x11e: {  	[sflag:s15] =	ssyncadd.s32 $0xFFFFC000  }
0x11f: {  	[spmem:s1] =	stream.indirect.scatter.add.f32 [tilespmem:s13], [sflag:$0x3], $0x80, s29, s12, $0xb8;
	[tilespmem:$0x1CC00] =	vst v63  }
0x120: {  	_ =	swait.ge [sflag:s10], $0x4000  }
0x121: {  	[sflag:s10] =	ssyncset.done $0x0  }
0x122: {  	[sflag:s10] =	ssyncadd.s32 $0xFFFFC000  }
0x123: {  	[tilespmem:s13], [sflag:$0x1] =	stream.indirect.gather [hbm4b:s4+s12], $0x80, s30, s12, $0xb8;
	[tilespmem:$0x1CC00] =	vst v63  }
0x124: {  	_ =	swait.ge [sflag:s16], $0x4000  }
0x125: {  	[sflag:s16] =	ssyncset.done $0x0  }
0x126: {  	[sflag:s16] =	ssyncadd.s32 $0xFFFFC000  }
0x127: {  	[spmem:s1] =	stream.indirect.scatter.add.f32 [tilespmem:s14], [sflag:$0x3], $0x80, s31, s12, $0xb8;
	[tilespmem:$0x1CC00] =	vst v63  }
0x128: {  	_ =	swait.ge [sflag:s10], $0x4000  }
0x129: {  	[sflag:s10] =	ssyncset.done $0x0  }
0x12a: {  	[sflag:s10] =	ssyncadd.s32 $0xFFFFC000  }
0x12b: {  	[tilespmem:s14], [sflag:$0x2] =	stream.indirect.gather [hbm4b:s4+s12], $0x80, s0, s12, $0xb8;
	[tilespmem:$0x1CC00] =	vst v63  }
0x12c: {  	_ =	swait.ge [sflag:s15], $0x4000  }
0x12d: {  	[sflag:s15] =	ssyncset.done $0x0  }
0x12e: {  	[sflag:s15] =	ssyncadd.s32 $0xFFFFC000  }
0x12f: {  	[spmem:s1] =	stream.indirect.scatter.add.f32 [tilespmem:s13], [sflag:$0x3], $0x80, s2, s12, $0xb8;
	[tilespmem:$0x1CC00] =	vst v63  }
0x130: {  	_ =	swait.ge [sflag:s10], $0x4000  }
0x131: {  	[sflag:s10] =	ssyncset.done $0x0  }
0x132: {  	[sflag:s10] =	ssyncadd.s32 $0xFFFFC000  }
0x133: {  	p0 =	sne.s32 s6, $0x900;
	_ =	swait.ge [sflag:s16], $0x4000  }
.Ltmp0:
0x134: {  	[sflag:s16] =	ssyncset.done $0x0;
	(pc) =	sbr.rel @p0 .LBB2_2-.Ltmp0, $4  }
0x135: {  	[sflag:s16] =	ssyncadd.s32 $0xFFFFC000  }
0x136: {  	[spmem:s1] =	stream.indirect.scatter.add.f32 [tilespmem:s14], [sflag:$0x3], $0x80, s5, s12, $0xb8;
	[tilespmem:$0x1CC00] =	vst v63  }
0x137: {  	s7 =	smov.u32 s6;
	s6 =	sadd.s32 $0x100, s6;
	_ =	swait.ge [sflag:s10], $0x4000  }
0x138: {  	s8 =	smov.u32 s7;
	s9 =	rddreg [dreg:$0x4];
	[sflag:s10] =	ssyncset.done $0x0  }
0x139: {  	[sflag:s10] =	ssyncadd.s32 $0xFFFFC000;
	s6 =	sadd.s32 s8, s9  }
0x13a: {  	[tilespmem:s3], [sflag:$0x3] =	stream.linear.gather [hbm4b:s6+s3], $0x800, $0x38;
	[tilespmem:$0x1CC00] =	vst v63  }
0x13b: {  	_ =	swait.ge [sflag:s10], $0x800  }
0x13c: {  	s7 =	rddreg [dreg:$0x3];
	[sflag:s10] =	ssyncset.done $0x0  }
0x13d: {  	s6 =	sadd.s32 s8, s7;
	[sflag:s10] =	ssyncadd.s32 $0xFFFFF800  }
0x13e: {  	[tilespmem:s11], [sflag:$0x3] =	stream.linear.gather [hbm4b:s6+s3], $0x800, $0x38;
	[tilespmem:$0x1CC00] =	vst v63  }
0x13f: {  	_ =	swait.ge [sflag:s10], $0x800  }
0x140: {  	[sflag:s10] =	ssyncset.done $0x0  }
0x141: {  	[sflag:s10] =	ssyncadd.s32 $0xFFFFF800  }
0x142: {  	[tilespmem:s13], [sflag:$0x1] =	stream.indirect.gather [hbm4b:s4+s12], $0x80, s3, s12, $0xb8;
	[tilespmem:$0x1CC00] =	vst v63  }
0x143: {  	_ = 	snop  }
0x144: {  	[tilespmem:s14], [sflag:$0x2] =	stream.indirect.gather [hbm4b:s4+s12], $0x80, s12, s12, $0xb8;
	[tilespmem:$0x1CC00] =	vst v63  }
0x145: {  	_ =	swait.ge [sflag:s15], $0x4000  }
0x146: {  	[sflag:s15] =	ssyncset.done $0x0  }
0x147: {  	[sflag:s15] =	ssyncadd.s32 $0xFFFFC000  }
0x148: {  	[spmem:s1] =	stream.indirect.scatter.add.f32 [tilespmem:s13], [sflag:$0x3], $0x80, s11, s12, $0xb8;
	[tilespmem:$0x1CC00] =	vst v63  }
0x149: {  	_ =	swait.ge [sflag:s10], $0x4000  }
0x14a: {  	[sflag:s10] =	ssyncset.done $0x0  }
0x14b: {  	s9 =	rddreg [dreg:$0x5];
	[sflag:s10] =	ssyncadd.s32 $0xFFFFC000  }
0x14c: {  	[tilespmem:s13], [sflag:$0x1] =	stream.indirect.gather [hbm4b:s4+s12], $0x80, s9, s12, $0xb8;
	[tilespmem:$0x1CC00] =	vst v63  }
0x14d: {  	_ =	swait.ge [sflag:s16], $0x4000  }
0x14e: {  	[sflag:s16] =	ssyncset.done $0x0  }
0x14f: {  	s7 =	rddreg [dreg:$0x6];
	[sflag:s16] =	ssyncadd.s32 $0xFFFFC000  }
0x150: {  	[spmem:s1] =	stream.indirect.scatter.add.f32 [tilespmem:s14], [sflag:$0x3], $0x80, s7, s12, $0xb8;
	[tilespmem:$0x1CC00] =	vst v63  }
0x151: {  	_ =	swait.ge [sflag:s10], $0x4000  }
0x152: {  	[sflag:s10] =	ssyncset.done $0x0  }
0x153: {  	s8 =	rddreg [dreg:$0x7];
	[sflag:s10] =	ssyncadd.s32 $0xFFFFC000  }
0x154: {  	[tilespmem:s14], [sflag:$0x2] =	stream.indirect.gather [hbm4b:s4+s12], $0x80, s8, s12, $0xb8;
	[tilespmem:$0x1CC00] =	vst v63  }
0x155: {  	_ =	swait.ge [sflag:s15], $0x4000  }
0x156: {  	[sflag:s15] =	ssyncset.done $0x0  }
0x157: {  	s9 =	rddreg [dreg:$0x8];
	[sflag:s15] =	ssyncadd.s32 $0xFFFFC000  }
0x158: {  	[spmem:s1] =	stream.indirect.scatter.add.f32 [tilespmem:s13], [sflag:$0x3], $0x80, s9, s12, $0xb8;
	[tilespmem:$0x1CC00] =	vst v63  }
0x159: {  	_ =	swait.ge [sflag:s10], $0x4000  }
0x15a: {  	[sflag:s10] =	ssyncset.done $0x0  }
0x15b: {  	s7 =	rddreg [dreg:$0x9];
	[sflag:s10] =	ssyncadd.s32 $0xFFFFC000  }
0x15c: {  	[tilespmem:s13], [sflag:$0x1] =	stream.indirect.gather [hbm4b:s4+s12], $0x80, s7, s12, $0xb8;
	[tilespmem:$0x1CC00] =	vst v63  }
0x15d: {  	_ =	swait.ge [sflag:s16], $0x4000  }
0x15e: {  	[sflag:s16] =	ssyncset.done $0x0  }
0x15f: {  	s8 =	rddreg [dreg:$0xa];
	[sflag:s16] =	ssyncadd.s32 $0xFFFFC000  }
0x160: {  	[spmem:s1] =	stream.indirect.scatter.add.f32 [tilespmem:s14], [sflag:$0x3], $0x80, s8, s12, $0xb8;
	[tilespmem:$0x1CC00] =	vst v63  }
0x161: {  	_ =	swait.ge [sflag:s10], $0x4000  }
0x162: {  	[sflag:s10] =	ssyncset.done $0x0  }
0x163: {  	s9 =	rddreg [dreg:$0xb];
	[sflag:s10] =	ssyncadd.s32 $0xFFFFC000  }
0x164: {  	[tilespmem:s14], [sflag:$0x2] =	stream.indirect.gather [hbm4b:s4+s12], $0x80, s9, s12, $0xb8;
	[tilespmem:$0x1CC00] =	vst v63  }
0x165: {  	_ =	swait.ge [sflag:s15], $0x4000  }
0x166: {  	[sflag:s15] =	ssyncset.done $0x0  }
0x167: {  	s7 =	rddreg [dreg:$0xc];
	[sflag:s15] =	ssyncadd.s32 $0xFFFFC000  }
0x168: {  	[spmem:s1] =	stream.indirect.scatter.add.f32 [tilespmem:s13], [sflag:$0x3], $0x80, s7, s12, $0xb8;
	[tilespmem:$0x1CC00] =	vst v63  }
0x169: {  	_ =	swait.ge [sflag:s10], $0x4000  }
0x16a: {  	[sflag:s10] =	ssyncset.done $0x0  }
0x16b: {  	s8 =	rddreg [dreg:$0xd];
	[sflag:s10] =	ssyncadd.s32 $0xFFFFC000  }
0x16c: {  	[tilespmem:s13], [sflag:$0x1] =	stream.indirect.gather [hbm4b:s4+s12], $0x80, s8, s12, $0xb8;
	[tilespmem:$0x1CC00] =	vst v63  }
0x16d: {  	_ =	swait.ge [sflag:s16], $0x4000  }
0x16e: {  	[sflag:s16] =	ssyncset.done $0x0  }
0x16f: {  	s9 =	rddreg [dreg:$0xe];
	[sflag:s16] =	ssyncadd.s32 $0xFFFFC000  }
0x170: {  	[spmem:s1] =	stream.indirect.scatter.add.f32 [tilespmem:s14], [sflag:$0x3], $0x80, s9, s12, $0xb8;
	[tilespmem:$0x1CC00] =	vst v63  }
0x171: {  	_ =	swait.ge [sflag:s10], $0x4000  }
0x172: {  	[sflag:s10] =	ssyncset.done $0x0  }
0x173: {  	s7 =	rddreg [dreg:$0xf];
	[sflag:s10] =	ssyncadd.s32 $0xFFFFC000  }
0x174: {  	[tilespmem:s14], [sflag:$0x2] =	stream.indirect.gather [hbm4b:s4+s12], $0x80, s7, s12, $0xb8;
	[tilespmem:$0x1CC00] =	vst v63  }
0x175: {  	_ =	swait.ge [sflag:s15], $0x4000  }
0x176: {  	[sflag:s15] =	ssyncset.done $0x0  }
0x177: {  	s8 =	rddreg [dreg:$0x10];
	[sflag:s15] =	ssyncadd.s32 $0xFFFFC000  }
0x178: {  	[spmem:s1] =	stream.indirect.scatter.add.f32 [tilespmem:s13], [sflag:$0x3], $0x80, s8, s12, $0xb8;
	[tilespmem:$0x1CC00] =	vst v63  }
0x179: {  	_ =	swait.ge [sflag:s10], $0x4000  }
0x17a: {  	[sflag:s10] =	ssyncset.done $0x0  }
0x17b: {  	[sflag:s10] =	ssyncadd.s32 $0xFFFFC000  }
0x17c: {  	[tilespmem:s13], [sflag:$0x1] =	stream.indirect.gather [hbm4b:s4+s12], $0x80, s17, s12, $0xb8;
	[tilespmem:$0x1CC00] =	vst v63  }
0x17d: {  	_ =	swait.ge [sflag:s16], $0x4000  }
0x17e: {  	[sflag:s16] =	ssyncset.done $0x0  }
0x17f: {  	[sflag:s16] =	ssyncadd.s32 $0xFFFFC000  }
0x180: {  	[spmem:s1] =	stream.indirect.scatter.add.f32 [tilespmem:s14], [sflag:$0x3], $0x80, s18, s12, $0xb8;
	[tilespmem:$0x1CC00] =	vst v63  }
0x181: {  	_ =	swait.ge [sflag:s10], $0x4000  }
0x182: {  	[sflag:s10] =	ssyncset.done $0x0  }
0x183: {  	[sflag:s10] =	ssyncadd.s32 $0xFFFFC000  }
0x184: {  	[tilespmem:s14], [sflag:$0x2] =	stream.indirect.gather [hbm4b:s4+s12], $0x80, s19, s12, $0xb8;
	[tilespmem:$0x1CC00] =	vst v63  }
0x185: {  	_ =	swait.ge [sflag:s15], $0x4000  }
0x186: {  	[sflag:s15] =	ssyncset.done $0x0  }
0x187: {  	[sflag:s15] =	ssyncadd.s32 $0xFFFFC000  }
0x188: {  	[spmem:s1] =	stream.indirect.scatter.add.f32 [tilespmem:s13], [sflag:$0x3], $0x80, s20, s12, $0xb8;
	[tilespmem:$0x1CC00] =	vst v63  }
0x189: {  	_ =	swait.ge [sflag:s10], $0x4000  }
0x18a: {  	[sflag:s10] =	ssyncset.done $0x0  }
0x18b: {  	[sflag:s10] =	ssyncadd.s32 $0xFFFFC000  }
0x18c: {  	[tilespmem:s13], [sflag:$0x1] =	stream.indirect.gather [hbm4b:s4+s12], $0x80, s21, s12, $0xb8;
	[tilespmem:$0x1CC00] =	vst v63  }
0x18d: {  	_ =	swait.ge [sflag:s16], $0x4000  }
0x18e: {  	[sflag:s16] =	ssyncset.done $0x0  }
0x18f: {  	[sflag:s16] =	ssyncadd.s32 $0xFFFFC000  }
0x190: {  	[spmem:s1] =	stream.indirect.scatter.add.f32 [tilespmem:s14], [sflag:$0x3], $0x80, s22, s12, $0xb8;
	[tilespmem:$0x1CC00] =	vst v63  }
0x191: {  	_ =	swait.ge [sflag:s10], $0x4000  }
0x192: {  	[sflag:s10] =	ssyncset.done $0x0  }
0x193: {  	[sflag:s10] =	ssyncadd.s32 $0xFFFFC000  }
0x194: {  	[tilespmem:s14], [sflag:$0x2] =	stream.indirect.gather [hbm4b:s4+s12], $0x80, s23, s12, $0xb8;
	[tilespmem:$0x1CC00] =	vst v63  }
0x195: {  	_ =	swait.ge [sflag:s15], $0x4000  }
0x196: {  	[sflag:s15] =	ssyncset.done $0x0  }
0x197: {  	[sflag:s15] =	ssyncadd.s32 $0xFFFFC000  }
0x198: {  	[spmem:s1] =	stream.indirect.scatter.add.f32 [tilespmem:s13], [sflag:$0x3], $0x80, s24, s12, $0xb8;
	[tilespmem:$0x1CC00] =	vst v63  }
0x199: {  	_ =	swait.ge [sflag:s10], $0x4000  }
0x19a: {  	[sflag:s10] =	ssyncset.done $0x0  }
0x19b: {  	[sflag:s10] =	ssyncadd.s32 $0xFFFFC000  }
0x19c: {  	[tilespmem:s13], [sflag:$0x1] =	stream.indirect.gather [hbm4b:s4+s12], $0x80, s25, s12, $0xb8;
	[tilespmem:$0x1CC00] =	vst v63  }
0x19d: {  	_ =	swait.ge [sflag:s16], $0x4000  }
0x19e: {  	[sflag:s16] =	ssyncset.done $0x0  }
0x19f: {  	[sflag:s16] =	ssyncadd.s32 $0xFFFFC000  }
0x1a0: {  	[spmem:s1] =	stream.indirect.scatter.add.f32 [tilespmem:s14], [sflag:$0x3], $0x80, s26, s12, $0xb8;
	[tilespmem:$0x1CC00] =	vst v63  }
0x1a1: {  	_ =	swait.ge [sflag:s10], $0x4000  }
0x1a2: {  	[sflag:s10] =	ssyncset.done $0x0  }
0x1a3: {  	[sflag:s10] =	ssyncadd.s32 $0xFFFFC000  }
0x1a4: {  	[tilespmem:s14], [sflag:$0x2] =	stream.indirect.gather [hbm4b:s4+s12], $0x80, s28, s12, $0xb8;
	[tilespmem:$0x1CC00] =	vst v63  }
0x1a5: {  	_ =	swait.ge [sflag:s15], $0x4000  }
0x1a6: {  	[sflag:s15] =	ssyncset.done $0x0  }
0x1a7: {  	[sflag:s15] =	ssyncadd.s32 $0xFFFFC000  }
0x1a8: {  	[spmem:s1] =	stream.indirect.scatter.add.f32 [tilespmem:s13], [sflag:$0x3], $0x80, s29, s12, $0xb8;
	[tilespmem:$0x1CC00] =	vst v63  }
0x1a9: {  	_ =	swait.ge [sflag:s10], $0x4000  }
0x1aa: {  	[sflag:s10] =	ssyncset.done $0x0  }
0x1ab: {  	[sflag:s10] =	ssyncadd.s32 $0xFFFFC000  }
0x1ac: {  	[tilespmem:s13], [sflag:$0x1] =	stream.indirect.gather [hbm4b:s4+s12], $0x80, s30, s12, $0xb8;
	[tilespmem:$0x1CC00] =	vst v63  }
0x1ad: {  	_ =	swait.ge [sflag:s16], $0x4000  }
0x1ae: {  	[sflag:s16] =	ssyncset.done $0x0  }
0x1af: {  	[sflag:s16] =	ssyncadd.s32 $0xFFFFC000  }
0x1b0: {  	[spmem:s1] =	stream.indirect.scatter.add.f32 [tilespmem:s14], [sflag:$0x3], $0x80, s31, s12, $0xb8;
	[tilespmem:$0x1CC00] =	vst v63  }
0x1b1: {  	_ =	swait.ge [sflag:s10], $0x4000  }
0x1b2: {  	[sflag:s10] =	ssyncset.done $0x0  }
0x1b3: {  	[sflag:s10] =	ssyncadd.s32 $0xFFFFC000  }
0x1b4: {  	[tilespmem:s14], [sflag:$0x2] =	stream.indirect.gather [hbm4b:s4+s12], $0x80, s0, s12, $0xb8;
	[tilespmem:$0x1CC00] =	vst v63  }
0x1b5: {  	_ =	swait.ge [sflag:s15], $0x4000  }
0x1b6: {  	[sflag:s15] =	ssyncset.done $0x0  }
0x1b7: {  	[sflag:s15] =	ssyncadd.s32 $0xFFFFC000  }
0x1b8: {  	[spmem:s1] =	stream.indirect.scatter.add.f32 [tilespmem:s13], [sflag:$0x3], $0x80, s2, s12, $0xb8;
	[tilespmem:$0x1CC00] =	vst v63  }
0x1b9: {  	_ =	swait.ge [sflag:s10], $0x4000  }
0x1ba: {  	[sflag:s10] =	ssyncset.done $0x0  }
0x1bb: {  	[sflag:s10] =	ssyncadd.s32 $0xFFFFC000  }
0x1bc: {  	_ =	swait.ge [sflag:s16], $0x4000  }
0x1bd: {  	[sflag:s16] =	ssyncset.done $0x0  }
0x1be: {  	[sflag:s16] =	ssyncadd.s32 $0xFFFFC000  }
0x1bf: {  	[spmem:s1] =	stream.indirect.scatter.add.f32 [tilespmem:s14], [sflag:$0x3], $0x80, s5, s12, $0xb8;
	[tilespmem:$0x1CC00] =	vst v63  }
0x1c0: {  	_ =	swait.ge [sflag:s10], $0x4000  }
0x1c1: {  	[sflag:s10] =	ssyncset.done $0x0  }
0x1c2: {  	[sflag:s10] =	ssyncadd.s32 $0xFFFFC000  }
0x1c3: {  	[bflag:$0x0] =	sbarrier.arrive $0xFFFF  }
0x1c4: {  	s8 =	rddreg [dreg:$0x12]  }
0x1c5: {  	s9 =	rddreg [dreg:$0x14]  }
0x1c6: {  	s7 =	rddreg [dreg:$0x15]  }
0x1c7: {  	[hbm:s9], [sflag:s8] =	dma.local [spmem:s7], $0x2780  }
0x1c8: {  	_ =	swait.ge [sflag:s10], $0x2780  }
0x1c9: {  	s6 =	rddreg [dreg:$0x16]  }
0x1ca: {  	s9 =	sadd.s32 $0x1, s6;
	s6 =	rddreg [dreg:$0x13]  }
0x1cb: {  	p0 =	sne.s32 s9, s6  }
.Ltmp1:
0x1cc: {  	_ = 	snop;
	(pc) =	sbr.rel @p0 .LBB2_1-.Ltmp1, $3  }
0x1cd: {  	_ =	sdelay $0x1  }
0x1ce: {  	[sflag:s10] =	ssyncset.done $0x0  }
0x1cf: {  	[sflag:s10] =	ssyncadd.s32 $0xFFFFD880  }
0x1d0: {  	_ =	sfence.sel $0x180000  }
0x1d1: {  	[bflag:$0x0] =	sbarrier.arrive $0xFFFF  }
0x1d2: {  	_ =	strace $0x9000004A  }
0x1d3: {  	s0 =	stileid.u32;
	[bflag:$0x2] =	sbarrier.arrive $0xFFFF  }
0x1d4: {  	p0 =	sne.s32 s0, $0x0;
	s0 =	rddreg [dreg:$0x2]  }
0x1d5: {  	s0 =	sadd.s32 @!p0 $0x100000, s0  }
0x1d6: {  	[sflag:s0] =	ssyncadd.tile.s32 @!p0 $0x1;
	_ =	shalt  }
.Lfunc_end2:
_tile_overlayer_lowered:
.L_overlay_start_2:
0x1d7: {  	(tag) =	ssettag $0x2  }
0x1d8: {  	s0 =	rddreg [dreg:$0x0];
	s2 =	stileid.u32  }
0x1d9: {  	s1 =	rddreg [dreg:$0x1];
	p0 =	sne.s32 s2, $0x0  }
0x1da: {  	s3 =	rddreg [dreg:$0x2];
	[bflag:$0x3] =	sbarrier.arrive $0xFFFF;
	s2 =	simm.s32 @!p0 $0x1C03  }
0x1db: {  	[timem:s3], [sflag:s2] =	dma.local @!p0 [hbm:s0], s1  }
0x1dc: {  	s0 =	simm.s32 @!p0 $0x3  }
0x1dd: {  	_ =	swait.ge @!p0 [sflag:s0], s1  }
0x1de: {  	s1 =	ssub.s32 @!p0 $0x0, s1;
	[sflag:s0] =	ssyncset.done @!p0 $0x0  }
0x1df: {  	[sflag:s0] =	ssyncadd.s32 @!p0 s1  }
0x1e0: {  	[bflag:$0x3] =	sbarrier.arrive $0xFFFF  }
0x1e1: {  	_ =	shalt  }

// kernel: kernel.16.cloned.1.call-start
scs
__scs_entry_jumppad:
0x0: {  	(pc) =	sbr.rel $0x88, $3  }
0x1: {  	(tag) =	ssettag $0x0;
	lr =	simm.s32 $0x1  }
0x2: {  	[smem:$0x3F99] =	sst lr;
	_ =	strace $0xD0000000  }
0x3: {  	_ = 	snop  }
0x4: {  	_ = 	snop  }
0x5: {  	_ = 	snop  }
0x6: {  	_ = 	snop  }
0x7: {  	_ = 	snop  }
__scs_overlays_trampoline_lowered:
0x8: {  	[smem:$0x3FA8] =	sst s0  }
0x9: {  	[smem:$0x3FA9] =	sst s1  }
0xa: {  	[smem:$0x3FAA] =	sst s2  }
0xb: {  	[smem:$0x3FAB] =	sst s3  }
0xc: {  	[smem:$0x3FAC] =	sst s4  }
0xd: {  	[smem:$0x3FAD] =	sst s5  }
0xe: {  	[smem:$0x3FAE] =	sst s6  }
0xf: {  	[smem:$0x3FAF] =	sst s7  }
0x10: {  	[smem:$0x3FB0] =	sst s8  }
0x11: {  	[smem:$0x3FB1] =	sst s9;
	s0 =	simm.s32 @!p0 $0x0  }
0x12: {  	s1 =	sld [smem:$0x3F97];
	s0 =	simm.s32 @p0 $0x1  }
0x13: {  	[smem:$0x3FB2] =	sst s0;
	s0 =	simm.s32 @!p1 $0x0  }
0x14: {  	s2 =	sld [smem:$0x3F96];
	s0 =	simm.s32 @p1 $0x1  }
0x15: {  	[smem:$0x3FB3] =	sst s0;
	s0 =	simm.s32 @!p2 $0x0  }
0x16: {  	s3 =	sld [smem:$0x3FDB];
	s0 =	simm.s32 @p2 $0x1  }
0x17: {  	s4 =	simm.s32 $0x1BF5;
	[smem:$0x3FB5] =	sst s0  }
0x18: {  	s0 =	sld [smem:$0x3F98];
	_ =	swait.ge [sflag:s4], $0x0  }
0x19: {  	s7 =	sld [smem:$0x3F99]  }
0x1a: {  	s8 =	sadd.s32 $0xFFFFE003, lr  }
0x1b: {  	s9 =	sadd.s32 $0xFFFFFEF7, lr;
	s5 =	simm.s32 $0xFFFFFFFF;
	p2 =	slt.u32 s8, $0xFFFFF086  }
0x1c: {  	p1 =	slt.u32 s9, $0xF7A;
	s5 =	simm.s32 @!p2 $0x0  }
0x1d: {  	s5 =	simm.s32 @p1 $0x1;
	p0 =	seq.s32 s7, s2  }
0x1e: {  	s7 =	smul.u32 @!p0 $0xF7A, s2;
	p2 =	seq.s32 @!p0 s5, $0x0  }
0x1f: {  	s9 =	smul.u32 $0xF7A, s1;
	s8 =	simm.s32 @!p0 $0x1BF5;
	p2 =	por !p2, p0  }
0x20: {  	[sflag:s8] =	ssyncset.s32 @!p0 $0xFFFFF086;
	s6 =	sadd.s32 @!p0 s3, s7;
	s7 =	simm.s32 @!p0 $0x108  }
0x21: {  	s3 =	sadd.s32 s3, s9;
	s6 =	sadd.s32 @!p0 $0x88, s6;
	s7 =	simm.s32 @p2 $0x1082  }
0x22: {  	[simem:s7], [sflag:s8] =	dma.local @!p0 [hbm:s6], $0xF7A  }
0x23: {  	s9 =	sor.u32 $0xD0000000, s2;
	s6 =	simm.s32 $0x108;
	_ =	swait.ge @!p0 [sflag:s8], $0x0  }
0x24: {  	s3 =	sadd.s32 $0x88, s3;
	s6 =	simm.s32 @!p1 $0x1082;
	[sflag:s4] =	ssyncset.s32 $0xFFFFF086  }
0x25: {  	[simem:s6], [sflag:s4] =	dma.local [hbm:s3], $0xF7A  }
0x26: {  	[smem:$0x3F99] =	sst s1;
	(tag) =	ssettag s2;
	_ =	strace s9  }
0x27: {  	s1 =	sld [smem:$0x3FA9]  }
0x28: {  	s2 =	sld [smem:$0x3FAA]  }
0x29: {  	s4 =	sld [smem:$0x3FAC]  }
0x2a: {  	p0 =	seq.s32 s5, $0x0;
	s5 =	sld [smem:$0x3FAD]  }
0x2b: {  	s6 =	sld [smem:$0x3FAE]  }
0x2c: {  	s7 =	sld [smem:$0x3FAF]  }
0x2d: {  	s3 =	simm.s32 $0x108;
	s8 =	sld [smem:$0x3FB0]  }
0x2e: {  	s3 =	simm.s32 @!p0 $0x1082;
	s9 =	sld [smem:$0x3FB1]  }
0x2f: {  	lr =	sadd.s32 s0, s3;
	s0 =	sld [smem:$0x3FA8]  }
0x30: {  	s3 =	sld [smem:$0x3FAB]  }
0x31: {  	[smem:$0x3FB4] =	sst s10  }
0x32: {  	s10 =	sld [smem:$0x3FB2];
	_ =	sdelay $0x3  }
0x33: {  	p0 =	seq.s32 s10, $0x1;
	s10 =	sld [smem:$0x3FB4];
	_ =	sdelay $0x3  }
0x34: {  	[smem:$0x3FB4] =	sst s10  }
0x35: {  	s10 =	sld [smem:$0x3FB3];
	_ =	sdelay $0x3  }
0x36: {  	p1 =	seq.s32 s10, $0x1;
	s10 =	sld [smem:$0x3FB4];
	_ =	sdelay $0x3  }
0x37: {  	[smem:$0x3FB4] =	sst s10  }
0x38: {  	s10 =	sld [smem:$0x3FB5]  }
0x39: {  	_ = 	snop;
	(pc) =	sbr.ind lr, $3  }
0x3a: {  	_ = 	snop  }
0x3b: {  	_ = 	snop  }
0x3c: {  	p2 =	seq.s32 s10, $0x1;
	s10 =	sld [smem:$0x3FB4]  }
0x3d: {  	_ =	shalt  }
0x3e: {  	_ =	shalt  }
0x3f: {  	_ =	shalt  }
0x40: {  	_ =	shalt  }
0x41: {  	_ =	shalt  }
0x42: {  	_ =	shalt  }
0x43: {  	_ =	shalt  }
0x44: {  	_ =	shalt  }
0x45: {  	_ =	shalt  }
0x46: {  	_ =	shalt  }
0x47: {  	_ =	shalt  }
0x48: {  	_ =	shalt  }
0x49: {  	_ =	shalt  }
0x4a: {  	_ =	shalt  }
0x4b: {  	_ =	shalt  }
0x4c: {  	_ =	shalt  }
0x4d: {  	_ =	shalt  }
0x4e: {  	_ =	shalt  }
0x4f: {  	_ =	shalt  }
0x50: {  	_ =	shalt  }
0x51: {  	_ =	shalt  }
0x52: {  	_ =	shalt  }
0x53: {  	_ =	shalt  }
0x54: {  	_ =	shalt  }
0x55: {  	_ =	shalt  }
0x56: {  	_ =	shalt  }
0x57: {  	_ =	shalt  }
0x58: {  	_ =	shalt  }
0x59: {  	_ =	shalt  }
0x5a: {  	_ =	shalt  }
0x5b: {  	_ =	shalt  }
0x5c: {  	_ =	shalt  }
0x5d: {  	_ =	shalt  }
0x5e: {  	_ =	shalt  }
0x5f: {  	_ =	shalt  }
0x60: {  	_ =	shalt  }
0x61: {  	_ =	shalt  }
0x62: {  	_ =	shalt  }
0x63: {  	_ =	shalt  }
0x64: {  	_ =	shalt  }
0x65: {  	_ =	shalt  }
0x66: {  	_ =	shalt  }
0x67: {  	_ =	shalt  }
0x68: {  	_ =	shalt  }
0x69: {  	_ =	shalt  }
0x6a: {  	_ =	shalt  }
0x6b: {  	_ =	shalt  }
0x6c: {  	_ =	shalt  }
0x6d: {  	_ =	shalt  }
0x6e: {  	_ =	shalt  }
0x6f: {  	_ =	shalt  }
0x70: {  	_ =	shalt  }
0x71: {  	_ =	shalt  }
0x72: {  	_ =	shalt  }
0x73: {  	_ =	shalt  }
0x74: {  	_ =	shalt  }
0x75: {  	_ =	shalt  }
0x76: {  	_ =	shalt  }
0x77: {  	_ =	shalt  }
0x78: {  	_ =	shalt  }
0x79: {  	_ =	shalt  }
0x7a: {  	_ =	shalt  }
0x7b: {  	_ =	shalt  }
0x7c: {  	_ =	shalt  }
0x7d: {  	_ =	shalt  }
0x7e: {  	_ =	shalt  }
0x7f: {  	_ =	shalt  }
0x80: {  	_ =	shalt  }
0x81: {  	_ =	shalt  }
0x82: {  	_ =	shalt  }
0x83: {  	_ =	shalt  }
0x84: {  	_ =	shalt  }
0x85: {  	_ =	shalt  }
0x86: {  	_ =	shalt  }
0x87: {  	_ =	shalt  }
.Lfunc_end0:
.L_simem_size_0:
called_computation.2_lowered:
.L_overlay_start_0:
0x88: {  	s2 =	sld [smem:$0x3FD9]  }
0x89: {  	s3 =	sld [smem:$0x3FFE];
	_ =	sdelay $0x1  }
0x8a: {  	s1 =	srdreg.scid  }
0x8b: {  	s0 =	sand.u32 $0x1, s1  }
0x8c: {  	s16 =	sshll.u32 s0, $0xA;
	s2 =	sadd.s32 s3, s2  }
0x8d: {  	s2 =	sadd.s32 s2, s16  }
0x8e: {  	[smem:$0x3FC0] =	sst s2  }
0x8f: {  	_ = 	snop  }
0x90: {  	(tm) =	ssettm $0x1  }
0x91: {  	s17 =	sld [smem:$0x3FFB];
	_ =	sdelay $0x3  }
0x92: {  	_ =	strace s17  }
0x93: {  	s2 =	sld [smem:$0x3FFC];
	_ =	sdelay $0x3  }
0x94: {  	_ =	strace s2  }
0x95: {  	s2 =	sld [smem:$0x3FFD];
	_ =	sdelay $0x3  }
0x96: {  	_ =	strace s2  }
0x97: {  	_ =	strace $0x8FFFFFFF  }
0x98: {  	s18 =	sld [smem:$0x3FDB];
	_ =	sdelay $0x1  }
0x99: {  	s19 =	simm.s32 $_scs_section_size  }
0x9a: {  	s4 =	simm.s32 $_size__tile_overlayer_lowered;
	s5 =	simm.s32 $_tile_overlayer_lowered  }
0x9b: {  	s22 =	simm.s32 $0x1BFF;
	s21 =	sshll.u32 s5, $0x1;
	s2 =	sadd.s32 s19, s18  }
0x9c: {  	s6 =	simm.s32 $0x0;
	s20 =	sshll.u32 s4, $0x1;
	s4 =	sadd.s32 s21, s2  }
0x9d: {  	[timem:s6], [sflag:s22] =	dma.local [hbm:s4], s20  }
0x9e: {  	_ =	swait.ge [sflag:s22], s20  }
0x9f: {  	s3 =	ssub.s32 $0x0, s20;
	[sflag:s22] =	ssyncset.done $0x0  }
0xa0: {  	[sflag:s22] =	ssyncadd.s32 s3;
	_ =	sdelay $0x1  }
0xa1: {  	s23 =	simm.s32 $0x1B8B  }
0xa2: {  	_ =	swait.ge [sflag:s23], $0x1  }
0xa3: {  	[sflag:s23] =	ssyncset.done $0x0  }
0xa4: {  	s25 =	simm.s32 $0x1B8E;
	s24 =	sld [smem:$0x3FFE];
	[sflag:s23] =	ssyncadd.s32 $0xFFFFFFFF  }
0xa5: {  	s26 =	simm.s32 $execute0_lowered;
	[smem:$0x3FD2] =	sst s25  }
0xa6: {  	s4 =	sshll.u32 s26, $0x1;
	_ =	strace $0x8000004C;
	[dreg:$0x1] =	wrdreg $0xFFFFFFFF  }
0xa7: {  	s28 =	simm.s32 $_size_execute0_lowered;
	s2 =	sadd.s32 s2, s4;
	[dreg:$0x0] =	wrdreg $0x0  }
0xa8: {  	s4 =	sshll.u32 s28, $0x1;
	[dreg:$0x2] =	wrdreg s2  }
0xa9: {  	[dreg:$0x3] =	wrdreg s4  }
0xaa: {  	[dreg:$0x4] =	wrdreg $0xC0  }
0xab: {  	_ =	task [dreg:s6], $0x5FFFF  }
0xac: {  	[dreg:$0x1] =	wrdreg $0xFFFFFFFF  }
0xad: {  	[dreg:$0x0] =	wrdreg $0x60  }
0xae: {  	[dreg:$0x2] =	wrdreg s24  }
0xaf: {  	[dreg:$0x3] =	wrdreg $0x90000  }
0xb0: {  	[dreg:$0x4] =	wrdreg $0x9  }
0xb1: {  	_ =	task.clear_ibuf [dreg:s6], $0x5FFFF;
	_ =	strace $0x9000004C  }
0xb2: {  	s29 =	simm.s32 $0x9;
	_ =	strace $0x8000004E  }
0xb3: {  	_ =	swait.ge [sflag:s29], $0x1  }
0xb4: {  	[sflag:s29] =	ssyncadd.s32 $0xFFFFFFFF  }
0xb5: {  	_ =	strace $0x9000004E  }
0xb6: {  	_ =	sfence  }
0xb7: {  	s30 =	sld [smem:$0x0];
	_ =	sdelay $0x2  }
0xb8: {  	s31 =	sshll.u32 s1, $0xD;
	s1 =	sshrl.u32 s1, $0x2  }
0xb9: {  	s3 =	sand.u32 $0x4000, s31;
	s1 =	sadd.s32 s1, s30  }
0xba: {  	s0 =	sor.u32 s3, s0;
	s1 =	sshll.u32 s1, $0x11  }
0xbb: {  	s0 =	sor.u32 s1, s0  }
0xbc: {  	s0 =	sadd.s32 $0x8F2B, s0  }
0xbd: {  	[sflag:s0] =	ssyncadd.remote.s32 $0x1  }
0xbe: {  	_ =	sfence.sel $0xFFFF  }
0xbf: {  	[dreg:$0x0] =	wrdreg $0xFFFFFFFF;
	(pc) =	sbr.abs _section_cstart, $3  }
0xc0: {  	[dreg:$0x1] =	wrdreg $0xFFFFFFFF  }
0xc1: {  	_ =	task.clear_ibuf [dreg:s6], $0x2FFFF;
	_ =	strace $0x9FFFFFFF  }
0xc2: {  	(tm) =	ssettm $0x7FFFFFFF  }
0xc3: {  	_ =	shalt  }
tec
execute0_lowered:
.L_overlay_start_1:
0x0: {  	(tag) =	ssettag $0x1  }
0x1: {  	s0 =	rddreg [dreg:$0x0]  }
0x2: {  	s1 =	rddreg [dreg:$0x1];
	s2 =	srdreg.scid;
	s3 =	simm.s32 $0x0  }
0x3: {  	s10 =	stileid.u32;
	s14 =	simm.s32 $0x100;
	s15 =	simm.s32 $0x880  }
0x4: {  	s17 =	simm.s32 $0x180;
	s18 =	simm.s32 $0x900;
	s19 =	simm.s32 $0x200  }
0x5: {  	s20 =	simm.s32 $0x980;
	s21 =	simm.s32 $0x280;
	[smem:$0x7FF] =	sst s3  }
0x6: {  	s22 =	simm.s32 $0xA00;
	_ =	strace $0x8000004D;
	[dreg:$0x5] =	wrdreg s14  }
0x7: {  	s23 =	simm.s32 $0x300;
	s24 =	simm.s32 $0xA80;
	[dreg:$0x6] =	wrdreg s15  }
0x8: {  	s25 =	simm.s32 $0x380;
	s28 =	simm.s32 $0x680;
	[dreg:$0x7] =	wrdreg s17  }
0x9: {  	s29 =	simm.s32 $0xE00;
	s30 =	simm.s32 $0x700;
	[dreg:$0x8] =	wrdreg s18  }
0xa: {  	s31 =	simm.s32 $0xE80;
	s6 =	smul.u32 $0x2780, s10;
	[dreg:$0x9] =	wrdreg s19  }
0xb: {  	s2 =	sand.u32 $0x1, s2;
	s7 =	smul.u32 $0x4F000, s10;
	[dreg:$0xa] =	wrdreg s20  }
0xc: {  	s4 =	sadd.s32 $0x54000, s0;
	s9 =	smul.u32 $0xA00, s10;
	[dreg:$0xb] =	wrdreg s21  }
0xd: {  	s13 =	sshll.u32 s10, $0x6;
	s10 =	simm.s32 $0x3;
	[dreg:$0xc] =	wrdreg s22  }
0xe: {  	s5 =	smul.u32 $0xA000, s2;
	s8 =	ssub.s32 $0x2, s2;
	[dreg:$0xd] =	wrdreg s23  }
0xf: {  	p0 =	seq.s32 s2, $0x1;
	[dreg:$0xe] =	wrdreg s24;
	s14 =	simm.s32 $0x5000  }
0x10: {  	[dreg:$0xf] =	wrdreg s25;
	s15 =	simm.s32 $0x1;
	s17 =	simm.s32 $0x400  }
0x11: {  	s18 =	simm.s32 $0xB80;
	s19 =	simm.s32 $0x480;
	s20 =	simm.s32 $0xC00  }
0x12: {  	s21 =	simm.s32 $0x500;
	s22 =	simm.s32 $0xC80;
	s23 =	simm.s32 $0x580  }
0x13: {  	s24 =	simm.s32 $0xD00;
	s25 =	simm.s32 $0x600;
	s2 =	simm.s32 $0xF00  }
0x14: {  	s26 =	sshrl.u32 s8, $0x1;
	s7 =	sshrl.u32 s7, $0x2;
	s5 =	sadd.s32 s5, s0  }
0x15: {  	s0 =	sadd.s32 s6, s0;
	s6 =	ssub.s32 s8, s26;
	s7 =	sadd.s32 s7, s1  }
0x16: {  	s8 =	sor.u32 $0x1C03, s13;
	s13 =	simm.s32 $0x1000;
	s26 =	simm.s32 $0xB00  }
0x17: {  	s5 =	sadd.s32 s9, s5;
	s11 =	sadd.s32 $0x2C800, s0;
	[dreg:$0x10] =	wrdreg s26  }
0x18: {  	s16 =	smax.u32 s6, $0x1;
	s7 =	sshrl.u32 s7, $0x3;
	[dreg:$0x12] =	wrdreg s8  }
0x19: {  	s26 =	simm.s32 $0xD80;
	s9 =	simm.s32 $0x0;
	[dreg:$0x11] =	wrdreg s11  }
0x1a: {  	s12 =	sadd.s32 $0x4800, s5;
	s5 =	sadd.s32 $0x18800, s5;
	[dreg:$0x13] =	wrdreg s16  }
0x1b: {  	s11 =	simm.s32 $0x800;
	[dreg:$0x4] =	wrdreg s5;
	s5 =	simm.s32 $0xA2A00  }
0x1c: {  	s16 =	simm.s32 $0x2;
	[dreg:$0x15] =	wrdreg s7;
	s5 =	simm.s32 @!p0 $0x7B200  }
0x1d: {  	[dreg:$0x3] =	wrdreg s12;
	s12 =	simm.s32 $0x80;
	s0 =	sadd.s32 s5, s0  }
0x1e: {  	s5 =	simm.s32 $0xF80;
	[dreg:$0x14] =	wrdreg s0;
	s0 =	simm.s32 $0x780  }
.LBB2_1:
0x1f: {  	[dreg:$0x16] =	wrdreg s9  }
0x20: {  	s6 =	rddreg [dreg:$0x11]  }
0x21: {  	[spmem:s7], [sflag:s8] =	dma.local [hbm:s6], $0x2780  }
0x22: {  	_ =	swait.ge [sflag:s10], $0x2780  }
0x23: {  	[sflag:s10] =	ssyncset.done $0x0  }
0x24: {  	[sflag:s10] =	ssyncadd.s32 $0xFFFFD880  }
0x25: {  	[bflag:$0x0] =	sbarrier.arrive $0xFFFF  }
0x26: {  	s8 =	rddreg [dreg:$0x4]  }
0x27: {  	s6 =	sadd.s32 $0x0, s8  }
0x28: {  	[tilespmem:s3], [sflag:$0x3] =	stream.linear.gather [hbm4b:s6+s3], $0x800, $0x38;
	[tilespmem:$0x1CC00] =	vst v63  }
0x29: {  	_ =	swait.ge [sflag:s10], $0x800  }
0x2a: {  	s9 =	rddreg [dreg:$0x3];
	[sflag:s10] =	ssyncset.done $0x0  }
0x2b: {  	[sflag:s10] =	ssyncadd.s32 $0xFFFFF800;
	s6 =	sadd.s32 $0x0, s9  }
0x2c: {  	[tilespmem:s11], [sflag:$0x3] =	stream.linear.gather [hbm4b:s6+s3], $0x800, $0x38;
	[tilespmem:$0x1CC00] =	vst v63  }
0x2d: {  	_ =	swait.ge [sflag:s10], $0x800  }
0x2e: {  	[sflag:s10] =	ssyncset.done $0x0  }
0x2f: {  	[sflag:s10] =	ssyncadd.s32 $0xFFFFF800  }
0x30: {  	[tilespmem:s13], [sflag:$0x1] =	stream.indirect.gather [hbm4b:s4+s12], $0x80, s3, s12, $0xb8;
	[tilespmem:$0x1CC00] =	vst v63  }
0x31: {  	_ = 	snop  }
0x32: {  	[tilespmem:s14], [sflag:$0x2] =	stream.indirect.gather [hbm4b:s4+s12], $0x80, s12, s12, $0xb8;
	[tilespmem:$0x1CC00] =	vst v63  }
0x33: {  	_ =	swait.ge [sflag:s15], $0x4000  }
0x34: {  	[sflag:s15] =	ssyncset.done $0x0  }
0x35: {  	[sflag:s15] =	ssyncadd.s32 $0xFFFFC000  }
0x36: {  	[spmem:s1] =	stream.indirect.scatter.add.f32 [tilespmem:s13], [sflag:$0x3], $0x80, s11, s12, $0xb8;
	[tilespmem:$0x1CC00] =	vst v63  }
0x37: {  	_ =	swait.ge [sflag:s10], $0x4000  }
0x38: {  	[sflag:s10] =	ssyncset.done $0x0  }
0x39: {  	s7 =	rddreg [dreg:$0x5];
	[sflag:s10] =	ssyncadd.s32 $0xFFFFC000  }
0x3a: {  	[tilespmem:s13], [sflag:$0x1] =	stream.indirect.gather [hbm4b:s4+s12], $0x80, s7, s12, $0xb8;
	[tilespmem:$0x1CC00] =	vst v63  }
0x3b: {  	_ =	swait.ge [sflag:s16], $0x4000  }
0x3c: {  	[sflag:s16] =	ssyncset.done $0x0  }
0x3d: {  	s8 =	rddreg [dreg:$0x6];
	[sflag:s16] =	ssyncadd.s32 $0xFFFFC000  }
0x3e: {  	[spmem:s1] =	stream.indirect.scatter.add.f32 [tilespmem:s14], [sflag:$0x3], $0x80, s8, s12, $0xb8;
	[tilespmem:$0x1CC00] =	vst v63  }
0x3f: {  	_ =	swait.ge [sflag:s10], $0x4000  }
0x40: {  	[sflag:s10] =	ssyncset.done $0x0  }
0x41: {  	s9 =	rddreg [dreg:$0x7];
	[sflag:s10] =	ssyncadd.s32 $0xFFFFC000  }
0x42: {  	[tilespmem:s14], [sflag:$0x2] =	stream.indirect.gather [hbm4b:s4+s12], $0x80, s9, s12, $0xb8;
	[tilespmem:$0x1CC00] =	vst v63  }
0x43: {  	_ =	swait.ge [sflag:s15], $0x4000  }
0x44: {  	[sflag:s15] =	ssyncset.done $0x0  }
0x45: {  	s7 =	rddreg [dreg:$0x8];
	[sflag:s15] =	ssyncadd.s32 $0xFFFFC000  }
0x46: {  	[spmem:s1] =	stream.indirect.scatter.add.f32 [tilespmem:s13], [sflag:$0x3], $0x80, s7, s12, $0xb8;
	[tilespmem:$0x1CC00] =	vst v63  }
0x47: {  	_ =	swait.ge [sflag:s10], $0x4000  }
0x48: {  	[sflag:s10] =	ssyncset.done $0x0  }
0x49: {  	s8 =	rddreg [dreg:$0x9];
	[sflag:s10] =	ssyncadd.s32 $0xFFFFC000  }
0x4a: {  	[tilespmem:s13], [sflag:$0x1] =	stream.indirect.gather [hbm4b:s4+s12], $0x80, s8, s12, $0xb8;
	[tilespmem:$0x1CC00] =	vst v63  }
0x4b: {  	_ =	swait.ge [sflag:s16], $0x4000  }
0x4c: {  	[sflag:s16] =	ssyncset.done $0x0  }
0x4d: {  	s9 =	rddreg [dreg:$0xa];
	[sflag:s16] =	ssyncadd.s32 $0xFFFFC000  }
0x4e: {  	[spmem:s1] =	stream.indirect.scatter.add.f32 [tilespmem:s14], [sflag:$0x3], $0x80, s9, s12, $0xb8;
	[tilespmem:$0x1CC00] =	vst v63  }
0x4f: {  	_ =	swait.ge [sflag:s10], $0x4000  }
0x50: {  	[sflag:s10] =	ssyncset.done $0x0  }
0x51: {  	s7 =	rddreg [dreg:$0xb];
	[sflag:s10] =	ssyncadd.s32 $0xFFFFC000  }
0x52: {  	[tilespmem:s14], [sflag:$0x2] =	stream.indirect.gather [hbm4b:s4+s12], $0x80, s7, s12, $0xb8;
	[tilespmem:$0x1CC00] =	vst v63  }
0x53: {  	_ =	swait.ge [sflag:s15], $0x4000  }
0x54: {  	[sflag:s15] =	ssyncset.done $0x0  }
0x55: {  	s8 =	rddreg [dreg:$0xc];
	[sflag:s15] =	ssyncadd.s32 $0xFFFFC000  }
0x56: {  	[spmem:s1] =	stream.indirect.scatter.add.f32 [tilespmem:s13], [sflag:$0x3], $0x80, s8, s12, $0xb8;
	[tilespmem:$0x1CC00] =	vst v63  }
0x57: {  	_ =	swait.ge [sflag:s10], $0x4000  }
0x58: {  	[sflag:s10] =	ssyncset.done $0x0  }
0x59: {  	s9 =	rddreg [dreg:$0xd];
	[sflag:s10] =	ssyncadd.s32 $0xFFFFC000  }
0x5a: {  	[tilespmem:s13], [sflag:$0x1] =	stream.indirect.gather [hbm4b:s4+s12], $0x80, s9, s12, $0xb8;
	[tilespmem:$0x1CC00] =	vst v63  }
0x5b: {  	_ =	swait.ge [sflag:s16], $0x4000  }
0x5c: {  	[sflag:s16] =	ssyncset.done $0x0  }
0x5d: {  	s7 =	rddreg [dreg:$0xe];
	[sflag:s16] =	ssyncadd.s32 $0xFFFFC000  }
0x5e: {  	[spmem:s1] =	stream.indirect.scatter.add.f32 [tilespmem:s14], [sflag:$0x3], $0x80, s7, s12, $0xb8;
	[tilespmem:$0x1CC00] =	vst v63  }
0x5f: {  	_ =	swait.ge [sflag:s10], $0x4000  }
0x60: {  	[sflag:s10] =	ssyncset.done $0x0  }
0x61: {  	s8 =	rddreg [dreg:$0xf];
	[sflag:s10] =	ssyncadd.s32 $0xFFFFC000  }
0x62: {  	[tilespmem:s14], [sflag:$0x2] =	stream.indirect.gather [hbm4b:s4+s12], $0x80, s8, s12, $0xb8;
	[tilespmem:$0x1CC00] =	vst v63  }
0x63: {  	_ =	swait.ge [sflag:s15], $0x4000  }
0x64: {  	[sflag:s15] =	ssyncset.done $0x0  }
0x65: {  	s9 =	rddreg [dreg:$0x10];
	[sflag:s15] =	ssyncadd.s32 $0xFFFFC000  }
0x66: {  	[spmem:s1] =	stream.indirect.scatter.add.f32 [tilespmem:s13], [sflag:$0x3], $0x80, s9, s12, $0xb8;
	[tilespmem:$0x1CC00] =	vst v63  }
0x67: {  	_ =	swait.ge [sflag:s10], $0x4000  }
0x68: {  	[sflag:s10] =	ssyncset.done $0x0  }
0x69: {  	[sflag:s10] =	ssyncadd.s32 $0xFFFFC000  }
0x6a: {  	[tilespmem:s13], [sflag:$0x1] =	stream.indirect.gather [hbm4b:s4+s12], $0x80, s17, s12, $0xb8;
	[tilespmem:$0x1CC00] =	vst v63  }
0x6b: {  	_ =	swait.ge [sflag:s16], $0x4000  }
0x6c: {  	[sflag:s16] =	ssyncset.done $0x0  }
0x6d: {  	[sflag:s16] =	ssyncadd.s32 $0xFFFFC000  }
0x6e: {  	[spmem:s1] =	stream.indirect.scatter.add.f32 [tilespmem:s14], [sflag:$0x3], $0x80, s18, s12, $0xb8;
	[tilespmem:$0x1CC00] =	vst v63  }
0x6f: {  	_ =	swait.ge [sflag:s10], $0x4000  }
0x70: {  	[sflag:s10] =	ssyncset.done $0x0  }
0x71: {  	[sflag:s10] =	ssyncadd.s32 $0xFFFFC000  }
0x72: {  	[tilespmem:s14], [sflag:$0x2] =	stream.indirect.gather [hbm4b:s4+s12], $0x80, s19, s12, $0xb8;
	[tilespmem:$0x1CC00] =	vst v63  }
0x73: {  	_ =	swait.ge [sflag:s15], $0x4000  }
0x74: {  	[sflag:s15] =	ssyncset.done $0x0  }
0x75: {  	[sflag:s15] =	ssyncadd.s32 $0xFFFFC000  }
0x76: {  	[spmem:s1] =	stream.indirect.scatter.add.f32 [tilespmem:s13], [sflag:$0x3], $0x80, s20, s12, $0xb8;
	[tilespmem:$0x1CC00] =	vst v63  }
0x77: {  	_ =	swait.ge [sflag:s10], $0x4000  }
0x78: {  	[sflag:s10] =	ssyncset.done $0x0  }
0x79: {  	[sflag:s10] =	ssyncadd.s32 $0xFFFFC000  }
0x7a: {  	[tilespmem:s13], [sflag:$0x1] =	stream.indirect.gather [hbm4b:s4+s12], $0x80, s21, s12, $0xb8;
	[tilespmem:$0x1CC00] =	vst v63  }
0x7b: {  	_ =	swait.ge [sflag:s16], $0x4000  }
0x7c: {  	[sflag:s16] =	ssyncset.done $0x0  }
0x7d: {  	[sflag:s16] =	ssyncadd.s32 $0xFFFFC000  }
0x7e: {  	[spmem:s1] =	stream.indirect.scatter.add.f32 [tilespmem:s14], [sflag:$0x3], $0x80, s22, s12, $0xb8;
	[tilespmem:$0x1CC00] =	vst v63  }
0x7f: {  	_ =	swait.ge [sflag:s10], $0x4000  }
0x80: {  	[sflag:s10] =	ssyncset.done $0x0  }
0x81: {  	[sflag:s10] =	ssyncadd.s32 $0xFFFFC000  }
0x82: {  	[tilespmem:s14], [sflag:$0x2] =	stream.indirect.gather [hbm4b:s4+s12], $0x80, s23, s12, $0xb8;
	[tilespmem:$0x1CC00] =	vst v63  }
0x83: {  	_ =	swait.ge [sflag:s15], $0x4000  }
0x84: {  	[sflag:s15] =	ssyncset.done $0x0  }
0x85: {  	[sflag:s15] =	ssyncadd.s32 $0xFFFFC000  }
0x86: {  	[spmem:s1] =	stream.indirect.scatter.add.f32 [tilespmem:s13], [sflag:$0x3], $0x80, s24, s12, $0xb8;
	[tilespmem:$0x1CC00] =	vst v63  }
0x87: {  	_ =	swait.ge [sflag:s10], $0x4000  }
0x88: {  	[sflag:s10] =	ssyncset.done $0x0  }
0x89: {  	[sflag:s10] =	ssyncadd.s32 $0xFFFFC000  }
0x8a: {  	[tilespmem:s13], [sflag:$0x1] =	stream.indirect.gather [hbm4b:s4+s12], $0x80, s25, s12, $0xb8;
	[tilespmem:$0x1CC00] =	vst v63  }
0x8b: {  	_ =	swait.ge [sflag:s16], $0x4000  }
0x8c: {  	[sflag:s16] =	ssyncset.done $0x0  }
0x8d: {  	[sflag:s16] =	ssyncadd.s32 $0xFFFFC000  }
0x8e: {  	[spmem:s1] =	stream.indirect.scatter.add.f32 [tilespmem:s14], [sflag:$0x3], $0x80, s26, s12, $0xb8;
	[tilespmem:$0x1CC00] =	vst v63  }
0x8f: {  	_ =	swait.ge [sflag:s10], $0x4000  }
0x90: {  	[sflag:s10] =	ssyncset.done $0x0  }
0x91: {  	[sflag:s10] =	ssyncadd.s32 $0xFFFFC000  }
0x92: {  	[tilespmem:s14], [sflag:$0x2] =	stream.indirect.gather [hbm4b:s4+s12], $0x80, s28, s12, $0xb8;
	[tilespmem:$0x1CC00] =	vst v63  }
0x93: {  	_ =	swait.ge [sflag:s15], $0x4000  }
0x94: {  	[sflag:s15] =	ssyncset.done $0x0  }
0x95: {  	[sflag:s15] =	ssyncadd.s32 $0xFFFFC000  }
0x96: {  	[spmem:s1] =	stream.indirect.scatter.add.f32 [tilespmem:s13], [sflag:$0x3], $0x80, s29, s12, $0xb8;
	[tilespmem:$0x1CC00] =	vst v63  }
0x97: {  	_ =	swait.ge [sflag:s10], $0x4000  }
0x98: {  	[sflag:s10] =	ssyncset.done $0x0  }
0x99: {  	[sflag:s10] =	ssyncadd.s32 $0xFFFFC000  }
0x9a: {  	[tilespmem:s13], [sflag:$0x1] =	stream.indirect.gather [hbm4b:s4+s12], $0x80, s30, s12, $0xb8;
	[tilespmem:$0x1CC00] =	vst v63  }
0x9b: {  	_ =	swait.ge [sflag:s16], $0x4000  }
0x9c: {  	[sflag:s16] =	ssyncset.done $0x0  }
0x9d: {  	[sflag:s16] =	ssyncadd.s32 $0xFFFFC000  }
0x9e: {  	[spmem:s1] =	stream.indirect.scatter.add.f32 [tilespmem:s14], [sflag:$0x3], $0x80, s31, s12, $0xb8;
	[tilespmem:$0x1CC00] =	vst v63  }
0x9f: {  	_ =	swait.ge [sflag:s10], $0x4000  }
0xa0: {  	[sflag:s10] =	ssyncset.done $0x0  }
0xa1: {  	[sflag:s10] =	ssyncadd.s32 $0xFFFFC000  }
0xa2: {  	[tilespmem:s14], [sflag:$0x2] =	stream.indirect.gather [hbm4b:s4+s12], $0x80, s0, s12, $0xb8;
	[tilespmem:$0x1CC00] =	vst v63  }
0xa3: {  	_ =	swait.ge [sflag:s15], $0x4000  }
0xa4: {  	[sflag:s15] =	ssyncset.done $0x0  }
0xa5: {  	[sflag:s15] =	ssyncadd.s32 $0xFFFFC000  }
0xa6: {  	[spmem:s1] =	stream.indirect.scatter.add.f32 [tilespmem:s13], [sflag:$0x3], $0x80, s2, s12, $0xb8;
	[tilespmem:$0x1CC00] =	vst v63  }
0xa7: {  	_ =	swait.ge [sflag:s10], $0x4000  }
0xa8: {  	[sflag:s10] =	ssyncset.done $0x0  }
0xa9: {  	[sflag:s10] =	ssyncadd.s32 $0xFFFFC000  }
0xaa: {  	_ =	swait.ge [sflag:s16], $0x4000  }
0xab: {  	[sflag:s16] =	ssyncset.done $0x0  }
0xac: {  	[sflag:s16] =	ssyncadd.s32 $0xFFFFC000  }
0xad: {  	[spmem:s1] =	stream.indirect.scatter.add.f32 [tilespmem:s14], [sflag:$0x3], $0x80, s5, s12, $0xb8;
	[tilespmem:$0x1CC00] =	vst v63  }
0xae: {  	s6 =	simm.s32 $0x200;
	_ =	swait.ge [sflag:s10], $0x4000  }
0xaf: {  	s8 =	simm.s32 $0x100;
	s9 =	rddreg [dreg:$0x4];
	[sflag:s10] =	ssyncset.done $0x0  }
.LBB2_2:
0xb0: {  	[sflag:s10] =	ssyncadd.s32 $0xFFFFC000;
	s9 =	sadd.s32 s8, s9  }
0xb1: {  	[tilespmem:s3], [sflag:$0x3] =	stream.linear.gather [hbm4b:s9+s3], $0x800, $0x38;
	[tilespmem:$0x1CC00] =	vst v63  }
0xb2: {  	_ =	swait.ge [sflag:s10], $0x800  }
0xb3: {  	s9 =	rddreg [dreg:$0x3];
	[sflag:s10] =	ssyncset.done $0x0  }
0xb4: {  	[sflag:s10] =	ssyncadd.s32 $0xFFFFF800;
	s9 =	sadd.s32 s8, s9  }
0xb5: {  	[tilespmem:s11], [sflag:$0x3] =	stream.linear.gather [hbm4b:s9+s3], $0x800, $0x38;
	[tilespmem:$0x1CC00] =	vst v63  }
0xb6: {  	_ =	swait.ge [sflag:s10], $0x800  }
0xb7: {  	[sflag:s10] =	ssyncset.done $0x0  }
0xb8: {  	[sflag:s10] =	ssyncadd.s32 $0xFFFFF800  }
0xb9: {  	[tilespmem:s13], [sflag:$0x1] =	stream.indirect.gather [hbm4b:s4+s12], $0x80, s3, s12, $0xb8;
	[tilespmem:$0x1CC00] =	vst v63  }
0xba: {  	_ = 	snop  }
0xbb: {  	[tilespmem:s14], [sflag:$0x2] =	stream.indirect.gather [hbm4b:s4+s12], $0x80, s12, s12, $0xb8;
	[tilespmem:$0x1CC00] =	vst v63  }
0xbc: {  	_ =	swait.ge [sflag:s15], $0x4000  }
0xbd: {  	[sflag:s15] =	ssyncset.done $0x0  }
0xbe: {  	[sflag:s15] =	ssyncadd.s32 $0xFFFFC000  }
0xbf: {  	[spmem:s1] =	stream.indirect.scatter.add.f32 [tilespmem:s13], [sflag:$0x3], $0x80, s11, s12, $0xb8;
	[tilespmem:$0x1CC00] =	vst v63  }
0xc0: {  	_ =	swait.ge [sflag:s10], $0x4000  }
0xc1: {  	[sflag:s10] =	ssyncset.done $0x0  }
0xc2: {  	s9 =	rddreg [dreg:$0x5];
	[sflag:s10] =	ssyncadd.s32 $0xFFFFC000  }
0xc3: {  	[tilespmem:s13], [sflag:$0x1] =	stream.indirect.gather [hbm4b:s4+s12], $0x80, s9, s12, $0xb8;
	[tilespmem:$0x1CC00] =	vst v63  }
0xc4: {  	_ =	swait.ge [sflag:s16], $0x4000  }
0xc5: {  	[sflag:s16] =	ssyncset.done $0x0  }
0xc6: {  	s9 =	rddreg [dreg:$0x6];
	[sflag:s16] =	ssyncadd.s32 $0xFFFFC000  }
0xc7: {  	[spmem:s1] =	stream.indirect.scatter.add.f32 [tilespmem:s14], [sflag:$0x3], $0x80, s9, s12, $0xb8;
	[tilespmem:$0x1CC00] =	vst v63  }
0xc8: {  	_ =	swait.ge [sflag:s10], $0x4000  }
0xc9: {  	[sflag:s10] =	ssyncset.done $0x0  }
0xca: {  	s9 =	rddreg [dreg:$0x7];
	[sflag:s10] =	ssyncadd.s32 $0xFFFFC000  }
0xcb: {  	[tilespmem:s14], [sflag:$0x2] =	stream.indirect.gather [hbm4b:s4+s12], $0x80, s9, s12, $0xb8;
	[tilespmem:$0x1CC00] =	vst v63  }
0xcc: {  	_ =	swait.ge [sflag:s15], $0x4000  }
0xcd: {  	[sflag:s15] =	ssyncset.done $0x0  }
0xce: {  	s9 =	rddreg [dreg:$0x8];
	[sflag:s15] =	ssyncadd.s32 $0xFFFFC000  }
0xcf: {  	[spmem:s1] =	stream.indirect.scatter.add.f32 [tilespmem:s13], [sflag:$0x3], $0x80, s9, s12, $0xb8;
	[tilespmem:$0x1CC00] =	vst v63  }
0xd0: {  	_ =	swait.ge [sflag:s10], $0x4000  }
0xd1: {  	[sflag:s10] =	ssyncset.done $0x0  }
0xd2: {  	s9 =	rddreg [dreg:$0x9];
	[sflag:s10] =	ssyncadd.s32 $0xFFFFC000  }
0xd3: {  	[tilespmem:s13], [sflag:$0x1] =	stream.indirect.gather [hbm4b:s4+s12], $0x80, s9, s12, $0xb8;
	[tilespmem:$0x1CC00] =	vst v63  }
0xd4: {  	_ =	swait.ge [sflag:s16], $0x4000  }
0xd5: {  	[sflag:s16] =	ssyncset.done $0x0  }
0xd6: {  	s9 =	rddreg [dreg:$0xa];
	[sflag:s16] =	ssyncadd.s32 $0xFFFFC000  }
0xd7: {  	[spmem:s1] =	stream.indirect.scatter.add.f32 [tilespmem:s14], [sflag:$0x3], $0x80, s9, s12, $0xb8;
	[tilespmem:$0x1CC00] =	vst v63  }
0xd8: {  	_ =	swait.ge [sflag:s10], $0x4000  }
0xd9: {  	[sflag:s10] =	ssyncset.done $0x0  }
0xda: {  	s9 =	rddreg [dreg:$0xb];
	[sflag:s10] =	ssyncadd.s32 $0xFFFFC000  }
0xdb: {  	[tilespmem:s14], [sflag:$0x2] =	stream.indirect.gather [hbm4b:s4+s12], $0x80, s9, s12, $0xb8;
	[tilespmem:$0x1CC00] =	vst v63  }
0xdc: {  	_ =	swait.ge [sflag:s15], $0x4000  }
0xdd: {  	[sflag:s15] =	ssyncset.done $0x0  }
0xde: {  	s9 =	rddreg [dreg:$0xc];
	[sflag:s15] =	ssyncadd.s32 $0xFFFFC000  }
0xdf: {  	[spmem:s1] =	stream.indirect.scatter.add.f32 [tilespmem:s13], [sflag:$0x3], $0x80, s9, s12, $0xb8;
	[tilespmem:$0x1CC00] =	vst v63  }
0xe0: {  	_ =	swait.ge [sflag:s10], $0x4000  }
0xe1: {  	[sflag:s10] =	ssyncset.done $0x0  }
0xe2: {  	s9 =	rddreg [dreg:$0xd];
	[sflag:s10] =	ssyncadd.s32 $0xFFFFC000  }
0xe3: {  	[tilespmem:s13], [sflag:$0x1] =	stream.indirect.gather [hbm4b:s4+s12], $0x80, s9, s12, $0xb8;
	[tilespmem:$0x1CC00] =	vst v63  }
0xe4: {  	_ =	swait.ge [sflag:s16], $0x4000  }
0xe5: {  	[sflag:s16] =	ssyncset.done $0x0  }
0xe6: {  	s9 =	rddreg [dreg:$0xe];
	[sflag:s16] =	ssyncadd.s32 $0xFFFFC000  }
0xe7: {  	[spmem:s1] =	stream.indirect.scatter.add.f32 [tilespmem:s14], [sflag:$0x3], $0x80, s9, s12, $0xb8;
	[tilespmem:$0x1CC00] =	vst v63  }
0xe8: {  	_ =	swait.ge [sflag:s10], $0x4000  }
0xe9: {  	[sflag:s10] =	ssyncset.done $0x0  }
0xea: {  	s9 =	rddreg [dreg:$0xf];
	[sflag:s10] =	ssyncadd.s32 $0xFFFFC000  }
0xeb: {  	[tilespmem:s14], [sflag:$0x2] =	stream.indirect.gather [hbm4b:s4+s12], $0x80, s9, s12, $0xb8;
	[tilespmem:$0x1CC00] =	vst v63  }
0xec: {  	_ =	swait.ge [sflag:s15], $0x4000  }
0xed: {  	[sflag:s15] =	ssyncset.done $0x0  }
0xee: {  	s9 =	rddreg [dreg:$0x10];
	[sflag:s15] =	ssyncadd.s32 $0xFFFFC000  }
0xef: {  	[spmem:s1] =	stream.indirect.scatter.add.f32 [tilespmem:s13], [sflag:$0x3], $0x80, s9, s12, $0xb8;
	[tilespmem:$0x1CC00] =	vst v63  }
0xf0: {  	_ =	swait.ge [sflag:s10], $0x4000  }
0xf1: {  	[sflag:s10] =	ssyncset.done $0x0  }
0xf2: {  	[sflag:s10] =	ssyncadd.s32 $0xFFFFC000  }
0xf3: {  	[tilespmem:s13], [sflag:$0x1] =	stream.indirect.gather [hbm4b:s4+s12], $0x80, s17, s12, $0xb8;
	[tilespmem:$0x1CC00] =	vst v63  }
0xf4: {  	_ =	swait.ge [sflag:s16], $0x4000  }
0xf5: {  	[sflag:s16] =	ssyncset.done $0x0  }
0xf6: {  	[sflag:s16] =	ssyncadd.s32 $0xFFFFC000  }
0xf7: {  	[spmem:s1] =	stream.indirect.scatter.add.f32 [tilespmem:s14], [sflag:$0x3], $0x80, s18, s12, $0xb8;
	[tilespmem:$0x1CC00] =	vst v63  }
0xf8: {  	_ =	swait.ge [sflag:s10], $0x4000  }
0xf9: {  	[sflag:s10] =	ssyncset.done $0x0  }
0xfa: {  	[sflag:s10] =	ssyncadd.s32 $0xFFFFC000  }
0xfb: {  	[tilespmem:s14], [sflag:$0x2] =	stream.indirect.gather [hbm4b:s4+s12], $0x80, s19, s12, $0xb8;
	[tilespmem:$0x1CC00] =	vst v63  }
0xfc: {  	_ =	swait.ge [sflag:s15], $0x4000  }
0xfd: {  	[sflag:s15] =	ssyncset.done $0x0  }
0xfe: {  	[sflag:s15] =	ssyncadd.s32 $0xFFFFC000  }
0xff: {  	[spmem:s1] =	stream.indirect.scatter.add.f32 [tilespmem:s13], [sflag:$0x3], $0x80, s20, s12, $0xb8;
	[tilespmem:$0x1CC00] =	vst v63  }
0x100: {  	_ =	swait.ge [sflag:s10], $0x4000  }
0x101: {  	[sflag:s10] =	ssyncset.done $0x0  }
0x102: {  	[sflag:s10] =	ssyncadd.s32 $0xFFFFC000  }
0x103: {  	[tilespmem:s13], [sflag:$0x1] =	stream.indirect.gather [hbm4b:s4+s12], $0x80, s21, s12, $0xb8;
	[tilespmem:$0x1CC00] =	vst v63  }
0x104: {  	_ =	swait.ge [sflag:s16], $0x4000  }
0x105: {  	[sflag:s16] =	ssyncset.done $0x0  }
0x106: {  	[sflag:s16] =	ssyncadd.s32 $0xFFFFC000  }
0x107: {  	[spmem:s1] =	stream.indirect.scatter.add.f32 [tilespmem:s14], [sflag:$0x3], $0x80, s22, s12, $0xb8;
	[tilespmem:$0x1CC00] =	vst v63  }
0x108: {  	_ =	swait.ge [sflag:s10], $0x4000  }
0x109: {  	[sflag:s10] =	ssyncset.done $0x0  }
0x10a: {  	[sflag:s10] =	ssyncadd.s32 $0xFFFFC000  }
0x10b: {  	[tilespmem:s14], [sflag:$0x2] =	stream.indirect.gather [hbm4b:s4+s12], $0x80, s23, s12, $0xb8;
	[tilespmem:$0x1CC00] =	vst v63  }
0x10c: {  	_ =	swait.ge [sflag:s15], $0x4000  }
0x10d: {  	[sflag:s15] =	ssyncset.done $0x0  }
0x10e: {  	[sflag:s15] =	ssyncadd.s32 $0xFFFFC000  }
0x10f: {  	[spmem:s1] =	stream.indirect.scatter.add.f32 [tilespmem:s13], [sflag:$0x3], $0x80, s24, s12, $0xb8;
	[tilespmem:$0x1CC00] =	vst v63  }
0x110: {  	_ =	swait.ge [sflag:s10], $0x4000  }
0x111: {  	[sflag:s10] =	ssyncset.done $0x0  }
0x112: {  	[sflag:s10] =	ssyncadd.s32 $0xFFFFC000  }
0x113: {  	[tilespmem:s13], [sflag:$0x1] =	stream.indirect.gather [hbm4b:s4+s12], $0x80, s25, s12, $0xb8;
	[tilespmem:$0x1CC00] =	vst v63  }
0x114: {  	_ =	swait.ge [sflag:s16], $0x4000  }
0x115: {  	[sflag:s16] =	ssyncset.done $0x0  }
0x116: {  	[sflag:s16] =	ssyncadd.s32 $0xFFFFC000  }
0x117: {  	[spmem:s1] =	stream.indirect.scatter.add.f32 [tilespmem:s14], [sflag:$0x3], $0x80, s26, s12, $0xb8;
	[tilespmem:$0x1CC00] =	vst v63  }
0x118: {  	_ =	swait.ge [sflag:s10], $0x4000  }
0x119: {  	[sflag:s10] =	ssyncset.done $0x0  }
0x11a: {  	[sflag:s10] =	ssyncadd.s32 $0xFFFFC000  }
0x11b: {  	[tilespmem:s14], [sflag:$0x2] =	stream.indirect.gather [hbm4b:s4+s12], $0x80, s28, s12, $0xb8;
	[tilespmem:$0x1CC00] =	vst v63  }
0x11c: {  	_ =	swait.ge [sflag:s15], $0x4000  }
0x11d: {  	[sflag:s15] =	ssyncset.done $0x0  }
0x11e: {  	[sflag:s15] =	ssyncadd.s32 $0xFFFFC000  }
0x11f: {  	[spmem:s1] =	stream.indirect.scatter.add.f32 [tilespmem:s13], [sflag:$0x3], $0x80, s29, s12, $0xb8;
	[tilespmem:$0x1CC00] =	vst v63  }
0x120: {  	_ =	swait.ge [sflag:s10], $0x4000  }
0x121: {  	[sflag:s10] =	ssyncset.done $0x0  }
0x122: {  	[sflag:s10] =	ssyncadd.s32 $0xFFFFC000  }
0x123: {  	[tilespmem:s13], [sflag:$0x1] =	stream.indirect.gather [hbm4b:s4+s12], $0x80, s30, s12, $0xb8;
	[tilespmem:$0x1CC00] =	vst v63  }
0x124: {  	_ =	swait.ge [sflag:s16], $0x4000  }
0x125: {  	[sflag:s16] =	ssyncset.done $0x0  }
0x126: {  	[sflag:s16] =	ssyncadd.s32 $0xFFFFC000  }
0x127: {  	[spmem:s1] =	stream.indirect.scatter.add.f32 [tilespmem:s14], [sflag:$0x3], $0x80, s31, s12, $0xb8;
	[tilespmem:$0x1CC00] =	vst v63  }
0x128: {  	_ =	swait.ge [sflag:s10], $0x4000  }
0x129: {  	[sflag:s10] =	ssyncset.done $0x0  }
0x12a: {  	[sflag:s10] =	ssyncadd.s32 $0xFFFFC000  }
0x12b: {  	[tilespmem:s14], [sflag:$0x2] =	stream.indirect.gather [hbm4b:s4+s12], $0x80, s0, s12, $0xb8;
	[tilespmem:$0x1CC00] =	vst v63  }
0x12c: {  	_ =	swait.ge [sflag:s15], $0x4000  }
0x12d: {  	[sflag:s15] =	ssyncset.done $0x0  }
0x12e: {  	[sflag:s15] =	ssyncadd.s32 $0xFFFFC000  }
0x12f: {  	[spmem:s1] =	stream.indirect.scatter.add.f32 [tilespmem:s13], [sflag:$0x3], $0x80, s2, s12, $0xb8;
	[tilespmem:$0x1CC00] =	vst v63  }
0x130: {  	_ =	swait.ge [sflag:s10], $0x4000  }
0x131: {  	[sflag:s10] =	ssyncset.done $0x0  }
0x132: {  	[sflag:s10] =	ssyncadd.s32 $0xFFFFC000  }
0x133: {  	p0 =	sne.s32 s6, $0x900;
	_ =	swait.ge [sflag:s16], $0x4000  }
.Ltmp0:
0x134: {  	[sflag:s16] =	ssyncset.done $0x0;
	(pc) =	sbr.rel @p0 .LBB2_2-.Ltmp0, $4  }
0x135: {  	[sflag:s16] =	ssyncadd.s32 $0xFFFFC000  }
0x136: {  	[spmem:s1] =	stream.indirect.scatter.add.f32 [tilespmem:s14], [sflag:$0x3], $0x80, s5, s12, $0xb8;
	[tilespmem:$0x1CC00] =	vst v63  }
0x137: {  	s7 =	smov.u32 s6;
	s6 =	sadd.s32 $0x100, s6;
	_ =	swait.ge [sflag:s10], $0x4000  }
0x138: {  	s8 =	smov.u32 s7;
	s9 =	rddreg [dreg:$0x4];
	[sflag:s10] =	ssyncset.done $0x0  }
0x139: {  	[sflag:s10] =	ssyncadd.s32 $0xFFFFC000;
	s6 =	sadd.s32 s8, s9  }
0x13a: {  	[tilespmem:s3], [sflag:$0x3] =	stream.linear.gather [hbm4b:s6+s3], $0x800, $0x38;
	[tilespmem:$0x1CC00] =	vst v63  }
0x13b: {  	_ =	swait.ge [sflag:s10], $0x800  }
0x13c: {  	s7 =	rddreg [dreg:$0x3];
	[sflag:s10] =	ssyncset.done $0x0  }
0x13d: {  	s6 =	sadd.s32 s8, s7;
	[sflag:s10] =	ssyncadd.s32 $0xFFFFF800  }
0x13e: {  	[tilespmem:s11], [sflag:$0x3] =	stream.linear.gather [hbm4b:s6+s3], $0x800, $0x38;
	[tilespmem:$0x1CC00] =	vst v63  }
0x13f: {  	_ =	swait.ge [sflag:s10], $0x800  }
0x140: {  	[sflag:s10] =	ssyncset.done $0x0  }
0x141: {  	[sflag:s10] =	ssyncadd.s32 $0xFFFFF800  }
0x142: {  	[tilespmem:s13], [sflag:$0x1] =	stream.indirect.gather [hbm4b:s4+s12], $0x80, s3, s12, $0xb8;
	[tilespmem:$0x1CC00] =	vst v63  }
0x143: {  	_ = 	snop  }
0x144: {  	[tilespmem:s14], [sflag:$0x2] =	stream.indirect.gather [hbm4b:s4+s12], $0x80, s12, s12, $0xb8;
	[tilespmem:$0x1CC00] =	vst v63  }
0x145: {  	_ =	swait.ge [sflag:s15], $0x4000  }
0x146: {  	[sflag:s15] =	ssyncset.done $0x0  }
0x147: {  	[sflag:s15] =	ssyncadd.s32 $0xFFFFC000  }
0x148: {  	[spmem:s1] =	stream.indirect.scatter.add.f32 [tilespmem:s13], [sflag:$0x3], $0x80, s11, s12, $0xb8;
	[tilespmem:$0x1CC00] =	vst v63  }
0x149: {  	_ =	swait.ge [sflag:s10], $0x4000  }
0x14a: {  	[sflag:s10] =	ssyncset.done $0x0  }
0x14b: {  	s9 =	rddreg [dreg:$0x5];
	[sflag:s10] =	ssyncadd.s32 $0xFFFFC000  }
0x14c: {  	[tilespmem:s13], [sflag:$0x1] =	stream.indirect.gather [hbm4b:s4+s12], $0x80, s9, s12, $0xb8;
	[tilespmem:$0x1CC00] =	vst v63  }
0x14d: {  	_ =	swait.ge [sflag:s16], $0x4000  }
0x14e: {  	[sflag:s16] =	ssyncset.done $0x0  }
0x14f: {  	s7 =	rddreg [dreg:$0x6];
	[sflag:s16] =	ssyncadd.s32 $0xFFFFC000  }
0x150: {  	[spmem:s1] =	stream.indirect.scatter.add.f32 [tilespmem:s14], [sflag:$0x3], $0x80, s7, s12, $0xb8;
	[tilespmem:$0x1CC00] =	vst v63  }
0x151: {  	_ =	swait.ge [sflag:s10], $0x4000  }
0x152: {  	[sflag:s10] =	ssyncset.done $0x0  }
0x153: {  	s8 =	rddreg [dreg:$0x7];
	[sflag:s10] =	ssyncadd.s32 $0xFFFFC000  }
0x154: {  	[tilespmem:s14], [sflag:$0x2] =	stream.indirect.gather [hbm4b:s4+s12], $0x80, s8, s12, $0xb8;
	[tilespmem:$0x1CC00] =	vst v63  }
0x155: {  	_ =	swait.ge [sflag:s15], $0x4000  }
0x156: {  	[sflag:s15] =	ssyncset.done $0x0  }
0x157: {  	s9 =	rddreg [dreg:$0x8];
	[sflag:s15] =	ssyncadd.s32 $0xFFFFC000  }
0x158: {  	[spmem:s1] =	stream.indirect.scatter.add.f32 [tilespmem:s13], [sflag:$0x3], $0x80, s9, s12, $0xb8;
	[tilespmem:$0x1CC00] =	vst v63  }
0x159: {  	_ =	swait.ge [sflag:s10], $0x4000  }
0x15a: {  	[sflag:s10] =	ssyncset.done $0x0  }
0x15b: {  	s7 =	rddreg [dreg:$0x9];
	[sflag:s10] =	ssyncadd.s32 $0xFFFFC000  }
0x15c: {  	[tilespmem:s13], [sflag:$0x1] =	stream.indirect.gather [hbm4b:s4+s12], $0x80, s7, s12, $0xb8;
	[tilespmem:$0x1CC00] =	vst v63  }
0x15d: {  	_ =	swait.ge [sflag:s16], $0x4000  }
0x15e: {  	[sflag:s16] =	ssyncset.done $0x0  }
0x15f: {  	s8 =	rddreg [dreg:$0xa];
	[sflag:s16] =	ssyncadd.s32 $0xFFFFC000  }
0x160: {  	[spmem:s1] =	stream.indirect.scatter.add.f32 [tilespmem:s14], [sflag:$0x3], $0x80, s8, s12, $0xb8;
	[tilespmem:$0x1CC00] =	vst v63  }
0x161: {  	_ =	swait.ge [sflag:s10], $0x4000  }
0x162: {  	[sflag:s10] =	ssyncset.done $0x0  }
0x163: {  	s9 =	rddreg [dreg:$0xb];
	[sflag:s10] =	ssyncadd.s32 $0xFFFFC000  }
0x164: {  	[tilespmem:s14], [sflag:$0x2] =	stream.indirect.gather [hbm4b:s4+s12], $0x80, s9, s12, $0xb8;
	[tilespmem:$0x1CC00] =	vst v63  }
0x165: {  	_ =	swait.ge [sflag:s15], $0x4000  }
0x166: {  	[sflag:s15] =	ssyncset.done $0x0  }
0x167: {  	s7 =	rddreg [dreg:$0xc];
	[sflag:s15] =	ssyncadd.s32 $0xFFFFC000  }
0x168: {  	[spmem:s1] =	stream.indirect.scatter.add.f32 [tilespmem:s13], [sflag:$0x3], $0x80, s7, s12, $0xb8;
	[tilespmem:$0x1CC00] =	vst v63  }
0x169: {  	_ =	swait.ge [sflag:s10], $0x4000  }
0x16a: {  	[sflag:s10] =	ssyncset.done $0x0  }
0x16b: {  	s8 =	rddreg [dreg:$0xd];
	[sflag:s10] =	ssyncadd.s32 $0xFFFFC000  }
0x16c: {  	[tilespmem:s13], [sflag:$0x1] =	stream.indirect.gather [hbm4b:s4+s12], $0x80, s8, s12, $0xb8;
	[tilespmem:$0x1CC00] =	vst v63  }
0x16d: {  	_ =	swait.ge [sflag:s16], $0x4000  }
0x16e: {  	[sflag:s16] =	ssyncset.done $0x0  }
0x16f: {  	s9 =	rddreg [dreg:$0xe];
	[sflag:s16] =	ssyncadd.s32 $0xFFFFC000  }
0x170: {  	[spmem:s1] =	stream.indirect.scatter.add.f32 [tilespmem:s14], [sflag:$0x3], $0x80, s9, s12, $0xb8;
	[tilespmem:$0x1CC00] =	vst v63  }
0x171: {  	_ =	swait.ge [sflag:s10], $0x4000  }
0x172: {  	[sflag:s10] =	ssyncset.done $0x0  }
0x173: {  	s7 =	rddreg [dreg:$0xf];
	[sflag:s10] =	ssyncadd.s32 $0xFFFFC000  }
0x174: {  	[tilespmem:s14], [sflag:$0x2] =	stream.indirect.gather [hbm4b:s4+s12], $0x80, s7, s12, $0xb8;
	[tilespmem:$0x1CC00] =	vst v63  }
0x175: {  	_ =	swait.ge [sflag:s15], $0x4000  }
0x176: {  	[sflag:s15] =	ssyncset.done $0x0  }
0x177: {  	s8 =	rddreg [dreg:$0x10];
	[sflag:s15] =	ssyncadd.s32 $0xFFFFC000  }
0x178: {  	[spmem:s1] =	stream.indirect.scatter.add.f32 [tilespmem:s13], [sflag:$0x3], $0x80, s8, s12, $0xb8;
	[tilespmem:$0x1CC00] =	vst v63  }
0x179: {  	_ =	swait.ge [sflag:s10], $0x4000  }
0x17a: {  	[sflag:s10] =	ssyncset.done $0x0  }
0x17b: {  	[sflag:s10] =	ssyncadd.s32 $0xFFFFC000  }
0x17c: {  	[tilespmem:s13], [sflag:$0x1] =	stream.indirect.gather [hbm4b:s4+s12], $0x80, s17, s12, $0xb8;
	[tilespmem:$0x1CC00] =	vst v63  }
0x17d: {  	_ =	swait.ge [sflag:s16], $0x4000  }
0x17e: {  	[sflag:s16] =	ssyncset.done $0x0  }
0x17f: {  	[sflag:s16] =	ssyncadd.s32 $0xFFFFC000  }
0x180: {  	[spmem:s1] =	stream.indirect.scatter.add.f32 [tilespmem:s14], [sflag:$0x3], $0x80, s18, s12, $0xb8;
	[tilespmem:$0x1CC00] =	vst v63  }
0x181: {  	_ =	swait.ge [sflag:s10], $0x4000  }
0x182: {  	[sflag:s10] =	ssyncset.done $0x0  }
0x183: {  	[sflag:s10] =	ssyncadd.s32 $0xFFFFC000  }
0x184: {  	[tilespmem:s14], [sflag:$0x2] =	stream.indirect.gather [hbm4b:s4+s12], $0x80, s19, s12, $0xb8;
	[tilespmem:$0x1CC00] =	vst v63  }
0x185: {  	_ =	swait.ge [sflag:s15], $0x4000  }
0x186: {  	[sflag:s15] =	ssyncset.done $0x0  }
0x187: {  	[sflag:s15] =	ssyncadd.s32 $0xFFFFC000  }
0x188: {  	[spmem:s1] =	stream.indirect.scatter.add.f32 [tilespmem:s13], [sflag:$0x3], $0x80, s20, s12, $0xb8;
	[tilespmem:$0x1CC00] =	vst v63  }
0x189: {  	_ =	swait.ge [sflag:s10], $0x4000  }
0x18a: {  	[sflag:s10] =	ssyncset.done $0x0  }
0x18b: {  	[sflag:s10] =	ssyncadd.s32 $0xFFFFC000  }
0x18c: {  	[tilespmem:s13], [sflag:$0x1] =	stream.indirect.gather [hbm4b:s4+s12], $0x80, s21, s12, $0xb8;
	[tilespmem:$0x1CC00] =	vst v63  }
0x18d: {  	_ =	swait.ge [sflag:s16], $0x4000  }
0x18e: {  	[sflag:s16] =	ssyncset.done $0x0  }
0x18f: {  	[sflag:s16] =	ssyncadd.s32 $0xFFFFC000  }
0x190: {  	[spmem:s1] =	stream.indirect.scatter.add.f32 [tilespmem:s14], [sflag:$0x3], $0x80, s22, s12, $0xb8;
	[tilespmem:$0x1CC00] =	vst v63  }
0x191: {  	_ =	swait.ge [sflag:s10], $0x4000  }
0x192: {  	[sflag:s10] =	ssyncset.done $0x0  }
0x193: {  	[sflag:s10] =	ssyncadd.s32 $0xFFFFC000  }
0x194: {  	[tilespmem:s14], [sflag:$0x2] =	stream.indirect.gather [hbm4b:s4+s12], $0x80, s23, s12, $0xb8;
	[tilespmem:$0x1CC00] =	vst v63  }
0x195: {  	_ =	swait.ge [sflag:s15], $0x4000  }
0x196: {  	[sflag:s15] =	ssyncset.done $0x0  }
0x197: {  	[sflag:s15] =	ssyncadd.s32 $0xFFFFC000  }
0x198: {  	[spmem:s1] =	stream.indirect.scatter.add.f32 [tilespmem:s13], [sflag:$0x3], $0x80, s24, s12, $0xb8;
	[tilespmem:$0x1CC00] =	vst v63  }
0x199: {  	_ =	swait.ge [sflag:s10], $0x4000  }
0x19a: {  	[sflag:s10] =	ssyncset.done $0x0  }
0x19b: {  	[sflag:s10] =	ssyncadd.s32 $0xFFFFC000  }
0x19c: {  	[tilespmem:s13], [sflag:$0x1] =	stream.indirect.gather [hbm4b:s4+s12], $0x80, s25, s12, $0xb8;
	[tilespmem:$0x1CC00] =	vst v63  }
0x19d: {  	_ =	swait.ge [sflag:s16], $0x4000  }
0x19e: {  	[sflag:s16] =	ssyncset.done $0x0  }
0x19f: {  	[sflag:s16] =	ssyncadd.s32 $0xFFFFC000  }
0x1a0: {  	[spmem:s1] =	stream.indirect.scatter.add.f32 [tilespmem:s14], [sflag:$0x3], $0x80, s26, s12, $0xb8;
	[tilespmem:$0x1CC00] =	vst v63  }
0x1a1: {  	_ =	swait.ge [sflag:s10], $0x4000  }
0x1a2: {  	[sflag:s10] =	ssyncset.done $0x0  }
0x1a3: {  	[sflag:s10] =	ssyncadd.s32 $0xFFFFC000  }
0x1a4: {  	[tilespmem:s14], [sflag:$0x2] =	stream.indirect.gather [hbm4b:s4+s12], $0x80, s28, s12, $0xb8;
	[tilespmem:$0x1CC00] =	vst v63  }
0x1a5: {  	_ =	swait.ge [sflag:s15], $0x4000  }
0x1a6: {  	[sflag:s15] =	ssyncset.done $0x0  }
0x1a7: {  	[sflag:s15] =	ssyncadd.s32 $0xFFFFC000  }
0x1a8: {  	[spmem:s1] =	stream.indirect.scatter.add.f32 [tilespmem:s13], [sflag:$0x3], $0x80, s29, s12, $0xb8;
	[tilespmem:$0x1CC00] =	vst v63  }
0x1a9: {  	_ =	swait.ge [sflag:s10], $0x4000  }
0x1aa: {  	[sflag:s10] =	ssyncset.done $0x0  }
0x1ab: {  	[sflag:s10] =	ssyncadd.s32 $0xFFFFC000  }
0x1ac: {  	[tilespmem:s13], [sflag:$0x1] =	stream.indirect.gather [hbm4b:s4+s12], $0x80, s30, s12, $0xb8;
	[tilespmem:$0x1CC00] =	vst v63  }
0x1ad: {  	_ =	swait.ge [sflag:s16], $0x4000  }
0x1ae: {  	[sflag:s16] =	ssyncset.done $0x0  }
0x1af: {  	[sflag:s16] =	ssyncadd.s32 $0xFFFFC000  }
0x1b0: {  	[spmem:s1] =	stream.indirect.scatter.add.f32 [tilespmem:s14], [sflag:$0x3], $0x80, s31, s12, $0xb8;
	[tilespmem:$0x1CC00] =	vst v63  }
0x1b1: {  	_ =	swait.ge [sflag:s10], $0x4000  }
0x1b2: {  	[sflag:s10] =	ssyncset.done $0x0  }
0x1b3: {  	[sflag:s10] =	ssyncadd.s32 $0xFFFFC000  }
0x1b4: {  	[tilespmem:s14], [sflag:$0x2] =	stream.indirect.gather [hbm4b:s4+s12], $0x80, s0, s12, $0xb8;
	[tilespmem:$0x1CC00] =	vst v63  }
0x1b5: {  	_ =	swait.ge [sflag:s15], $0x4000  }
0x1b6: {  	[sflag:s15] =	ssyncset.done $0x0  }
0x1b7: {  	[sflag:s15] =	ssyncadd.s32 $0xFFFFC000  }
0x1b8: {  	[spmem:s1] =	stream.indirect.scatter.add.f32 [tilespmem:s13], [sflag:$0x3], $0x80, s2, s12, $0xb8;
	[tilespmem:$0x1CC00] =	vst v63  }
0x1b9: {  	_ =	swait.ge [sflag:s10], $0x4000  }
0x1ba: {  	[sflag:s10] =	ssyncset.done $0x0  }
0x1bb: {  	[sflag:s10] =	ssyncadd.s32 $0xFFFFC000  }
0x1bc: {  	_ =	swait.ge [sflag:s16], $0x4000  }
0x1bd: {  	[sflag:s16] =	ssyncset.done $0x0  }
0x1be: {  	[sflag:s16] =	ssyncadd.s32 $0xFFFFC000  }
0x1bf: {  	[spmem:s1] =	stream.indirect.scatter.add.f32 [tilespmem:s14], [sflag:$0x3], $0x80, s5, s12, $0xb8;
	[tilespmem:$0x1CC00] =	vst v63  }
0x1c0: {  	_ =	swait.ge [sflag:s10], $0x4000  }
0x1c1: {  	[sflag:s10] =	ssyncset.done $0x0  }
0x1c2: {  	[sflag:s10] =	ssyncadd.s32 $0xFFFFC000  }
0x1c3: {  	[bflag:$0x0] =	sbarrier.arrive $0xFFFF  }
0x1c4: {  	s8 =	rddreg [dreg:$0x12]  }
0x1c5: {  	s9 =	rddreg [dreg:$0x14]  }
0x1c6: {  	s7 =	rddreg [dreg:$0x15]  }
0x1c7: {  	[hbm:s9], [sflag:s8] =	dma.local [spmem:s7], $0x2780  }
0x1c8: {  	_ =	swait.ge [sflag:s10], $0x2780  }
0x1c9: {  	s6 =	rddreg [dreg:$0x16]  }
0x1ca: {  	s9 =	sadd.s32 $0x1, s6;
	s6 =	rddreg [dreg:$0x13]  }
0x1cb: {  	p0 =	sne.s32 s9, s6  }
.Ltmp1:
0x1cc: {  	_ = 	snop;
	(pc) =	sbr.rel @p0 .LBB2_1-.Ltmp1, $3  }
0x1cd: {  	_ =	sdelay $0x1  }
0x1ce: {  	[sflag:s10] =	ssyncset.done $0x0  }
0x1cf: {  	[sflag:s10] =	ssyncadd.s32 $0xFFFFD880  }
0x1d0: {  	_ =	sfence.sel $0x180000  }
0x1d1: {  	[bflag:$0x0] =	sbarrier.arrive $0xFFFF  }
0x1d2: {  	_ =	strace $0x9000004D  }
0x1d3: {  	s0 =	stileid.u32;
	[bflag:$0x2] =	sbarrier.arrive $0xFFFF  }
0x1d4: {  	p0 =	sne.s32 s0, $0x0;
	s0 =	rddreg [dreg:$0x2]  }
0x1d5: {  	s0 =	sadd.s32 @!p0 $0x100000, s0  }
0x1d6: {  	[sflag:s0] =	ssyncadd.tile.s32 @!p0 $0x1;
	_ =	shalt  }
.Lfunc_end2:
_tile_overlayer_lowered:
.L_overlay_start_2:
0x1d7: {  	(tag) =	ssettag $0x2  }
0x1d8: {  	s0 =	rddreg [dreg:$0x0];
	s2 =	stileid.u32  }
0x1d9: {  	s1 =	rddreg [dreg:$0x1];
	p0 =	sne.s32 s2, $0x0  }
0x1da: {  	s3 =	rddreg [dreg:$0x2];
	[bflag:$0x3] =	sbarrier.arrive $0xFFFF;
	s2 =	simm.s32 @!p0 $0x1C03  }
0x1db: {  	[timem:s3], [sflag:s2] =	dma.local @!p0 [hbm:s0], s1  }
0x1dc: {  	s0 =	simm.s32 @!p0 $0x3  }
0x1dd: {  	_ =	swait.ge @!p0 [sflag:s0], s1  }
0x1de: {  	s1 =	ssub.s32 @!p0 $0x0, s1;
	[sflag:s0] =	ssyncset.done @!p0 $0x0  }
0x1df: {  	[sflag:s0] =	ssyncadd.s32 @!p0 s1  }
0x1e0: {  	[bflag:$0x3] =	sbarrier.arrive $0xFFFF  }
0x1e1: {  	_ =	shalt  }

// kernel: kernel.19.cloned.1.call-start
scs
__scs_entry_jumppad:
0x0: {  	(pc) =	sbr.rel $0x88, $3  }
0x1: {  	(tag) =	ssettag $0x0;
	lr =	simm.s32 $0x1  }
0x2: {  	[smem:$0x3F99] =	sst lr;
	_ =	strace $0xD0000000  }
0x3: {  	_ = 	snop  }
0x4: {  	_ = 	snop  }
0x5: {  	_ = 	snop  }
0x6: {  	_ = 	snop  }
0x7: {  	_ = 	snop  }
__scs_overlays_trampoline_lowered:
0x8: {  	[smem:$0x3FA8] =	sst s0  }
0x9: {  	[smem:$0x3FA9] =	sst s1  }
0xa: {  	[smem:$0x3FAA] =	sst s2  }
0xb: {  	[smem:$0x3FAB] =	sst s3  }
0xc: {  	[smem:$0x3FAC] =	sst s4  }
0xd: {  	[smem:$0x3FAD] =	sst s5  }
0xe: {  	[smem:$0x3FAE] =	sst s6  }
0xf: {  	[smem:$0x3FAF] =	sst s7  }
0x10: {  	[smem:$0x3FB0] =	sst s8  }
0x11: {  	[smem:$0x3FB1] =	sst s9;
	s0 =	simm.s32 @!p0 $0x0  }
0x12: {  	s1 =	sld [smem:$0x3F97];
	s0 =	simm.s32 @p0 $0x1  }
0x13: {  	[smem:$0x3FB2] =	sst s0;
	s0 =	simm.s32 @!p1 $0x0  }
0x14: {  	s2 =	sld [smem:$0x3F96];
	s0 =	simm.s32 @p1 $0x1  }
0x15: {  	[smem:$0x3FB3] =	sst s0;
	s0 =	simm.s32 @!p2 $0x0  }
0x16: {  	s3 =	sld [smem:$0x3FDB];
	s0 =	simm.s32 @p2 $0x1  }
0x17: {  	s4 =	simm.s32 $0x1BF5;
	[smem:$0x3FB5] =	sst s0  }
0x18: {  	s0 =	sld [smem:$0x3F98];
	_ =	swait.ge [sflag:s4], $0x0  }
0x19: {  	s7 =	sld [smem:$0x3F99]  }
0x1a: {  	s8 =	sadd.s32 $0xFFFFE003, lr  }
0x1b: {  	s9 =	sadd.s32 $0xFFFFFEF7, lr;
	s5 =	simm.s32 $0xFFFFFFFF;
	p2 =	slt.u32 s8, $0xFFFFF086  }
0x1c: {  	p1 =	slt.u32 s9, $0xF7A;
	s5 =	simm.s32 @!p2 $0x0  }
0x1d: {  	s5 =	simm.s32 @p1 $0x1;
	p0 =	seq.s32 s7, s2  }
0x1e: {  	s7 =	smul.u32 @!p0 $0xF7A, s2;
	p2 =	seq.s32 @!p0 s5, $0x0  }
0x1f: {  	s9 =	smul.u32 $0xF7A, s1;
	s8 =	simm.s32 @!p0 $0x1BF5;
	p2 =	por !p2, p0  }
0x20: {  	[sflag:s8] =	ssyncset.s32 @!p0 $0xFFFFF086;
	s6 =	sadd.s32 @!p0 s3, s7;
	s7 =	simm.s32 @!p0 $0x108  }
0x21: {  	s3 =	sadd.s32 s3, s9;
	s6 =	sadd.s32 @!p0 $0x88, s6;
	s7 =	simm.s32 @p2 $0x1082  }
0x22: {  	[simem:s7], [sflag:s8] =	dma.local @!p0 [hbm:s6], $0xF7A  }
0x23: {  	s9 =	sor.u32 $0xD0000000, s2;
	s6 =	simm.s32 $0x108;
	_ =	swait.ge @!p0 [sflag:s8], $0x0  }
0x24: {  	s3 =	sadd.s32 $0x88, s3;
	s6 =	simm.s32 @!p1 $0x1082;
	[sflag:s4] =	ssyncset.s32 $0xFFFFF086  }
0x25: {  	[simem:s6], [sflag:s4] =	dma.local [hbm:s3], $0xF7A  }
0x26: {  	[smem:$0x3F99] =	sst s1;
	(tag) =	ssettag s2;
	_ =	strace s9  }
0x27: {  	s1 =	sld [smem:$0x3FA9]  }
0x28: {  	s2 =	sld [smem:$0x3FAA]  }
0x29: {  	s4 =	sld [smem:$0x3FAC]  }
0x2a: {  	p0 =	seq.s32 s5, $0x0;
	s5 =	sld [smem:$0x3FAD]  }
0x2b: {  	s6 =	sld [smem:$0x3FAE]  }
0x2c: {  	s7 =	sld [smem:$0x3FAF]  }
0x2d: {  	s3 =	simm.s32 $0x108;
	s8 =	sld [smem:$0x3FB0]  }
0x2e: {  	s3 =	simm.s32 @!p0 $0x1082;
	s9 =	sld [smem:$0x3FB1]  }
0x2f: {  	lr =	sadd.s32 s0, s3;
	s0 =	sld [smem:$0x3FA8]  }
0x30: {  	s3 =	sld [smem:$0x3FAB]  }
0x31: {  	[smem:$0x3FB4] =	sst s10  }
0x32: {  	s10 =	sld [smem:$0x3FB2];
	_ =	sdelay $0x3  }
0x33: {  	p0 =	seq.s32 s10, $0x1;
	s10 =	sld [smem:$0x3FB4];
	_ =	sdelay $0x3  }
0x34: {  	[smem:$0x3FB4] =	sst s10  }
0x35: {  	s10 =	sld [smem:$0x3FB3];
	_ =	sdelay $0x3  }
0x36: {  	p1 =	seq.s32 s10, $0x1;
	s10 =	sld [smem:$0x3FB4];
	_ =	sdelay $0x3  }
0x37: {  	[smem:$0x3FB4] =	sst s10  }
0x38: {  	s10 =	sld [smem:$0x3FB5]  }
0x39: {  	_ = 	snop;
	(pc) =	sbr.ind lr, $3  }
0x3a: {  	_ = 	snop  }
0x3b: {  	_ = 	snop  }
0x3c: {  	p2 =	seq.s32 s10, $0x1;
	s10 =	sld [smem:$0x3FB4]  }
0x3d: {  	_ =	shalt  }
0x3e: {  	_ =	shalt  }
0x3f: {  	_ =	shalt  }
0x40: {  	_ =	shalt  }
0x41: {  	_ =	shalt  }
0x42: {  	_ =	shalt  }
0x43: {  	_ =	shalt  }
0x44: {  	_ =	shalt  }
0x45: {  	_ =	shalt  }
0x46: {  	_ =	shalt  }
0x47: {  	_ =	shalt  }
0x48: {  	_ =	shalt  }
0x49: {  	_ =	shalt  }
0x4a: {  	_ =	shalt  }
0x4b: {  	_ =	shalt  }
0x4c: {  	_ =	shalt  }
0x4d: {  	_ =	shalt  }
0x4e: {  	_ =	shalt  }
0x4f: {  	_ =	shalt  }
0x50: {  	_ =	shalt  }
0x51: {  	_ =	shalt  }
0x52: {  	_ =	shalt  }
0x53: {  	_ =	shalt  }
0x54: {  	_ =	shalt  }
0x55: {  	_ =	shalt  }
0x56: {  	_ =	shalt  }
0x57: {  	_ =	shalt  }
0x58: {  	_ =	shalt  }
0x59: {  	_ =	shalt  }
0x5a: {  	_ =	shalt  }
0x5b: {  	_ =	shalt  }
0x5c: {  	_ =	shalt  }
0x5d: {  	_ =	shalt  }
0x5e: {  	_ =	shalt  }
0x5f: {  	_ =	shalt  }
0x60: {  	_ =	shalt  }
0x61: {  	_ =	shalt  }
0x62: {  	_ =	shalt  }
0x63: {  	_ =	shalt  }
0x64: {  	_ =	shalt  }
0x65: {  	_ =	shalt  }
0x66: {  	_ =	shalt  }
0x67: {  	_ =	shalt  }
0x68: {  	_ =	shalt  }
0x69: {  	_ =	shalt  }
0x6a: {  	_ =	shalt  }
0x6b: {  	_ =	shalt  }
0x6c: {  	_ =	shalt  }
0x6d: {  	_ =	shalt  }
0x6e: {  	_ =	shalt  }
0x6f: {  	_ =	shalt  }
0x70: {  	_ =	shalt  }
0x71: {  	_ =	shalt  }
0x72: {  	_ =	shalt  }
0x73: {  	_ =	shalt  }
0x74: {  	_ =	shalt  }
0x75: {  	_ =	shalt  }
0x76: {  	_ =	shalt  }
0x77: {  	_ =	shalt  }
0x78: {  	_ =	shalt  }
0x79: {  	_ =	shalt  }
0x7a: {  	_ =	shalt  }
0x7b: {  	_ =	shalt  }
0x7c: {  	_ =	shalt  }
0x7d: {  	_ =	shalt  }
0x7e: {  	_ =	shalt  }
0x7f: {  	_ =	shalt  }
0x80: {  	_ =	shalt  }
0x81: {  	_ =	shalt  }
0x82: {  	_ =	shalt  }
0x83: {  	_ =	shalt  }
0x84: {  	_ =	shalt  }
0x85: {  	_ =	shalt  }
0x86: {  	_ =	shalt  }
0x87: {  	_ =	shalt  }
.Lfunc_end0:
.L_simem_size_0:
called_computation.3_lowered:
.L_overlay_start_0:
0x88: {  	s2 =	sld [smem:$0x3FD9]  }
0x89: {  	s3 =	sld [smem:$0x3FFE];
	_ =	sdelay $0x1  }
0x8a: {  	s1 =	srdreg.scid  }
0x8b: {  	s0 =	sand.u32 $0x1, s1  }
0x8c: {  	s16 =	sshll.u32 s0, $0xA;
	s2 =	sadd.s32 s3, s2  }
0x8d: {  	s2 =	sadd.s32 s2, s16  }
0x8e: {  	[smem:$0x3FC0] =	sst s2  }
0x8f: {  	_ = 	snop  }
0x90: {  	(tm) =	ssettm $0x1  }
0x91: {  	s17 =	sld [smem:$0x3FFB];
	_ =	sdelay $0x3  }
0x92: {  	_ =	strace s17  }
0x93: {  	s2 =	sld [smem:$0x3FFC];
	_ =	sdelay $0x3  }
0x94: {  	_ =	strace s2  }
0x95: {  	s2 =	sld [smem:$0x3FFD];
	_ =	sdelay $0x3  }
0x96: {  	_ =	strace s2  }
0x97: {  	_ =	strace $0x8FFFFFFF  }
0x98: {  	s18 =	sld [smem:$0x3FDB];
	_ =	sdelay $0x1  }
0x99: {  	s19 =	simm.s32 $_scs_section_size  }
0x9a: {  	s4 =	simm.s32 $_size__tile_overlayer_lowered;
	s5 =	simm.s32 $_tile_overlayer_lowered  }
0x9b: {  	s22 =	simm.s32 $0x1BFF;
	s21 =	sshll.u32 s5, $0x1;
	s2 =	sadd.s32 s19, s18  }
0x9c: {  	s6 =	simm.s32 $0x0;
	s20 =	sshll.u32 s4, $0x1;
	s4 =	sadd.s32 s21, s2  }
0x9d: {  	[timem:s6], [sflag:s22] =	dma.local [hbm:s4], s20  }
0x9e: {  	_ =	swait.ge [sflag:s22], s20  }
0x9f: {  	s3 =	ssub.s32 $0x0, s20;
	[sflag:s22] =	ssyncset.done $0x0  }
0xa0: {  	[sflag:s22] =	ssyncadd.s32 s3;
	_ =	sdelay $0x1  }
0xa1: {  	s23 =	simm.s32 $0x1B8B  }
0xa2: {  	_ =	swait.ge [sflag:s23], $0x1  }
0xa3: {  	[sflag:s23] =	ssyncset.done $0x0  }
0xa4: {  	s25 =	simm.s32 $0x1B8E;
	s24 =	sld [smem:$0x3FFE];
	[sflag:s23] =	ssyncadd.s32 $0xFFFFFFFF  }
0xa5: {  	s26 =	simm.s32 $execute0_lowered;
	[smem:$0x3FD2] =	sst s25  }
0xa6: {  	s4 =	sshll.u32 s26, $0x1;
	_ =	strace $0x8000004F;
	[dreg:$0x1] =	wrdreg $0xFFFFFFFF  }
0xa7: {  	s28 =	simm.s32 $_size_execute0_lowered;
	s2 =	sadd.s32 s2, s4;
	[dreg:$0x0] =	wrdreg $0x0  }
0xa8: {  	s4 =	sshll.u32 s28, $0x1;
	[dreg:$0x2] =	wrdreg s2  }
0xa9: {  	[dreg:$0x3] =	wrdreg s4  }
0xaa: {  	[dreg:$0x4] =	wrdreg $0xC0  }
0xab: {  	_ =	task [dreg:s6], $0x5FFFF  }
0xac: {  	[dreg:$0x1] =	wrdreg $0xFFFFFFFF  }
0xad: {  	[dreg:$0x0] =	wrdreg $0x60  }
0xae: {  	[dreg:$0x2] =	wrdreg s24  }
0xaf: {  	[dreg:$0x3] =	wrdreg $0x90000  }
0xb0: {  	[dreg:$0x4] =	wrdreg $0x9  }
0xb1: {  	_ =	task.clear_ibuf [dreg:s6], $0x5FFFF;
	_ =	strace $0x9000004F  }
0xb2: {  	s29 =	simm.s32 $0x9;
	_ =	strace $0x80000051  }
0xb3: {  	_ =	swait.ge [sflag:s29], $0x1  }
0xb4: {  	[sflag:s29] =	ssyncadd.s32 $0xFFFFFFFF  }
0xb5: {  	_ =	strace $0x90000051  }
0xb6: {  	_ =	sfence  }
0xb7: {  	s30 =	sld [smem:$0x0];
	_ =	sdelay $0x2  }
0xb8: {  	s31 =	sshll.u32 s1, $0xD;
	s1 =	sshrl.u32 s1, $0x2  }
0xb9: {  	s3 =	sand.u32 $0x4000, s31;
	s1 =	sadd.s32 s1, s30  }
0xba: {  	s0 =	sor.u32 s3, s0;
	s1 =	sshll.u32 s1, $0x11  }
0xbb: {  	s0 =	sor.u32 s1, s0  }
0xbc: {  	s0 =	sadd.s32 $0x8F2B, s0  }
0xbd: {  	[sflag:s0] =	ssyncadd.remote.s32 $0x1  }
0xbe: {  	_ =	sfence.sel $0xFFFF  }
0xbf: {  	[dreg:$0x0] =	wrdreg $0xFFFFFFFF;
	(pc) =	sbr.abs _section_cstart, $3  }
0xc0: {  	[dreg:$0x1] =	wrdreg $0xFFFFFFFF  }
0xc1: {  	_ =	task.clear_ibuf [dreg:s6], $0x2FFFF;
	_ =	strace $0x9FFFFFFF  }
0xc2: {  	(tm) =	ssettm $0x7FFFFFFF  }
0xc3: {  	_ =	shalt  }
tec
execute0_lowered:
.L_overlay_start_1:
0x0: {  	(tag) =	ssettag $0x1  }
0x1: {  	s0 =	rddreg [dreg:$0x0]  }
0x2: {  	s1 =	rddreg [dreg:$0x1];
	s2 =	srdreg.scid;
	s3 =	simm.s32 $0x0  }
0x3: {  	s10 =	stileid.u32;
	s14 =	simm.s32 $0x100;
	s15 =	simm.s32 $0x880  }
0x4: {  	s17 =	simm.s32 $0x180;
	s18 =	simm.s32 $0x900;
	s19 =	simm.s32 $0x200  }
0x5: {  	s20 =	simm.s32 $0x980;
	s21 =	simm.s32 $0x280;
	[smem:$0x7FF] =	sst s3  }
0x6: {  	s22 =	simm.s32 $0xA00;
	_ =	strace $0x80000050;
	[dreg:$0x5] =	wrdreg s14  }
0x7: {  	s23 =	simm.s32 $0x300;
	s24 =	simm.s32 $0xA80;
	[dreg:$0x6] =	wrdreg s15  }
0x8: {  	s25 =	simm.s32 $0x380;
	s28 =	simm.s32 $0x680;
	[dreg:$0x7] =	wrdreg s17  }
0x9: {  	s29 =	simm.s32 $0xE00;
	s30 =	simm.s32 $0x700;
	[dreg:$0x8] =	wrdreg s18  }
0xa: {  	s31 =	simm.s32 $0xE80;
	s6 =	smul.u32 $0x2780, s10;
	[dreg:$0x9] =	wrdreg s19  }
0xb: {  	s2 =	sand.u32 $0x1, s2;
	s7 =	smul.u32 $0x4F000, s10;
	[dreg:$0xa] =	wrdreg s20  }
0xc: {  	s4 =	sadd.s32 $0x54000, s0;
	s9 =	smul.u32 $0xA00, s10;
	[dreg:$0xb] =	wrdreg s21  }
0xd: {  	s13 =	sshll.u32 s10, $0x6;
	s10 =	simm.s32 $0x3;
	[dreg:$0xc] =	wrdreg s22  }
0xe: {  	s5 =	smul.u32 $0xA000, s2;
	s8 =	ssub.s32 $0x2, s2;
	[dreg:$0xd] =	wrdreg s23  }
0xf: {  	p0 =	seq.s32 s2, $0x1;
	[dreg:$0xe] =	wrdreg s24;
	s14 =	simm.s32 $0x5000  }
0x10: {  	[dreg:$0xf] =	wrdreg s25;
	s15 =	simm.s32 $0x1;
	s17 =	simm.s32 $0x400  }
0x11: {  	s18 =	simm.s32 $0xB80;
	s19 =	simm.s32 $0x480;
	s20 =	simm.s32 $0xC00  }
0x12: {  	s21 =	simm.s32 $0x500;
	s22 =	simm.s32 $0xC80;
	s23 =	simm.s32 $0x580  }
0x13: {  	s24 =	simm.s32 $0xD00;
	s25 =	simm.s32 $0x600;
	s2 =	simm.s32 $0xF00  }
0x14: {  	s26 =	sshrl.u32 s8, $0x1;
	s7 =	sshrl.u32 s7, $0x2;
	s5 =	sadd.s32 s5, s0  }
0x15: {  	s0 =	sadd.s32 s6, s0;
	s6 =	ssub.s32 s8, s26;
	s7 =	sadd.s32 s7, s1  }
0x16: {  	s8 =	sor.u32 $0x1C03, s13;
	s13 =	simm.s32 $0x1000;
	s26 =	simm.s32 $0xB00  }
0x17: {  	s5 =	sadd.s32 s9, s5;
	s11 =	sadd.s32 $0x2C800, s0;
	[dreg:$0x10] =	wrdreg s26  }
0x18: {  	s16 =	smax.u32 s6, $0x1;
	s7 =	sshrl.u32 s7, $0x3;
	[dreg:$0x12] =	wrdreg s8  }
0x19: {  	s26 =	simm.s32 $0xD80;
	s9 =	simm.s32 $0x0;
	[dreg:$0x11] =	wrdreg s11  }
0x1a: {  	s12 =	sadd.s32 $0x4800, s5;
	s5 =	sadd.s32 $0x18800, s5;
	[dreg:$0x13] =	wrdreg s16  }
0x1b: {  	s11 =	simm.s32 $0x800;
	[dreg:$0x4] =	wrdreg s5;
	s5 =	simm.s32 $0xA2A00  }
0x1c: {  	s16 =	simm.s32 $0x2;
	[dreg:$0x15] =	wrdreg s7;
	s5 =	simm.s32 @!p0 $0x7B200  }
0x1d: {  	[dreg:$0x3] =	wrdreg s12;
	s12 =	simm.s32 $0x80;
	s0 =	sadd.s32 s5, s0  }
0x1e: {  	s5 =	simm.s32 $0xF80;
	[dreg:$0x14] =	wrdreg s0;
	s0 =	simm.s32 $0x780  }
.LBB2_1:
0x1f: {  	[dreg:$0x16] =	wrdreg s9  }
0x20: {  	s6 =	rddreg [dreg:$0x11]  }
0x21: {  	[spmem:s7], [sflag:s8] =	dma.local [hbm:s6], $0x2780  }
0x22: {  	_ =	swait.ge [sflag:s10], $0x2780  }
0x23: {  	[sflag:s10] =	ssyncset.done $0x0  }
0x24: {  	[sflag:s10] =	ssyncadd.s32 $0xFFFFD880  }
0x25: {  	[bflag:$0x0] =	sbarrier.arrive $0xFFFF  }
0x26: {  	s8 =	rddreg [dreg:$0x4]  }
0x27: {  	s6 =	sadd.s32 $0x0, s8  }
0x28: {  	[tilespmem:s3], [sflag:$0x3] =	stream.linear.gather [hbm4b:s6+s3], $0x800, $0x38;
	[tilespmem:$0x1CC00] =	vst v63  }
0x29: {  	_ =	swait.ge [sflag:s10], $0x800  }
0x2a: {  	s9 =	rddreg [dreg:$0x3];
	[sflag:s10] =	ssyncset.done $0x0  }
0x2b: {  	[sflag:s10] =	ssyncadd.s32 $0xFFFFF800;
	s6 =	sadd.s32 $0x0, s9  }
0x2c: {  	[tilespmem:s11], [sflag:$0x3] =	stream.linear.gather [hbm4b:s6+s3], $0x800, $0x38;
	[tilespmem:$0x1CC00] =	vst v63  }
0x2d: {  	_ =	swait.ge [sflag:s10], $0x800  }
0x2e: {  	[sflag:s10] =	ssyncset.done $0x0  }
0x2f: {  	[sflag:s10] =	ssyncadd.s32 $0xFFFFF800  }
0x30: {  	[tilespmem:s13], [sflag:$0x1] =	stream.indirect.gather [hbm4b:s4+s12], $0x80, s3, s12, $0xb8;
	[tilespmem:$0x1CC00] =	vst v63  }
0x31: {  	_ = 	snop  }
0x32: {  	[tilespmem:s14], [sflag:$0x2] =	stream.indirect.gather [hbm4b:s4+s12], $0x80, s12, s12, $0xb8;
	[tilespmem:$0x1CC00] =	vst v63  }
0x33: {  	_ =	swait.ge [sflag:s15], $0x4000  }
0x34: {  	[sflag:s15] =	ssyncset.done $0x0  }
0x35: {  	[sflag:s15] =	ssyncadd.s32 $0xFFFFC000  }
0x36: {  	[spmem:s1] =	stream.indirect.scatter.add.f32 [tilespmem:s13], [sflag:$0x3], $0x80, s11, s12, $0xb8;
	[tilespmem:$0x1CC00] =	vst v63  }
0x37: {  	_ =	swait.ge [sflag:s10], $0x4000  }
0x38: {  	[sflag:s10] =	ssyncset.done $0x0  }
0x39: {  	s7 =	rddreg [dreg:$0x5];
	[sflag:s10] =	ssyncadd.s32 $0xFFFFC000  }
0x3a: {  	[tilespmem:s13], [sflag:$0x1] =	stream.indirect.gather [hbm4b:s4+s12], $0x80, s7, s12, $0xb8;
	[tilespmem:$0x1CC00] =	vst v63  }
0x3b: {  	_ =	swait.ge [sflag:s16], $0x4000  }
0x3c: {  	[sflag:s16] =	ssyncset.done $0x0  }
0x3d: {  	s8 =	rddreg [dreg:$0x6];
	[sflag:s16] =	ssyncadd.s32 $0xFFFFC000  }
0x3e: {  	[spmem:s1] =	stream.indirect.scatter.add.f32 [tilespmem:s14], [sflag:$0x3], $0x80, s8, s12, $0xb8;
	[tilespmem:$0x1CC00] =	vst v63  }
0x3f: {  	_ =	swait.ge [sflag:s10], $0x4000  }
0x40: {  	[sflag:s10] =	ssyncset.done $0x0  }
0x41: {  	s9 =	rddreg [dreg:$0x7];
	[sflag:s10] =	ssyncadd.s32 $0xFFFFC000  }
0x42: {  	[tilespmem:s14], [sflag:$0x2] =	stream.indirect.gather [hbm4b:s4+s12], $0x80, s9, s12, $0xb8;
	[tilespmem:$0x1CC00] =	vst v63  }
0x43: {  	_ =	swait.ge [sflag:s15], $0x4000  }
0x44: {  	[sflag:s15] =	ssyncset.done $0x0  }
0x45: {  	s7 =	rddreg [dreg:$0x8];
	[sflag:s15] =	ssyncadd.s32 $0xFFFFC000  }
0x46: {  	[spmem:s1] =	stream.indirect.scatter.add.f32 [tilespmem:s13], [sflag:$0x3], $0x80, s7, s12, $0xb8;
	[tilespmem:$0x1CC00] =	vst v63  }
0x47: {  	_ =	swait.ge [sflag:s10], $0x4000  }
0x48: {  	[sflag:s10] =	ssyncset.done $0x0  }
0x49: {  	s8 =	rddreg [dreg:$0x9];
	[sflag:s10] =	ssyncadd.s32 $0xFFFFC000  }
0x4a: {  	[tilespmem:s13], [sflag:$0x1] =	stream.indirect.gather [hbm4b:s4+s12], $0x80, s8, s12, $0xb8;
	[tilespmem:$0x1CC00] =	vst v63  }
0x4b: {  	_ =	swait.ge [sflag:s16], $0x4000  }
0x4c: {  	[sflag:s16] =	ssyncset.done $0x0  }
0x4d: {  	s9 =	rddreg [dreg:$0xa];
	[sflag:s16] =	ssyncadd.s32 $0xFFFFC000  }
0x4e: {  	[spmem:s1] =	stream.indirect.scatter.add.f32 [tilespmem:s14], [sflag:$0x3], $0x80, s9, s12, $0xb8;
	[tilespmem:$0x1CC00] =	vst v63  }
0x4f: {  	_ =	swait.ge [sflag:s10], $0x4000  }
0x50: {  	[sflag:s10] =	ssyncset.done $0x0  }
0x51: {  	s7 =	rddreg [dreg:$0xb];
	[sflag:s10] =	ssyncadd.s32 $0xFFFFC000  }
0x52: {  	[tilespmem:s14], [sflag:$0x2] =	stream.indirect.gather [hbm4b:s4+s12], $0x80, s7, s12, $0xb8;
	[tilespmem:$0x1CC00] =	vst v63  }
0x53: {  	_ =	swait.ge [sflag:s15], $0x4000  }
0x54: {  	[sflag:s15] =	ssyncset.done $0x0  }
0x55: {  	s8 =	rddreg [dreg:$0xc];
	[sflag:s15] =	ssyncadd.s32 $0xFFFFC000  }
0x56: {  	[spmem:s1] =	stream.indirect.scatter.add.f32 [tilespmem:s13], [sflag:$0x3], $0x80, s8, s12, $0xb8;
	[tilespmem:$0x1CC00] =	vst v63  }
0x57: {  	_ =	swait.ge [sflag:s10], $0x4000  }
0x58: {  	[sflag:s10] =	ssyncset.done $0x0  }
0x59: {  	s9 =	rddreg [dreg:$0xd];
	[sflag:s10] =	ssyncadd.s32 $0xFFFFC000  }
0x5a: {  	[tilespmem:s13], [sflag:$0x1] =	stream.indirect.gather [hbm4b:s4+s12], $0x80, s9, s12, $0xb8;
	[tilespmem:$0x1CC00] =	vst v63  }
0x5b: {  	_ =	swait.ge [sflag:s16], $0x4000  }
0x5c: {  	[sflag:s16] =	ssyncset.done $0x0  }
0x5d: {  	s7 =	rddreg [dreg:$0xe];
	[sflag:s16] =	ssyncadd.s32 $0xFFFFC000  }
0x5e: {  	[spmem:s1] =	stream.indirect.scatter.add.f32 [tilespmem:s14], [sflag:$0x3], $0x80, s7, s12, $0xb8;
	[tilespmem:$0x1CC00] =	vst v63  }
0x5f: {  	_ =	swait.ge [sflag:s10], $0x4000  }
0x60: {  	[sflag:s10] =	ssyncset.done $0x0  }
0x61: {  	s8 =	rddreg [dreg:$0xf];
	[sflag:s10] =	ssyncadd.s32 $0xFFFFC000  }
0x62: {  	[tilespmem:s14], [sflag:$0x2] =	stream.indirect.gather [hbm4b:s4+s12], $0x80, s8, s12, $0xb8;
	[tilespmem:$0x1CC00] =	vst v63  }
0x63: {  	_ =	swait.ge [sflag:s15], $0x4000  }
0x64: {  	[sflag:s15] =	ssyncset.done $0x0  }
0x65: {  	s9 =	rddreg [dreg:$0x10];
	[sflag:s15] =	ssyncadd.s32 $0xFFFFC000  }
0x66: {  	[spmem:s1] =	stream.indirect.scatter.add.f32 [tilespmem:s13], [sflag:$0x3], $0x80, s9, s12, $0xb8;
	[tilespmem:$0x1CC00] =	vst v63  }
0x67: {  	_ =	swait.ge [sflag:s10], $0x4000  }
0x68: {  	[sflag:s10] =	ssyncset.done $0x0  }
0x69: {  	[sflag:s10] =	ssyncadd.s32 $0xFFFFC000  }
0x6a: {  	[tilespmem:s13], [sflag:$0x1] =	stream.indirect.gather [hbm4b:s4+s12], $0x80, s17, s12, $0xb8;
	[tilespmem:$0x1CC00] =	vst v63  }
0x6b: {  	_ =	swait.ge [sflag:s16], $0x4000  }
0x6c: {  	[sflag:s16] =	ssyncset.done $0x0  }
0x6d: {  	[sflag:s16] =	ssyncadd.s32 $0xFFFFC000  }
0x6e: {  	[spmem:s1] =	stream.indirect.scatter.add.f32 [tilespmem:s14], [sflag:$0x3], $0x80, s18, s12, $0xb8;
	[tilespmem:$0x1CC00] =	vst v63  }
0x6f: {  	_ =	swait.ge [sflag:s10], $0x4000  }
0x70: {  	[sflag:s10] =	ssyncset.done $0x0  }
0x71: {  	[sflag:s10] =	ssyncadd.s32 $0xFFFFC000  }
0x72: {  	[tilespmem:s14], [sflag:$0x2] =	stream.indirect.gather [hbm4b:s4+s12], $0x80, s19, s12, $0xb8;
	[tilespmem:$0x1CC00] =	vst v63  }
0x73: {  	_ =	swait.ge [sflag:s15], $0x4000  }
0x74: {  	[sflag:s15] =	ssyncset.done $0x0  }
0x75: {  	[sflag:s15] =	ssyncadd.s32 $0xFFFFC000  }
0x76: {  	[spmem:s1] =	stream.indirect.scatter.add.f32 [tilespmem:s13], [sflag:$0x3], $0x80, s20, s12, $0xb8;
	[tilespmem:$0x1CC00] =	vst v63  }
0x77: {  	_ =	swait.ge [sflag:s10], $0x4000  }
0x78: {  	[sflag:s10] =	ssyncset.done $0x0  }
0x79: {  	[sflag:s10] =	ssyncadd.s32 $0xFFFFC000  }
0x7a: {  	[tilespmem:s13], [sflag:$0x1] =	stream.indirect.gather [hbm4b:s4+s12], $0x80, s21, s12, $0xb8;
	[tilespmem:$0x1CC00] =	vst v63  }
0x7b: {  	_ =	swait.ge [sflag:s16], $0x4000  }
0x7c: {  	[sflag:s16] =	ssyncset.done $0x0  }
0x7d: {  	[sflag:s16] =	ssyncadd.s32 $0xFFFFC000  }
0x7e: {  	[spmem:s1] =	stream.indirect.scatter.add.f32 [tilespmem:s14], [sflag:$0x3], $0x80, s22, s12, $0xb8;
	[tilespmem:$0x1CC00] =	vst v63  }
0x7f: {  	_ =	swait.ge [sflag:s10], $0x4000  }
0x80: {  	[sflag:s10] =	ssyncset.done $0x0  }
0x81: {  	[sflag:s10] =	ssyncadd.s32 $0xFFFFC000  }
0x82: {  	[tilespmem:s14], [sflag:$0x2] =	stream.indirect.gather [hbm4b:s4+s12], $0x80, s23, s12, $0xb8;
	[tilespmem:$0x1CC00] =	vst v63  }
0x83: {  	_ =	swait.ge [sflag:s15], $0x4000  }
0x84: {  	[sflag:s15] =	ssyncset.done $0x0  }
0x85: {  	[sflag:s15] =	ssyncadd.s32 $0xFFFFC000  }
0x86: {  	[spmem:s1] =	stream.indirect.scatter.add.f32 [tilespmem:s13], [sflag:$0x3], $0x80, s24, s12, $0xb8;
	[tilespmem:$0x1CC00] =	vst v63  }
0x87: {  	_ =	swait.ge [sflag:s10], $0x4000  }
0x88: {  	[sflag:s10] =	ssyncset.done $0x0  }
0x89: {  	[sflag:s10] =	ssyncadd.s32 $0xFFFFC000  }
0x8a: {  	[tilespmem:s13], [sflag:$0x1] =	stream.indirect.gather [hbm4b:s4+s12], $0x80, s25, s12, $0xb8;
	[tilespmem:$0x1CC00] =	vst v63  }
0x8b: {  	_ =	swait.ge [sflag:s16], $0x4000  }
0x8c: {  	[sflag:s16] =	ssyncset.done $0x0  }
0x8d: {  	[sflag:s16] =	ssyncadd.s32 $0xFFFFC000  }
0x8e: {  	[spmem:s1] =	stream.indirect.scatter.add.f32 [tilespmem:s14], [sflag:$0x3], $0x80, s26, s12, $0xb8;
	[tilespmem:$0x1CC00] =	vst v63  }
0x8f: {  	_ =	swait.ge [sflag:s10], $0x4000  }
0x90: {  	[sflag:s10] =	ssyncset.done $0x0  }
0x91: {  	[sflag:s10] =	ssyncadd.s32 $0xFFFFC000  }
0x92: {  	[tilespmem:s14], [sflag:$0x2] =	stream.indirect.gather [hbm4b:s4+s12], $0x80, s28, s12, $0xb8;
	[tilespmem:$0x1CC00] =	vst v63  }
0x93: {  	_ =	swait.ge [sflag:s15], $0x4000  }
0x94: {  	[sflag:s15] =	ssyncset.done $0x0  }
0x95: {  	[sflag:s15] =	ssyncadd.s32 $0xFFFFC000  }
0x96: {  	[spmem:s1] =	stream.indirect.scatter.add.f32 [tilespmem:s13], [sflag:$0x3], $0x80, s29, s12, $0xb8;
	[tilespmem:$0x1CC00] =	vst v63  }
0x97: {  	_ =	swait.ge [sflag:s10], $0x4000  }
0x98: {  	[sflag:s10] =	ssyncset.done $0x0  }
0x99: {  	[sflag:s10] =	ssyncadd.s32 $0xFFFFC000  }
0x9a: {  	[tilespmem:s13], [sflag:$0x1] =	stream.indirect.gather [hbm4b:s4+s12], $0x80, s30, s12, $0xb8;
	[tilespmem:$0x1CC00] =	vst v63  }
0x9b: {  	_ =	swait.ge [sflag:s16], $0x4000  }
0x9c: {  	[sflag:s16] =	ssyncset.done $0x0  }
0x9d: {  	[sflag:s16] =	ssyncadd.s32 $0xFFFFC000  }
0x9e: {  	[spmem:s1] =	stream.indirect.scatter.add.f32 [tilespmem:s14], [sflag:$0x3], $0x80, s31, s12, $0xb8;
	[tilespmem:$0x1CC00] =	vst v63  }
0x9f: {  	_ =	swait.ge [sflag:s10], $0x4000  }
0xa0: {  	[sflag:s10] =	ssyncset.done $0x0  }
0xa1: {  	[sflag:s10] =	ssyncadd.s32 $0xFFFFC000  }
0xa2: {  	[tilespmem:s14], [sflag:$0x2] =	stream.indirect.gather [hbm4b:s4+s12], $0x80, s0, s12, $0xb8;
	[tilespmem:$0x1CC00] =	vst v63  }
0xa3: {  	_ =	swait.ge [sflag:s15], $0x4000  }
0xa4: {  	[sflag:s15] =	ssyncset.done $0x0  }
0xa5: {  	[sflag:s15] =	ssyncadd.s32 $0xFFFFC000  }
0xa6: {  	[spmem:s1] =	stream.indirect.scatter.add.f32 [tilespmem:s13], [sflag:$0x3], $0x80, s2, s12, $0xb8;
	[tilespmem:$0x1CC00] =	vst v63  }
0xa7: {  	_ =	swait.ge [sflag:s10], $0x4000  }
0xa8: {  	[sflag:s10] =	ssyncset.done $0x0  }
0xa9: {  	[sflag:s10] =	ssyncadd.s32 $0xFFFFC000  }
0xaa: {  	_ =	swait.ge [sflag:s16], $0x4000  }
0xab: {  	[sflag:s16] =	ssyncset.done $0x0  }
0xac: {  	[sflag:s16] =	ssyncadd.s32 $0xFFFFC000  }
0xad: {  	[spmem:s1] =	stream.indirect.scatter.add.f32 [tilespmem:s14], [sflag:$0x3], $0x80, s5, s12, $0xb8;
	[tilespmem:$0x1CC00] =	vst v63  }
0xae: {  	s6 =	simm.s32 $0x200;
	_ =	swait.ge [sflag:s10], $0x4000  }
0xaf: {  	s8 =	simm.s32 $0x100;
	s9 =	rddreg [dreg:$0x4];
	[sflag:s10] =	ssyncset.done $0x0  }
.LBB2_2:
0xb0: {  	[sflag:s10] =	ssyncadd.s32 $0xFFFFC000;
	s9 =	sadd.s32 s8, s9  }
0xb1: {  	[tilespmem:s3], [sflag:$0x3] =	stream.linear.gather [hbm4b:s9+s3], $0x800, $0x38;
	[tilespmem:$0x1CC00] =	vst v63  }
0xb2: {  	_ =	swait.ge [sflag:s10], $0x800  }
0xb3: {  	s9 =	rddreg [dreg:$0x3];
	[sflag:s10] =	ssyncset.done $0x0  }
0xb4: {  	[sflag:s10] =	ssyncadd.s32 $0xFFFFF800;
	s9 =	sadd.s32 s8, s9  }
0xb5: {  	[tilespmem:s11], [sflag:$0x3] =	stream.linear.gather [hbm4b:s9+s3], $0x800, $0x38;
	[tilespmem:$0x1CC00] =	vst v63  }
0xb6: {  	_ =	swait.ge [sflag:s10], $0x800  }
0xb7: {  	[sflag:s10] =	ssyncset.done $0x0  }
0xb8: {  	[sflag:s10] =	ssyncadd.s32 $0xFFFFF800  }
0xb9: {  	[tilespmem:s13], [sflag:$0x1] =	stream.indirect.gather [hbm4b:s4+s12], $0x80, s3, s12, $0xb8;
	[tilespmem:$0x1CC00] =	vst v63  }
0xba: {  	_ = 	snop  }
0xbb: {  	[tilespmem:s14], [sflag:$0x2] =	stream.indirect.gather [hbm4b:s4+s12], $0x80, s12, s12, $0xb8;
	[tilespmem:$0x1CC00] =	vst v63  }
0xbc: {  	_ =	swait.ge [sflag:s15], $0x4000  }
0xbd: {  	[sflag:s15] =	ssyncset.done $0x0  }
0xbe: {  	[sflag:s15] =	ssyncadd.s32 $0xFFFFC000  }
0xbf: {  	[spmem:s1] =	stream.indirect.scatter.add.f32 [tilespmem:s13], [sflag:$0x3], $0x80, s11, s12, $0xb8;
	[tilespmem:$0x1CC00] =	vst v63  }
0xc0: {  	_ =	swait.ge [sflag:s10], $0x4000  }
0xc1: {  	[sflag:s10] =	ssyncset.done $0x0  }
0xc2: {  	s9 =	rddreg [dreg:$0x5];
	[sflag:s10] =	ssyncadd.s32 $0xFFFFC000  }
0xc3: {  	[tilespmem:s13], [sflag:$0x1] =	stream.indirect.gather [hbm4b:s4+s12], $0x80, s9, s12, $0xb8;
	[tilespmem:$0x1CC00] =	vst v63  }
0xc4: {  	_ =	swait.ge [sflag:s16], $0x4000  }
0xc5: {  	[sflag:s16] =	ssyncset.done $0x0  }
0xc6: {  	s9 =	rddreg [dreg:$0x6];
	[sflag:s16] =	ssyncadd.s32 $0xFFFFC000  }
0xc7: {  	[spmem:s1] =	stream.indirect.scatter.add.f32 [tilespmem:s14], [sflag:$0x3], $0x80, s9, s12, $0xb8;
	[tilespmem:$0x1CC00] =	vst v63  }
0xc8: {  	_ =	swait.ge [sflag:s10], $0x4000  }
0xc9: {  	[sflag:s10] =	ssyncset.done $0x0  }
0xca: {  	s9 =	rddreg [dreg:$0x7];
	[sflag:s10] =	ssyncadd.s32 $0xFFFFC000  }
0xcb: {  	[tilespmem:s14], [sflag:$0x2] =	stream.indirect.gather [hbm4b:s4+s12], $0x80, s9, s12, $0xb8;
	[tilespmem:$0x1CC00] =	vst v63  }
0xcc: {  	_ =	swait.ge [sflag:s15], $0x4000  }
0xcd: {  	[sflag:s15] =	ssyncset.done $0x0  }
0xce: {  	s9 =	rddreg [dreg:$0x8];
	[sflag:s15] =	ssyncadd.s32 $0xFFFFC000  }
0xcf: {  	[spmem:s1] =	stream.indirect.scatter.add.f32 [tilespmem:s13], [sflag:$0x3], $0x80, s9, s12, $0xb8;
	[tilespmem:$0x1CC00] =	vst v63  }
0xd0: {  	_ =	swait.ge [sflag:s10], $0x4000  }
0xd1: {  	[sflag:s10] =	ssyncset.done $0x0  }
0xd2: {  	s9 =	rddreg [dreg:$0x9];
	[sflag:s10] =	ssyncadd.s32 $0xFFFFC000  }
0xd3: {  	[tilespmem:s13], [sflag:$0x1] =	stream.indirect.gather [hbm4b:s4+s12], $0x80, s9, s12, $0xb8;
	[tilespmem:$0x1CC00] =	vst v63  }
0xd4: {  	_ =	swait.ge [sflag:s16], $0x4000  }
0xd5: {  	[sflag:s16] =	ssyncset.done $0x0  }
0xd6: {  	s9 =	rddreg [dreg:$0xa];
	[sflag:s16] =	ssyncadd.s32 $0xFFFFC000  }
0xd7: {  	[spmem:s1] =	stream.indirect.scatter.add.f32 [tilespmem:s14], [sflag:$0x3], $0x80, s9, s12, $0xb8;
	[tilespmem:$0x1CC00] =	vst v63  }
0xd8: {  	_ =	swait.ge [sflag:s10], $0x4000  }
0xd9: {  	[sflag:s10] =	ssyncset.done $0x0  }
0xda: {  	s9 =	rddreg [dreg:$0xb];
	[sflag:s10] =	ssyncadd.s32 $0xFFFFC000  }
0xdb: {  	[tilespmem:s14], [sflag:$0x2] =	stream.indirect.gather [hbm4b:s4+s12], $0x80, s9, s12, $0xb8;
	[tilespmem:$0x1CC00] =	vst v63  }
0xdc: {  	_ =	swait.ge [sflag:s15], $0x4000  }
0xdd: {  	[sflag:s15] =	ssyncset.done $0x0  }
0xde: {  	s9 =	rddreg [dreg:$0xc];
	[sflag:s15] =	ssyncadd.s32 $0xFFFFC000  }
0xdf: {  	[spmem:s1] =	stream.indirect.scatter.add.f32 [tilespmem:s13], [sflag:$0x3], $0x80, s9, s12, $0xb8;
	[tilespmem:$0x1CC00] =	vst v63  }
0xe0: {  	_ =	swait.ge [sflag:s10], $0x4000  }
0xe1: {  	[sflag:s10] =	ssyncset.done $0x0  }
0xe2: {  	s9 =	rddreg [dreg:$0xd];
	[sflag:s10] =	ssyncadd.s32 $0xFFFFC000  }
0xe3: {  	[tilespmem:s13], [sflag:$0x1] =	stream.indirect.gather [hbm4b:s4+s12], $0x80, s9, s12, $0xb8;
	[tilespmem:$0x1CC00] =	vst v63  }
0xe4: {  	_ =	swait.ge [sflag:s16], $0x4000  }
0xe5: {  	[sflag:s16] =	ssyncset.done $0x0  }
0xe6: {  	s9 =	rddreg [dreg:$0xe];
	[sflag:s16] =	ssyncadd.s32 $0xFFFFC000  }
0xe7: {  	[spmem:s1] =	stream.indirect.scatter.add.f32 [tilespmem:s14], [sflag:$0x3], $0x80, s9, s12, $0xb8;
	[tilespmem:$0x1CC00] =	vst v63  }
0xe8: {  	_ =	swait.ge [sflag:s10], $0x4000  }
0xe9: {  	[sflag:s10] =	ssyncset.done $0x0  }
0xea: {  	s9 =	rddreg [dreg:$0xf];
	[sflag:s10] =	ssyncadd.s32 $0xFFFFC000  }
0xeb: {  	[tilespmem:s14], [sflag:$0x2] =	stream.indirect.gather [hbm4b:s4+s12], $0x80, s9, s12, $0xb8;
	[tilespmem:$0x1CC00] =	vst v63  }
0xec: {  	_ =	swait.ge [sflag:s15], $0x4000  }
0xed: {  	[sflag:s15] =	ssyncset.done $0x0  }
0xee: {  	s9 =	rddreg [dreg:$0x10];
	[sflag:s15] =	ssyncadd.s32 $0xFFFFC000  }
0xef: {  	[spmem:s1] =	stream.indirect.scatter.add.f32 [tilespmem:s13], [sflag:$0x3], $0x80, s9, s12, $0xb8;
	[tilespmem:$0x1CC00] =	vst v63  }
0xf0: {  	_ =	swait.ge [sflag:s10], $0x4000  }
0xf1: {  	[sflag:s10] =	ssyncset.done $0x0  }
0xf2: {  	[sflag:s10] =	ssyncadd.s32 $0xFFFFC000  }
0xf3: {  	[tilespmem:s13], [sflag:$0x1] =	stream.indirect.gather [hbm4b:s4+s12], $0x80, s17, s12, $0xb8;
	[tilespmem:$0x1CC00] =	vst v63  }
0xf4: {  	_ =	swait.ge [sflag:s16], $0x4000  }
0xf5: {  	[sflag:s16] =	ssyncset.done $0x0  }
0xf6: {  	[sflag:s16] =	ssyncadd.s32 $0xFFFFC000  }
0xf7: {  	[spmem:s1] =	stream.indirect.scatter.add.f32 [tilespmem:s14], [sflag:$0x3], $0x80, s18, s12, $0xb8;
	[tilespmem:$0x1CC00] =	vst v63  }
0xf8: {  	_ =	swait.ge [sflag:s10], $0x4000  }
0xf9: {  	[sflag:s10] =	ssyncset.done $0x0  }
0xfa: {  	[sflag:s10] =	ssyncadd.s32 $0xFFFFC000  }
0xfb: {  	[tilespmem:s14], [sflag:$0x2] =	stream.indirect.gather [hbm4b:s4+s12], $0x80, s19, s12, $0xb8;
	[tilespmem:$0x1CC00] =	vst v63  }
0xfc: {  	_ =	swait.ge [sflag:s15], $0x4000  }
0xfd: {  	[sflag:s15] =	ssyncset.done $0x0  }
0xfe: {  	[sflag:s15] =	ssyncadd.s32 $0xFFFFC000  }
0xff: {  	[spmem:s1] =	stream.indirect.scatter.add.f32 [tilespmem:s13], [sflag:$0x3], $0x80, s20, s12, $0xb8;
	[tilespmem:$0x1CC00] =	vst v63  }
0x100: {  	_ =	swait.ge [sflag:s10], $0x4000  }
0x101: {  	[sflag:s10] =	ssyncset.done $0x0  }
0x102: {  	[sflag:s10] =	ssyncadd.s32 $0xFFFFC000  }
0x103: {  	[tilespmem:s13], [sflag:$0x1] =	stream.indirect.gather [hbm4b:s4+s12], $0x80, s21, s12, $0xb8;
	[tilespmem:$0x1CC00] =	vst v63  }
0x104: {  	_ =	swait.ge [sflag:s16], $0x4000  }
0x105: {  	[sflag:s16] =	ssyncset.done $0x0  }
0x106: {  	[sflag:s16] =	ssyncadd.s32 $0xFFFFC000  }
0x107: {  	[spmem:s1] =	stream.indirect.scatter.add.f32 [tilespmem:s14], [sflag:$0x3], $0x80, s22, s12, $0xb8;
	[tilespmem:$0x1CC00] =	vst v63  }
0x108: {  	_ =	swait.ge [sflag:s10], $0x4000  }
0x109: {  	[sflag:s10] =	ssyncset.done $0x0  }
0x10a: {  	[sflag:s10] =	ssyncadd.s32 $0xFFFFC000  }
0x10b: {  	[tilespmem:s14], [sflag:$0x2] =	stream.indirect.gather [hbm4b:s4+s12], $0x80, s23, s12, $0xb8;
	[tilespmem:$0x1CC00] =	vst v63  }
0x10c: {  	_ =	swait.ge [sflag:s15], $0x4000  }
0x10d: {  	[sflag:s15] =	ssyncset.done $0x0  }
0x10e: {  	[sflag:s15] =	ssyncadd.s32 $0xFFFFC000  }
0x10f: {  	[spmem:s1] =	stream.indirect.scatter.add.f32 [tilespmem:s13], [sflag:$0x3], $0x80, s24, s12, $0xb8;
	[tilespmem:$0x1CC00] =	vst v63  }
0x110: {  	_ =	swait.ge [sflag:s10], $0x4000  }
0x111: {  	[sflag:s10] =	ssyncset.done $0x0  }
0x112: {  	[sflag:s10] =	ssyncadd.s32 $0xFFFFC000  }
0x113: {  	[tilespmem:s13], [sflag:$0x1] =	stream.indirect.gather [hbm4b:s4+s12], $0x80, s25, s12, $0xb8;
	[tilespmem:$0x1CC00] =	vst v63  }
0x114: {  	_ =	swait.ge [sflag:s16], $0x4000  }
0x115: {  	[sflag:s16] =	ssyncset.done $0x0  }
0x116: {  	[sflag:s16] =	ssyncadd.s32 $0xFFFFC000  }
0x117: {  	[spmem:s1] =	stream.indirect.scatter.add.f32 [tilespmem:s14], [sflag:$0x3], $0x80, s26, s12, $0xb8;
	[tilespmem:$0x1CC00] =	vst v63  }
0x118: {  	_ =	swait.ge [sflag:s10], $0x4000  }
0x119: {  	[sflag:s10] =	ssyncset.done $0x0  }
0x11a: {  	[sflag:s10] =	ssyncadd.s32 $0xFFFFC000  }
0x11b: {  	[tilespmem:s14], [sflag:$0x2] =	stream.indirect.gather [hbm4b:s4+s12], $0x80, s28, s12, $0xb8;
	[tilespmem:$0x1CC00] =	vst v63  }
0x11c: {  	_ =	swait.ge [sflag:s15], $0x4000  }
0x11d: {  	[sflag:s15] =	ssyncset.done $0x0  }
0x11e: {  	[sflag:s15] =	ssyncadd.s32 $0xFFFFC000  }
0x11f: {  	[spmem:s1] =	stream.indirect.scatter.add.f32 [tilespmem:s13], [sflag:$0x3], $0x80, s29, s12, $0xb8;
	[tilespmem:$0x1CC00] =	vst v63  }
0x120: {  	_ =	swait.ge [sflag:s10], $0x4000  }
0x121: {  	[sflag:s10] =	ssyncset.done $0x0  }
0x122: {  	[sflag:s10] =	ssyncadd.s32 $0xFFFFC000  }
0x123: {  	[tilespmem:s13], [sflag:$0x1] =	stream.indirect.gather [hbm4b:s4+s12], $0x80, s30, s12, $0xb8;
	[tilespmem:$0x1CC00] =	vst v63  }
0x124: {  	_ =	swait.ge [sflag:s16], $0x4000  }
0x125: {  	[sflag:s16] =	ssyncset.done $0x0  }
0x126: {  	[sflag:s16] =	ssyncadd.s32 $0xFFFFC000  }
0x127: {  	[spmem:s1] =	stream.indirect.scatter.add.f32 [tilespmem:s14], [sflag:$0x3], $0x80, s31, s12, $0xb8;
	[tilespmem:$0x1CC00] =	vst v63  }
0x128: {  	_ =	swait.ge [sflag:s10], $0x4000  }
0x129: {  	[sflag:s10] =	ssyncset.done $0x0  }
0x12a: {  	[sflag:s10] =	ssyncadd.s32 $0xFFFFC000  }
0x12b: {  	[tilespmem:s14], [sflag:$0x2] =	stream.indirect.gather [hbm4b:s4+s12], $0x80, s0, s12, $0xb8;
	[tilespmem:$0x1CC00] =	vst v63  }
0x12c: {  	_ =	swait.ge [sflag:s15], $0x4000  }
0x12d: {  	[sflag:s15] =	ssyncset.done $0x0  }
0x12e: {  	[sflag:s15] =	ssyncadd.s32 $0xFFFFC000  }
0x12f: {  	[spmem:s1] =	stream.indirect.scatter.add.f32 [tilespmem:s13], [sflag:$0x3], $0x80, s2, s12, $0xb8;
	[tilespmem:$0x1CC00] =	vst v63  }
0x130: {  	_ =	swait.ge [sflag:s10], $0x4000  }
0x131: {  	[sflag:s10] =	ssyncset.done $0x0  }
0x132: {  	[sflag:s10] =	ssyncadd.s32 $0xFFFFC000  }
0x133: {  	p0 =	sne.s32 s6, $0x900;
	_ =	swait.ge [sflag:s16], $0x4000  }
.Ltmp0:
0x134: {  	[sflag:s16] =	ssyncset.done $0x0;
	(pc) =	sbr.rel @p0 .LBB2_2-.Ltmp0, $4  }
0x135: {  	[sflag:s16] =	ssyncadd.s32 $0xFFFFC000  }
0x136: {  	[spmem:s1] =	stream.indirect.scatter.add.f32 [tilespmem:s14], [sflag:$0x3], $0x80, s5, s12, $0xb8;
	[tilespmem:$0x1CC00] =	vst v63  }
0x137: {  	s7 =	smov.u32 s6;
	s6 =	sadd.s32 $0x100, s6;
	_ =	swait.ge [sflag:s10], $0x4000  }
0x138: {  	s8 =	smov.u32 s7;
	s9 =	rddreg [dreg:$0x4];
	[sflag:s10] =	ssyncset.done $0x0  }
0x139: {  	[sflag:s10] =	ssyncadd.s32 $0xFFFFC000;
	s6 =	sadd.s32 s8, s9  }
0x13a: {  	[tilespmem:s3], [sflag:$0x3] =	stream.linear.gather [hbm4b:s6+s3], $0x800, $0x38;
	[tilespmem:$0x1CC00] =	vst v63  }
0x13b: {  	_ =	swait.ge [sflag:s10], $0x800  }
0x13c: {  	s7 =	rddreg [dreg:$0x3];
	[sflag:s10] =	ssyncset.done $0x0  }
0x13d: {  	s6 =	sadd.s32 s8, s7;
	[sflag:s10] =	ssyncadd.s32 $0xFFFFF800  }
0x13e: {  	[tilespmem:s11], [sflag:$0x3] =	stream.linear.gather [hbm4b:s6+s3], $0x800, $0x38;
	[tilespmem:$0x1CC00] =	vst v63  }
0x13f: {  	_ =	swait.ge [sflag:s10], $0x800  }
0x140: {  	[sflag:s10] =	ssyncset.done $0x0  }
0x141: {  	[sflag:s10] =	ssyncadd.s32 $0xFFFFF800  }
0x142: {  	[tilespmem:s13], [sflag:$0x1] =	stream.indirect.gather [hbm4b:s4+s12], $0x80, s3, s12, $0xb8;
	[tilespmem:$0x1CC00] =	vst v63  }
0x143: {  	_ = 	snop  }
0x144: {  	[tilespmem:s14], [sflag:$0x2] =	stream.indirect.gather [hbm4b:s4+s12], $0x80, s12, s12, $0xb8;
	[tilespmem:$0x1CC00] =	vst v63  }
0x145: {  	_ =	swait.ge [sflag:s15], $0x4000  }
0x146: {  	[sflag:s15] =	ssyncset.done $0x0  }
0x147: {  	[sflag:s15] =	ssyncadd.s32 $0xFFFFC000  }
0x148: {  	[spmem:s1] =	stream.indirect.scatter.add.f32 [tilespmem:s13], [sflag:$0x3], $0x80, s11, s12, $0xb8;
	[tilespmem:$0x1CC00] =	vst v63  }
0x149: {  	_ =	swait.ge [sflag:s10], $0x4000  }
0x14a: {  	[sflag:s10] =	ssyncset.done $0x0  }
0x14b: {  	s9 =	rddreg [dreg:$0x5];
	[sflag:s10] =	ssyncadd.s32 $0xFFFFC000  }
0x14c: {  	[tilespmem:s13], [sflag:$0x1] =	stream.indirect.gather [hbm4b:s4+s12], $0x80, s9, s12, $0xb8;
	[tilespmem:$0x1CC00] =	vst v63  }
0x14d: {  	_ =	swait.ge [sflag:s16], $0x4000  }
0x14e: {  	[sflag:s16] =	ssyncset.done $0x0  }
0x14f: {  	s7 =	rddreg [dreg:$0x6];
	[sflag:s16] =	ssyncadd.s32 $0xFFFFC000  }
0x150: {  	[spmem:s1] =	stream.indirect.scatter.add.f32 [tilespmem:s14], [sflag:$0x3], $0x80, s7, s12, $0xb8;
	[tilespmem:$0x1CC00] =	vst v63  }
0x151: {  	_ =	swait.ge [sflag:s10], $0x4000  }
0x152: {  	[sflag:s10] =	ssyncset.done $0x0  }
0x153: {  	s8 =	rddreg [dreg:$0x7];
	[sflag:s10] =	ssyncadd.s32 $0xFFFFC000  }
0x154: {  	[tilespmem:s14], [sflag:$0x2] =	stream.indirect.gather [hbm4b:s4+s12], $0x80, s8, s12, $0xb8;
	[tilespmem:$0x1CC00] =	vst v63  }
0x155: {  	_ =	swait.ge [sflag:s15], $0x4000  }
0x156: {  	[sflag:s15] =	ssyncset.done $0x0  }
0x157: {  	s9 =	rddreg [dreg:$0x8];
	[sflag:s15] =	ssyncadd.s32 $0xFFFFC000  }
0x158: {  	[spmem:s1] =	stream.indirect.scatter.add.f32 [tilespmem:s13], [sflag:$0x3], $0x80, s9, s12, $0xb8;
	[tilespmem:$0x1CC00] =	vst v63  }
0x159: {  	_ =	swait.ge [sflag:s10], $0x4000  }
0x15a: {  	[sflag:s10] =	ssyncset.done $0x0  }
0x15b: {  	s7 =	rddreg [dreg:$0x9];
	[sflag:s10] =	ssyncadd.s32 $0xFFFFC000  }
0x15c: {  	[tilespmem:s13], [sflag:$0x1] =	stream.indirect.gather [hbm4b:s4+s12], $0x80, s7, s12, $0xb8;
	[tilespmem:$0x1CC00] =	vst v63  }
0x15d: {  	_ =	swait.ge [sflag:s16], $0x4000  }
0x15e: {  	[sflag:s16] =	ssyncset.done $0x0  }
0x15f: {  	s8 =	rddreg [dreg:$0xa];
	[sflag:s16] =	ssyncadd.s32 $0xFFFFC000  }
0x160: {  	[spmem:s1] =	stream.indirect.scatter.add.f32 [tilespmem:s14], [sflag:$0x3], $0x80, s8, s12, $0xb8;
	[tilespmem:$0x1CC00] =	vst v63  }
0x161: {  	_ =	swait.ge [sflag:s10], $0x4000  }
0x162: {  	[sflag:s10] =	ssyncset.done $0x0  }
0x163: {  	s9 =	rddreg [dreg:$0xb];
	[sflag:s10] =	ssyncadd.s32 $0xFFFFC000  }
0x164: {  	[tilespmem:s14], [sflag:$0x2] =	stream.indirect.gather [hbm4b:s4+s12], $0x80, s9, s12, $0xb8;
	[tilespmem:$0x1CC00] =	vst v63  }
0x165: {  	_ =	swait.ge [sflag:s15], $0x4000  }
0x166: {  	[sflag:s15] =	ssyncset.done $0x0  }
0x167: {  	s7 =	rddreg [dreg:$0xc];
	[sflag:s15] =	ssyncadd.s32 $0xFFFFC000  }
0x168: {  	[spmem:s1] =	stream.indirect.scatter.add.f32 [tilespmem:s13], [sflag:$0x3], $0x80, s7, s12, $0xb8;
	[tilespmem:$0x1CC00] =	vst v63  }
0x169: {  	_ =	swait.ge [sflag:s10], $0x4000  }
0x16a: {  	[sflag:s10] =	ssyncset.done $0x0  }
0x16b: {  	s8 =	rddreg [dreg:$0xd];
	[sflag:s10] =	ssyncadd.s32 $0xFFFFC000  }
0x16c: {  	[tilespmem:s13], [sflag:$0x1] =	stream.indirect.gather [hbm4b:s4+s12], $0x80, s8, s12, $0xb8;
	[tilespmem:$0x1CC00] =	vst v63  }
0x16d: {  	_ =	swait.ge [sflag:s16], $0x4000  }
0x16e: {  	[sflag:s16] =	ssyncset.done $0x0  }
0x16f: {  	s9 =	rddreg [dreg:$0xe];
	[sflag:s16] =	ssyncadd.s32 $0xFFFFC000  }
0x170: {  	[spmem:s1] =	stream.indirect.scatter.add.f32 [tilespmem:s14], [sflag:$0x3], $0x80, s9, s12, $0xb8;
	[tilespmem:$0x1CC00] =	vst v63  }
0x171: {  	_ =	swait.ge [sflag:s10], $0x4000  }
0x172: {  	[sflag:s10] =	ssyncset.done $0x0  }
0x173: {  	s7 =	rddreg [dreg:$0xf];
	[sflag:s10] =	ssyncadd.s32 $0xFFFFC000  }
0x174: {  	[tilespmem:s14], [sflag:$0x2] =	stream.indirect.gather [hbm4b:s4+s12], $0x80, s7, s12, $0xb8;
	[tilespmem:$0x1CC00] =	vst v63  }
0x175: {  	_ =	swait.ge [sflag:s15], $0x4000  }
0x176: {  	[sflag:s15] =	ssyncset.done $0x0  }
0x177: {  	s8 =	rddreg [dreg:$0x10];
	[sflag:s15] =	ssyncadd.s32 $0xFFFFC000  }
0x178: {  	[spmem:s1] =	stream.indirect.scatter.add.f32 [tilespmem:s13], [sflag:$0x3], $0x80, s8, s12, $0xb8;
	[tilespmem:$0x1CC00] =	vst v63  }
0x179: {  	_ =	swait.ge [sflag:s10], $0x4000  }
0x17a: {  	[sflag:s10] =	ssyncset.done $0x0  }
0x17b: {  	[sflag:s10] =	ssyncadd.s32 $0xFFFFC000  }
0x17c: {  	[tilespmem:s13], [sflag:$0x1] =	stream.indirect.gather [hbm4b:s4+s12], $0x80, s17, s12, $0xb8;
	[tilespmem:$0x1CC00] =	vst v63  }
0x17d: {  	_ =	swait.ge [sflag:s16], $0x4000  }
0x17e: {  	[sflag:s16] =	ssyncset.done $0x0  }
0x17f: {  	[sflag:s16] =	ssyncadd.s32 $0xFFFFC000  }
0x180: {  	[spmem:s1] =	stream.indirect.scatter.add.f32 [tilespmem:s14], [sflag:$0x3], $0x80, s18, s12, $0xb8;
	[tilespmem:$0x1CC00] =	vst v63  }
0x181: {  	_ =	swait.ge [sflag:s10], $0x4000  }
0x182: {  	[sflag:s10] =	ssyncset.done $0x0  }
0x183: {  	[sflag:s10] =	ssyncadd.s32 $0xFFFFC000  }
0x184: {  	[tilespmem:s14], [sflag:$0x2] =	stream.indirect.gather [hbm4b:s4+s12], $0x80, s19, s12, $0xb8;
	[tilespmem:$0x1CC00] =	vst v63  }
0x185: {  	_ =	swait.ge [sflag:s15], $0x4000  }
0x186: {  	[sflag:s15] =	ssyncset.done $0x0  }
0x187: {  	[sflag:s15] =	ssyncadd.s32 $0xFFFFC000  }
0x188: {  	[spmem:s1] =	stream.indirect.scatter.add.f32 [tilespmem:s13], [sflag:$0x3], $0x80, s20, s12, $0xb8;
	[tilespmem:$0x1CC00] =	vst v63  }
0x189: {  	_ =	swait.ge [sflag:s10], $0x4000  }
0x18a: {  	[sflag:s10] =	ssyncset.done $0x0  }
0x18b: {  	[sflag:s10] =	ssyncadd.s32 $0xFFFFC000  }
0x18c: {  	[tilespmem:s13], [sflag:$0x1] =	stream.indirect.gather [hbm4b:s4+s12], $0x80, s21, s12, $0xb8;
	[tilespmem:$0x1CC00] =	vst v63  }
0x18d: {  	_ =	swait.ge [sflag:s16], $0x4000  }
0x18e: {  	[sflag:s16] =	ssyncset.done $0x0  }
0x18f: {  	[sflag:s16] =	ssyncadd.s32 $0xFFFFC000  }
0x190: {  	[spmem:s1] =	stream.indirect.scatter.add.f32 [tilespmem:s14], [sflag:$0x3], $0x80, s22, s12, $0xb8;
	[tilespmem:$0x1CC00] =	vst v63  }
0x191: {  	_ =	swait.ge [sflag:s10], $0x4000  }
0x192: {  	[sflag:s10] =	ssyncset.done $0x0  }
0x193: {  	[sflag:s10] =	ssyncadd.s32 $0xFFFFC000  }
0x194: {  	[tilespmem:s14], [sflag:$0x2] =	stream.indirect.gather [hbm4b:s4+s12], $0x80, s23, s12, $0xb8;
	[tilespmem:$0x1CC00] =	vst v63  }
0x195: {  	_ =	swait.ge [sflag:s15], $0x4000  }
0x196: {  	[sflag:s15] =	ssyncset.done $0x0  }
0x197: {  	[sflag:s15] =	ssyncadd.s32 $0xFFFFC000  }
0x198: {  	[spmem:s1] =	stream.indirect.scatter.add.f32 [tilespmem:s13], [sflag:$0x3], $0x80, s24, s12, $0xb8;
	[tilespmem:$0x1CC00] =	vst v63  }
0x199: {  	_ =	swait.ge [sflag:s10], $0x4000  }
0x19a: {  	[sflag:s10] =	ssyncset.done $0x0  }
0x19b: {  	[sflag:s10] =	ssyncadd.s32 $0xFFFFC000  }
0x19c: {  	[tilespmem:s13], [sflag:$0x1] =	stream.indirect.gather [hbm4b:s4+s12], $0x80, s25, s12, $0xb8;
	[tilespmem:$0x1CC00] =	vst v63  }
0x19d: {  	_ =	swait.ge [sflag:s16], $0x4000  }
0x19e: {  	[sflag:s16] =	ssyncset.done $0x0  }
0x19f: {  	[sflag:s16] =	ssyncadd.s32 $0xFFFFC000  }
0x1a0: {  	[spmem:s1] =	stream.indirect.scatter.add.f32 [tilespmem:s14], [sflag:$0x3], $0x80, s26, s12, $0xb8;
	[tilespmem:$0x1CC00] =	vst v63  }
0x1a1: {  	_ =	swait.ge [sflag:s10], $0x4000  }
0x1a2: {  	[sflag:s10] =	ssyncset.done $0x0  }
0x1a3: {  	[sflag:s10] =	ssyncadd.s32 $0xFFFFC000  }
0x1a4: {  	[tilespmem:s14], [sflag:$0x2] =	stream.indirect.gather [hbm4b:s4+s12], $0x80, s28, s12, $0xb8;
	[tilespmem:$0x1CC00] =	vst v63  }
0x1a5: {  	_ =	swait.ge [sflag:s15], $0x4000  }
0x1a6: {  	[sflag:s15] =	ssyncset.done $0x0  }
0x1a7: {  	[sflag:s15] =	ssyncadd.s32 $0xFFFFC000  }
0x1a8: {  	[spmem:s1] =	stream.indirect.scatter.add.f32 [tilespmem:s13], [sflag:$0x3], $0x80, s29, s12, $0xb8;
	[tilespmem:$0x1CC00] =	vst v63  }
0x1a9: {  	_ =	swait.ge [sflag:s10], $0x4000  }
0x1aa: {  	[sflag:s10] =	ssyncset.done $0x0  }
0x1ab: {  	[sflag:s10] =	ssyncadd.s32 $0xFFFFC000  }
0x1ac: {  	[tilespmem:s13], [sflag:$0x1] =	stream.indirect.gather [hbm4b:s4+s12], $0x80, s30, s12, $0xb8;
	[tilespmem:$0x1CC00] =	vst v63  }
0x1ad: {  	_ =	swait.ge [sflag:s16], $0x4000  }
0x1ae: {  	[sflag:s16] =	ssyncset.done $0x0  }
0x1af: {  	[sflag:s16] =	ssyncadd.s32 $0xFFFFC000  }
0x1b0: {  	[spmem:s1] =	stream.indirect.scatter.add.f32 [tilespmem:s14], [sflag:$0x3], $0x80, s31, s12, $0xb8;
	[tilespmem:$0x1CC00] =	vst v63  }
0x1b1: {  	_ =	swait.ge [sflag:s10], $0x4000  }
0x1b2: {  	[sflag:s10] =	ssyncset.done $0x0  }
0x1b3: {  	[sflag:s10] =	ssyncadd.s32 $0xFFFFC000  }
0x1b4: {  	[tilespmem:s14], [sflag:$0x2] =	stream.indirect.gather [hbm4b:s4+s12], $0x80, s0, s12, $0xb8;
	[tilespmem:$0x1CC00] =	vst v63  }
0x1b5: {  	_ =	swait.ge [sflag:s15], $0x4000  }
0x1b6: {  	[sflag:s15] =	ssyncset.done $0x0  }
0x1b7: {  	[sflag:s15] =	ssyncadd.s32 $0xFFFFC000  }
0x1b8: {  	[spmem:s1] =	stream.indirect.scatter.add.f32 [tilespmem:s13], [sflag:$0x3], $0x80, s2, s12, $0xb8;
	[tilespmem:$0x1CC00] =	vst v63  }
0x1b9: {  	_ =	swait.ge [sflag:s10], $0x4000  }
0x1ba: {  	[sflag:s10] =	ssyncset.done $0x0  }
0x1bb: {  	[sflag:s10] =	ssyncadd.s32 $0xFFFFC000  }
0x1bc: {  	_ =	swait.ge [sflag:s16], $0x4000  }
0x1bd: {  	[sflag:s16] =	ssyncset.done $0x0  }
0x1be: {  	[sflag:s16] =	ssyncadd.s32 $0xFFFFC000  }
0x1bf: {  	[spmem:s1] =	stream.indirect.scatter.add.f32 [tilespmem:s14], [sflag:$0x3], $0x80, s5, s12, $0xb8;
	[tilespmem:$0x1CC00] =	vst v63  }
0x1c0: {  	_ =	swait.ge [sflag:s10], $0x4000  }
0x1c1: {  	[sflag:s10] =	ssyncset.done $0x0  }
0x1c2: {  	[sflag:s10] =	ssyncadd.s32 $0xFFFFC000  }
0x1c3: {  	[bflag:$0x0] =	sbarrier.arrive $0xFFFF  }
0x1c4: {  	s8 =	rddreg [dreg:$0x12]  }
0x1c5: {  	s9 =	rddreg [dreg:$0x14]  }
0x1c6: {  	s7 =	rddreg [dreg:$0x15]  }
0x1c7: {  	[hbm:s9], [sflag:s8] =	dma.local [spmem:s7], $0x2780  }
0x1c8: {  	_ =	swait.ge [sflag:s10], $0x2780  }
0x1c9: {  	s6 =	rddreg [dreg:$0x16]  }
0x1ca: {  	s9 =	sadd.s32 $0x1, s6;
	s6 =	rddreg [dreg:$0x13]  }
0x1cb: {  	p0 =	sne.s32 s9, s6  }
.Ltmp1:
0x1cc: {  	_ = 	snop;
	(pc) =	sbr.rel @p0 .LBB2_1-.Ltmp1, $3  }
0x1cd: {  	_ =	sdelay $0x1  }
0x1ce: {  	[sflag:s10] =	ssyncset.done $0x0  }
0x1cf: {  	[sflag:s10] =	ssyncadd.s32 $0xFFFFD880  }
0x1d0: {  	_ =	sfence.sel $0x180000  }
0x1d1: {  	[bflag:$0x0] =	sbarrier.arrive $0xFFFF  }
0x1d2: {  	_ =	strace $0x90000050  }
0x1d3: {  	s0 =	stileid.u32;
	[bflag:$0x2] =	sbarrier.arrive $0xFFFF  }
0x1d4: {  	p0 =	sne.s32 s0, $0x0;
	s0 =	rddreg [dreg:$0x2]  }
0x1d5: {  	s0 =	sadd.s32 @!p0 $0x100000, s0  }
0x1d6: {  	[sflag:s0] =	ssyncadd.tile.s32 @!p0 $0x1;
	_ =	shalt  }
.Lfunc_end2:
_tile_overlayer_lowered:
.L_overlay_start_2:
0x1d7: {  	(tag) =	ssettag $0x2  }
0x1d8: {  	s0 =	rddreg [dreg:$0x0];
	s2 =	stileid.u32  }
0x1d9: {  	s1 =	rddreg [dreg:$0x1];
	p0 =	sne.s32 s2, $0x0  }
0x1da: {  	s3 =	rddreg [dreg:$0x2];
	[bflag:$0x3] =	sbarrier.arrive $0xFFFF;
	s2 =	simm.s32 @!p0 $0x1C03  }
0x1db: {  	[timem:s3], [sflag:s2] =	dma.local @!p0 [hbm:s0], s1  }
0x1dc: {  	s0 =	simm.s32 @!p0 $0x3  }
0x1dd: {  	_ =	swait.ge @!p0 [sflag:s0], s1  }
0x1de: {  	s1 =	ssub.s32 @!p0 $0x0, s1;
	[sflag:s0] =	ssyncset.done @!p0 $0x0  }
0x1df: {  	[sflag:s0] =	ssyncadd.s32 @!p0 s1  }
0x1e0: {  	[bflag:$0x3] =	sbarrier.arrive $0xFFFF  }
0x1e1: {  	_ =	shalt  }

</sc_bundles>
